<compile_context>
chip_gen: v7x
topology: tpu7x:2x2x1
jax: 0.10.2.dev20260603
libtpu: 0.0.44.dev20260713+nightly
codegen_flags: <defaults>
</compile_context>

<pallas_src>
import functools

import jax
import jax.numpy as jnp
from jax import lax
from jax.experimental import pallas as pl
from jax.experimental.pallas import tpu as pltpu
from jax.experimental.pallas import tpu_sc as plsc

_B, _N, _NNB = 2, 10000, 16
_DPRE, _DSURF, _H = 1280, 16, 128
_DEPTH = 3
_ROWS = _B * _N

_BM = 1000
_GRID = _ROWS // _BM

_NC, _NS = 2, 16
_NW = _NC * _NS
_CHUNK = 8
_EDG = _CHUNK * _NNB
_NCHUNK = _ROWS // _CHUNK
_CPW = 80
_TOTCH = _CPW * _NW
_IPAD = _TOTCH * _EDG - _B * _N * _NNB


def _leaky(x):
    return jnp.where(x >= 0, x, 0.1 * x)


def _relu(x):
    return jnp.maximum(x, 0.0)


def _dot(a, b):
    return jnp.dot(a, b, preferred_element_type=jnp.float32)


def _emb_body(x_ref, sf_ref, g_ref,
              pw1, pb1, pw2, pb2, sw1, sb1, sw2, sb2, ew, eb,
              wa0, ba0, wa1, ba1, wa2, ba2, wb0,
              h0_o, s_o, ep0_o, ep1_o, ep2_o, hp0_o):
    h = _leaky(_dot(x_ref[...], pw1[...]) + pb1[...])
    h = _leaky(_dot(h, pw2[...]) + pb2[...])
    h0_o[...] = h
    hp0_o[...] = _dot(h, wb0[...])
    s = _leaky(_dot(sf_ref[...], sw1[...]) + sb1[...])
    s_o[...] = _dot(s, sw2[...]) + sb2[...]
    e = _dot(g_ref[...], ew[...]) + eb[...]
    ep0_o[...] = _dot(e, wa0[...]) + ba0[...]
    ep1_o[...] = _dot(e, wa1[...]) + ba1[...]
    ep2_o[...] = _dot(e, wa2[...]) + ba2[...]


def _row_spec(width):
    return pl.BlockSpec((_BM, width), lambda i: (i, 0))


def _full_spec(a):
    nd = a.ndim
    return pl.BlockSpec(a.shape, lambda i: (0,) * nd)


def _emb_call(x, sf, g, weights):
    outs = [
        jax.ShapeDtypeStruct((_ROWS, _H), jnp.float32),
        jax.ShapeDtypeStruct((_ROWS, 32), jnp.float32),
        jax.ShapeDtypeStruct((_ROWS, _H), jnp.float32),
        jax.ShapeDtypeStruct((_ROWS, _H), jnp.float32),
        jax.ShapeDtypeStruct((_ROWS, _H), jnp.float32),
        jax.ShapeDtypeStruct((_ROWS, _H), jnp.float32),
    ]
    in_specs = ([_row_spec(_DPRE), _row_spec(_DSURF), _row_spec(8)]
                + [_full_spec(w) for w in weights])
    out_specs = [_row_spec(_H), _row_spec(32), _row_spec(_H),
                 _row_spec(_H), _row_spec(_H), _row_spec(_H)]
    return pl.pallas_call(
        _emb_body,
        grid=(_GRID,),
        in_specs=in_specs,
        out_specs=out_specs,
        out_shape=outs,
    )(x, sf, g, *weights)


def _upd_body(h_ref, m_ref, w1, w2, b, wbn, ho_o, hp_o):
    h = h_ref[...]
    t = _relu(m_ref[...])
    hn = _relu(_dot(h, w1[...]) + _dot(t, w2[...]) + b[...])
    ho = h + hn
    ho_o[...] = ho
    hp_o[...] = _dot(ho, wbn[...])


def _upd_call(h, m, w1, w2, b, wbn):
    outs = [jax.ShapeDtypeStruct((_ROWS, _H), jnp.float32)] * 2
    ws = [w1, w2, b, wbn]
    return pl.pallas_call(
        _upd_body,
        grid=(_GRID,),
        in_specs=[_row_spec(_H), _row_spec(_H)] + [_full_spec(w) for w in ws],
        out_specs=[_row_spec(_H), _row_spec(_H)],
        out_shape=outs,
    )(h, m, *ws)


def _fin_body(h_ref, m_ref, h0_ref, s_ref,
              w1, w2, b, f1a, f1b, fb1, f2, fb2, out_o):
    h = h_ref[...]
    t = _relu(m_ref[...])
    hn = _relu(_dot(h, w1[...]) + _dot(t, w2[...]) + b[...])
    hh = h + hn + h0_ref[...]
    u = _leaky(_dot(hh, f1a[...]) + _dot(s_ref[...], f1b[...]) + fb1[...])
    out_o[...] = _leaky(_dot(u, f2[...]) + fb2[...])


def _fin_call(h, m, h0, s, w1, w2, b, f1a, f1b, fb1, f2, fb2):
    ws = [w1, w2, b, f1a, f1b, fb1, f2, fb2]
    return pl.pallas_call(
        _fin_body,
        grid=(_GRID,),
        in_specs=[_row_spec(_H)] * 3 + [_row_spec(32)]
                 + [_full_spec(w) for w in ws],
        out_specs=[_row_spec(_H)],
        out_shape=[jax.ShapeDtypeStruct((_ROWS, _H), jnp.float32)],
    )(h, m, h0, s, *ws)[0]


def _msg_body(hp_hbm, ep_hbm, ai_hbm, bi_hbm, msg_hbm,
              ai_v, bi_v, ra0, rb0, out_v, sa0, sb0):
    cid = lax.axis_index("c")
    sid = lax.axis_index("s")
    wid = sid * _NC + cid

    n_chunks = (_NCHUNK - wid + _NW - 1) // _NW

    def chunk_body(c, carry):
        ch = wid + c * _NW
        nb = ch * _CHUNK
        eb = nb * _NNB
        pltpu.sync_copy(ai_hbm.at[pl.ds(eb, _EDG)], ai_v)
        pltpu.sync_copy(bi_hbm.at[pl.ds(eb, _EDG)], bi_v)
        ca = pltpu.async_copy(hp_hbm.at[ai_v], ra0, sa0)
        cb = pltpu.async_copy(ep_hbm.at[bi_v], rb0, sb0)
        ca.wait()
        cb.wait()

        def node_body(n, c2):
            def grp_body(g, c3):
                col = g * 16
                acc = jnp.zeros((16,), jnp.float32)
                for j in range(_NNB):
                    r = n * _NNB + j
                    acc = acc + jnp.maximum(
                        ra0[r, pl.ds(col, 16)] + rb0[r, pl.ds(col, 16)], 0.0)
                out_v[n, pl.ds(col, 16)] = acc
                return c3

            return lax.fori_loop(0, _H // 16, grp_body, c2)

        lax.fori_loop(0, _CHUNK, node_body, 0)
        pltpu.sync_copy(out_v, msg_hbm.at[pl.ds(nb, _CHUNK)])
        return carry

    lax.fori_loop(0, n_chunks, chunk_body, 0)


@functools.cache
def _get_msg_call():
    return functools.partial(
        pl.kernel,
        mesh=plsc.VectorSubcoreMesh(core_axis_name="c", subcore_axis_name="s"),
        out_type=jax.ShapeDtypeStruct((_ROWS, _H), jnp.float32),
        scratch_types=[
            pltpu.VMEM((_EDG,), jnp.int32),
            pltpu.VMEM((_EDG,), jnp.int32),
            pltpu.VMEM((_EDG, _H), jnp.float32),
            pltpu.VMEM((_EDG, _H), jnp.float32),
            pltpu.VMEM((_CHUNK, _H), jnp.float32),
            pltpu.SemaphoreType.DMA,
            pltpu.SemaphoreType.DMA,
        ],
    )(_msg_body)


def kernel(p_pretrained_fea, p_surface_fea, p_edge_fea, atom_nb, bond_nb,
           nbs_mask, pe_W1, pe_b1, pe_W2, pe_b2, se_W1, se_b1, se_W2, se_b2,
           ee_W, ee_b, fe_W1, fe_b1, fe_W2, fe_b2, Wg_W, Wg_b, Wga_W, Wga_b):
    del nbs_mask

    x = p_pretrained_fea.reshape(_ROWS, _DPRE)
    sf = p_surface_fea.reshape(_ROWS, _DSURF)
    g = p_edge_fea.reshape(_ROWS, 8)

    offs = (jnp.arange(_B, dtype=jnp.int32) * _N)[:, None, None]
    ai = (atom_nb + offs).reshape(-1)
    bi = (bond_nb + offs).reshape(-1)

    r1 = lambda v: v.reshape(1, -1)
    wa = [Wga_W[d, :32, :] for d in range(_DEPTH)]
    wb = [Wga_W[d, 32:, :] for d in range(_DEPTH)]
    ba = [r1(Wga_b[d]) for d in range(_DEPTH)]
    wg1 = [Wg_W[d, :_H, :] for d in range(_DEPTH)]
    wg2 = [Wg_W[d, _H:, :] for d in range(_DEPTH)]
    gb = [r1(Wg_b[d]) for d in range(_DEPTH)]

    emb_weights = [pe_W1, r1(pe_b1), pe_W2, r1(pe_b2),
                   se_W1, r1(se_b1), se_W2, r1(se_b2), ee_W, r1(ee_b),
                   wa[0], ba[0], wa[1], ba[1], wa[2], ba[2], wb[0]]
    h0, s, ep0, ep1, ep2, hp = _emb_call(x, sf, g, emb_weights)
    eps = [ep0, ep1, ep2]

    h = h0
    for d in range(_DEPTH):
        msg = _get_msg_call()(hp, eps[d], ai, bi)
        if d < _DEPTH - 1:
            h, hp = _upd_call(h, msg, wg1[d], wg2[d], gb[d], wb[d + 1])
        else:
            out = _fin_call(h, msg, h0, s, wg1[d], wg2[d], gb[d],
                            fe_W1[:_H, :], fe_W1[_H:, :], r1(fe_b1),
                            fe_W2, r1(fe_b2))
    return out.reshape(_B, _N, _H)

# --- scband reference (transcript-rebuilt; emitter-appended) ---
"""Pipeline reference for scband-pocket-gnn-20761871909532 (READ-ONLY COPY).

The authoritative reference and input builder live on the scoring server;
editing this copy changes nothing except your own understanding.
"""

import jax, jax.numpy as jnp
import numpy as np

B, N, NNB = 2, 10000, 16
DPRE, DSURF, H, DEPTH = 1280, 16, 128, 3


def _lin(k, fin, fout):
    kw, kb = jax.random.split(k)
    W = jax.random.normal(kw, (fin, fout), dtype=jnp.float32) * (1.0 / np.sqrt(fin))
    b = jnp.zeros((fout,), dtype=jnp.float32)
    return W, b


def setup_inputs(seed: int = 0):
    key = jax.random.key(seed)
    ks = jax.random.split(key, 20)
    inp = {}
    inp['p_pretrained_fea'] = jax.random.normal(ks[0], (B, N, DPRE), dtype=jnp.float32)
    inp['p_surface_fea'] = jax.random.normal(ks[1], (B, N, DSURF), dtype=jnp.float32)
    inp['p_edge_fea'] = jax.random.normal(ks[2], (B, N, 8), dtype=jnp.float32)
    inp['atom_nb'] = jax.random.randint(ks[3], (B, N, NNB), 0, N, dtype=jnp.int32)
    inp['bond_nb'] = jax.random.randint(ks[4], (B, N, NNB), 0, N, dtype=jnp.int32)
    inp['nbs_mask'] = jnp.ones((B, N, NNB), dtype=jnp.float32)
    inp['pe_W1'], inp['pe_b1'] = _lin(ks[5], DPRE, H)
    inp['pe_W2'], inp['pe_b2'] = _lin(ks[6], H, H)
    inp['se_W1'], inp['se_b1'] = _lin(ks[7], DSURF, 32)
    inp['se_W2'], inp['se_b2'] = _lin(ks[8], 32, 32)
    inp['ee_W'], inp['ee_b'] = _lin(ks[9], 8, 32)
    inp['fe_W1'], inp['fe_b1'] = _lin(ks[10], 32 + H, H)
    inp['fe_W2'], inp['fe_b2'] = _lin(ks[11], H, H)
    Wg_W, Wg_b, Wga_W, Wga_b = [], [], [], []
    for d in range(DEPTH):
        w, b = _lin(ks[12 + d], 2 * H, H)
        Wg_W.append(w); Wg_b.append(b)
        w2, b2 = _lin(ks[15 + d], H + 32, H)
        Wga_W.append(w2); Wga_b.append(b2)
    inp['Wg_W'] = jnp.stack(Wg_W); inp['Wg_b'] = jnp.stack(Wg_b)
    inp['Wga_W'] = jnp.stack(Wga_W); inp['Wga_b'] = jnp.stack(Wga_b)
    return inp


def _leaky(x):
    return jax.nn.leaky_relu(x, 0.1)


def reference(p_pretrained_fea, p_surface_fea, p_edge_fea, atom_nb, bond_nb, nbs_mask,
              pe_W1, pe_b1, pe_W2, pe_b2, se_W1, se_b1, se_W2, se_b2, ee_W, ee_b,
              fe_W1, fe_b1, fe_W2, fe_b2, Wg_W, Wg_b, Wga_W, Wga_b):
    # pretrained embedding MLP (dropout is identity at inference)
    h0 = _leaky(p_pretrained_fea @ pe_W1 + pe_b1)
    h0 = _leaky(h0 @ pe_W2 + pe_b2)
    # surface embedding
    s = _leaky(p_surface_fea @ se_W1 + se_b1)
    s = s @ se_W2 + se_b2
    # edge embedding (8 -> 32)
    e = p_edge_fea @ ee_W + ee_b
    h = h0
    initial_h = h0
    Bb, Nn, F_ = h.shape
    nnb = atom_nb.shape[2]
    mask = nbs_mask.reshape(Bb, Nn, nnb, 1)
    for d in range(DEPTH):
        # gather neighbor node features: h.gather over residue dim
        nei_idx = atom_nb.reshape(Bb, Nn * nnb)
        nei = jnp.take_along_axis(h, nei_idx[:, :, None], axis=1).reshape(Bb, Nn, nnb, F_)
        # gather neighbor edge features
        bnd_idx = bond_nb.reshape(Bb, Nn * nnb)
        edge_nei = jnp.take_along_axis(e, bnd_idx[:, :, None], axis=1).reshape(Bb, Nn, nnb, 32)
        l_nei = jnp.concatenate([edge_nei, nei], axis=-1)
        ver_nei = jax.nn.relu(l_nei @ Wga_W[d] + Wga_b[d])
        messages = jnp.sum(ver_nei * mask, axis=2)
        t = jax.nn.relu(messages)
        h_new = jax.nn.relu(jnp.concatenate([h, t], axis=-1) @ Wg_W[d] + Wg_b[d])
        h = h + h_new
    h = h + initial_h
    h = jnp.concatenate([h, s], axis=-1)
    h = _leaky(h @ fe_W1 + fe_b1)
    h = _leaky(h @ fe_W2 + fe_b2)
    return h

if __name__ == "__main__":
    import jax
    _d = setup_inputs()
    print(jax.jit(kernel)(*tuple(_d.values())))

</pallas_src>

<mosaic_0001>
#map = affine_map<(d0, d1) -> (0, 0)>
#map1 = affine_map<(d0, d1) -> (0)>
module attributes {stable_mosaic.version = 14 : i64} {
  func.func @_msg_body(%arg0: i32, %arg1: i32, %arg2: memref<20000x128xf32, #tpu.memory_space<hbm>>, %arg3: memref<20000x128xf32, #tpu.memory_space<hbm>>, %arg4: memref<320000xi32, #tpu.memory_space<hbm>>, %arg5: memref<320000xi32, #tpu.memory_space<hbm>>, %arg6: memref<20000x128xf32, #tpu.memory_space<hbm>>, %arg7: memref<128xi32, #tpu.memory_space<vmem>>, %arg8: memref<128xi32, #tpu.memory_space<vmem>>, %arg9: memref<128x128xf32, #tpu.memory_space<vmem>>, %arg10: memref<128x128xf32, #tpu.memory_space<vmem>>, %arg11: memref<8x128xf32, #tpu.memory_space<vmem>>, %arg12: memref<!tpu.dma_semaphore, #tpu.memory_space<semaphore_mem>>, %arg13: memref<!tpu.dma_semaphore, #tpu.memory_space<semaphore_mem>>) attributes {dimension_semantics = [#tpu.dimension_semantics<core_parallel>, #tpu.dimension_semantics<subcore_parallel>], iteration_bounds = array<i64: 2, 16>, scalar_prefetch = 0 : i64, scratch_operands = 7 : i64, tpu.core_type = #tpu.core_type<sc_vector_subcore>, window_params = [{transform_indices = #map}, {transform_indices = #map}, {transform_indices = #map1}, {transform_indices = #map1}, {transform_indices = #map}]} {
    %mul3A = arith.constant 2 : i32
    %mul3A_0 = arith.muli %arg1, %mul3A : i32
    %add3A = arith.addi %mul3A_0, %arg0 : i32
    %sub3A = arith.constant 2500 : i32
    %sub3A_1 = arith.subi %sub3A, %add3A : i32
    %add3A_2 = arith.constant 32 : i32
    %add3A_3 = arith.addi %sub3A_1, %add3A_2 : i32
    %sub3A_4 = arith.constant 1 : i32
    %sub3A_5 = arith.subi %add3A_3, %sub3A_4 : i32
    %jit3A = arith.constant 32 : i32
    %div3A = arith.divsi %sub3A_5, %jit3A : i32
    %sign3A = arith.constant 0 : i32
    %sign3A_6 = arith.cmpi sgt, %sub3A_5, %sign3A : i32
    %sign3A_7 = arith.extui %sign3A_6 : i1 to i32
    %sign3A_8 = arith.constant 0 : i32
    %sign3A_9 = arith.cmpi slt, %sub3A_5, %sign3A_8 : i32
    %sign3A_10 = arith.extui %sign3A_9 : i1 to i32
    %sign3A_11 = arith.subi %sign3A_7, %sign3A_10 : i32
    %sign3A_12 = arith.constant 0 : i32
    %sign3A_13 = arith.cmpi sgt, %jit3A, %sign3A_12 : i32
    %sign3A_14 = arith.extui %sign3A_13 : i1 to i32
    %sign3A_15 = arith.constant 0 : i32
    %sign3A_16 = arith.cmpi slt, %jit3A, %sign3A_15 : i32
    %sign3A_17 = arith.extui %sign3A_16 : i1 to i32
    %sign3A_18 = arith.subi %sign3A_14, %sign3A_17 : i32
    %ne3A = arith.cmpi ne, %sign3A_11, %sign3A_18 : i32
    %rem3A = arith.remsi %sub3A_5, %jit3A : i32
    %ne3A_19 = arith.constant 0 : i32
    %ne3A_20 = arith.cmpi ne, %rem3A, %ne3A_19 : i32
    %and3A = arith.andi %ne3A, %ne3A_20 : i1
    %sub3A_21 = arith.constant 1 : i32
    %sub3A_22 = arith.subi %div3A, %sub3A_21 : i32
    %select_n3A = arith.select %and3A, %sub3A_22, %div3A : i32
    %while3A = arith.constant 0 : i32
    %while3A_23 = arith.constant 0 : i32
    %while3A_24 = arith.subi %select_n3A, %while3A_23 : i32
    %while3A_25 = arith.addi %while3A_23, %while3A_24 : i32
    %while3A_26 = arith.constant 1 : i32
    %while3A_27 = arith.divsi %while3A_24, %while3A_26 : i32
    %while3A_28 = arith.muli %while3A_27, %while3A_26 : i32
    %while3A_29 = arith.addi %while3A_23, %while3A_28 : i32
    %while3A_30 = arith.constant 1 : i32
    scf.for %while3A_32 = %while3A_23 to %while3A_29 step %while3A_30  : i32 {
      %mul3A_33 = arith.constant 32 : i32
      %mul3A_34 = arith.muli %while3A_32, %mul3A_33 : i32
      %add3A_35 = arith.addi %add3A, %mul3A_34 : i32
      %mul3A_36 = arith.constant 8 : i32
      %mul3A_37 = arith.muli %add3A_35, %mul3A_36 : i32
      %mul3A_38 = arith.constant 16 : i32
      %mul3A_39 = arith.muli %mul3A_37, %mul3A_38 : i32
      "tpu.region"() ({
        %run_scoped3A = tpu.sem_alloc : memref<!tpu.dma_semaphore, #tpu.memory_space<semaphore_mem>>
        %dma_start3A_55 = tpu.memref_slice %arg4[%mul3A_39] : memref<320000xi32, #tpu.memory_space<hbm>> -> memref<128xi32, #tpu.memory_space<hbm>>
        %dma_start3A_56 = tpu.memref_slice %arg4[%mul3A_39] : memref<320000xi32, #tpu.memory_space<hbm>> -> memref<128xi32, #tpu.memory_space<hbm>>
        tpu.enqueue_dma source(%dma_start3A_56 : memref<128xi32, #tpu.memory_space<hbm>>) target(%arg7 : memref<128xi32, #tpu.memory_space<vmem>>) target_semaphore(%run_scoped3A : memref<!tpu.dma_semaphore, #tpu.memory_space<semaphore_mem>>)
        %dma_wait3A_57 = tpu.memref_slice %arg4[%mul3A_39] : memref<320000xi32, #tpu.memory_space<hbm>> -> memref<128xi32, #tpu.memory_space<hbm>>
        %dma_wait3A_58 = tpu.memref_slice %arg4[%mul3A_39] : memref<320000xi32, #tpu.memory_space<hbm>> -> memref<128xi32, #tpu.memory_space<hbm>>
        tpu.wait_dma2 semaphore(%run_scoped3A : memref<!tpu.dma_semaphore, #tpu.memory_space<semaphore_mem>>) src(%dma_wait3A_58 : memref<128xi32, #tpu.memory_space<hbm>>) dst(%arg7 : memref<128xi32, #tpu.memory_space<vmem>>)
        tpu.yield
      }) : () -> ()
      "tpu.region"() ({
        %run_scoped3A = tpu.sem_alloc : memref<!tpu.dma_semaphore, #tpu.memory_space<semaphore_mem>>
        %dma_start3A_55 = tpu.memref_slice %arg5[%mul3A_39] : memref<320000xi32, #tpu.memory_space<hbm>> -> memref<128xi32, #tpu.memory_space<hbm>>
        %dma_start3A_56 = tpu.memref_slice %arg5[%mul3A_39] : memref<320000xi32, #tpu.memory_space<hbm>> -> memref<128xi32, #tpu.memory_space<hbm>>
        tpu.enqueue_dma source(%dma_start3A_56 : memref<128xi32, #tpu.memory_space<hbm>>) target(%arg8 : memref<128xi32, #tpu.memory_space<vmem>>) target_semaphore(%run_scoped3A : memref<!tpu.dma_semaphore, #tpu.memory_space<semaphore_mem>>)
        %dma_wait3A_57 = tpu.memref_slice %arg5[%mul3A_39] : memref<320000xi32, #tpu.memory_space<hbm>> -> memref<128xi32, #tpu.memory_space<hbm>>
        %dma_wait3A_58 = tpu.memref_slice %arg5[%mul3A_39] : memref<320000xi32, #tpu.memory_space<hbm>> -> memref<128xi32, #tpu.memory_space<hbm>>
        tpu.wait_dma2 semaphore(%run_scoped3A : memref<!tpu.dma_semaphore, #tpu.memory_space<semaphore_mem>>) src(%dma_wait3A_58 : memref<128xi32, #tpu.memory_space<hbm>>) dst(%arg8 : memref<128xi32, #tpu.memory_space<vmem>>)
        tpu.yield
      }) : () -> ()
      %dma_start3A = arith.constant 0 : i32
      %dma_start3A_40 = arith.constant 0 : i32
      %dma_start3A_41 = tpu.memref_slice %arg2[%dma_start3A, %dma_start3A_40] : memref<20000x128xf32, #tpu.memory_space<hbm>> -> memref<20000x128xf32, #tpu.memory_space<hbm>>
      tpu.enqueue_indirect_dma source(%dma_start3A_41 : memref<20000x128xf32, #tpu.memory_space<hbm>>) target(%arg9 : memref<128x128xf32, #tpu.memory_space<vmem>>) offsets(%arg7 : memref<128xi32, #tpu.memory_space<vmem>>) semaphore(%arg12 : memref<!tpu.dma_semaphore, #tpu.memory_space<semaphore_mem>>)
      %dma_start3A_42 = arith.constant 0 : i32
      %dma_start3A_43 = arith.constant 0 : i32
      %dma_start3A_44 = tpu.memref_slice %arg3[%dma_start3A_42, %dma_start3A_43] : memref<20000x128xf32, #tpu.memory_space<hbm>> -> memref<20000x128xf32, #tpu.memory_space<hbm>>
      tpu.enqueue_indirect_dma source(%dma_start3A_44 : memref<20000x128xf32, #tpu.memory_space<hbm>>) target(%arg10 : memref<128x128xf32, #tpu.memory_space<vmem>>) offsets(%arg8 : memref<128xi32, #tpu.memory_space<vmem>>) semaphore(%arg13 : memref<!tpu.dma_semaphore, #tpu.memory_space<semaphore_mem>>)
      %dma_wait3A = arith.constant 0 : i32
      %dma_wait3A_45 = arith.constant 0 : i32
      %dma_wait3A_46 = tpu.memref_slice %arg2[%dma_wait3A, %dma_wait3A_45] : memref<20000x128xf32, #tpu.memory_space<hbm>> -> memref<20000x128xf32, #tpu.memory_space<hbm>>
      tpu.wait_indirect_dma semaphore(%arg12 : memref<!tpu.dma_semaphore, #tpu.memory_space<semaphore_mem>>) src(%dma_wait3A_46 : memref<20000x128xf32, #tpu.memory_space<hbm>>) dst(%arg9 : memref<128x128xf32, #tpu.memory_space<vmem>>)
      %dma_wait3A_47 = arith.constant 0 : i32
      %dma_wait3A_48 = arith.constant 0 : i32
      %dma_wait3A_49 = tpu.memref_slice %arg3[%dma_wait3A_47, %dma_wait3A_48] : memref<20000x128xf32, #tpu.memory_space<hbm>> -> memref<20000x128xf32, #tpu.memory_space<hbm>>
      tpu.wait_indirect_dma semaphore(%arg13 : memref<!tpu.dma_semaphore, #tpu.memory_space<semaphore_mem>>) src(%dma_wait3A_49 : memref<20000x128xf32, #tpu.memory_space<hbm>>) dst(%arg10 : memref<128x128xf32, #tpu.memory_space<vmem>>)
      %scan3A = arith.constant 0 : i32
      %scan3A_50 = arith.constant 0 : i32
      %scan3A_51 = arith.constant 8 : i32
      %scan3A_52 = arith.addi %scan3A_50, %scan3A_51 : i32
      %scan3A_53 = arith.constant 1 : i32
      scf.for %scan3A_55 = %scan3A_50 to %scan3A_52 step %scan3A_53  : i32 {
        %scan3A_56 = arith.constant 0 : i32
        %scan3A_57 = arith.constant 8 : i32
        %scan3A_58 = arith.addi %scan3A_56, %scan3A_57 : i32
        %scan3A_59 = arith.constant 1 : i32
        scf.for %scan3A_61 = %scan3A_56 to %scan3A_58 step %scan3A_59  : i32 {
          %mul3A_62 = arith.constant 16 : i32
          %mul3A_63 = arith.muli %scan3A_61, %mul3A_62 : i32
          %broadcast_in_dim3A = arith.constant 0.000000e+00 : f32
          %broadcast_in_dim3A_64 = vector.broadcast %broadcast_in_dim3A : f32 to vector<16xf32>
          %mul3A_65 = arith.constant 16 : i32
          %mul3A_66 = arith.muli %scan3A_55, %mul3A_65 : i32
          %add3A_67 = arith.constant 0 : i32
          %add3A_68 = arith.addi %mul3A_66, %add3A_67 : i32
          %get3A = arith.index_cast %add3A_68 : i32 to index
          %get3A_69 = arith.index_cast %mul3A_63 : i32 to index
          %get3A_70 = tpu.vector_load %arg9[%get3A, %get3A_69] {strides = array<i32>} : memref<128x128xf32, #tpu.memory_space<vmem>>, vector<1x16xf32>,
          %get3A_71 = vector.shape_cast %get3A_70 : vector<1x16xf32> to vector<16xf32>
          %get3A_72 = arith.index_cast %add3A_68 : i32 to index
          %get3A_73 = arith.index_cast %mul3A_63 : i32 to index
          %get3A_74 = tpu.vector_load %arg10[%get3A_72, %get3A_73] {strides = array<i32>} : memref<128x128xf32, #tpu.memory_space<vmem>>, vector<1x16xf32>,
          %get3A_75 = vector.shape_cast %get3A_74 : vector<1x16xf32> to vector<16xf32>
          %add3A_76 = arith.addf %get3A_71, %get3A_75 : vector<16xf32>
          %max3A = arith.constant 0.000000e+00 : f32
          %max3A_77 = vector.broadcast %max3A : f32 to vector<16xf32>
          %max3A_78 = arith.maximumf %add3A_76, %max3A_77 : vector<16xf32>
          %add3A_79 = arith.addf %broadcast_in_dim3A_64, %max3A_78 : vector<16xf32>
          %mul3A_80 = arith.constant 16 : i32
          %mul3A_81 = arith.muli %scan3A_55, %mul3A_80 : i32
          %add3A_82 = arith.constant 1 : i32
          %add3A_83 = arith.addi %mul3A_81, %add3A_82 : i32
          %get3A_84 = arith.index_cast %add3A_83 : i32 to index
          %get3A_85 = arith.index_cast %mul3A_63 : i32 to index
          %get3A_86 = tpu.vector_load %arg9[%get3A_84, %get3A_85] {strides = array<i32>} : memref<128x128xf32, #tpu.memory_space<vmem>>, vector<1x16xf32>,
          %get3A_87 = vector.shape_cast %get3A_86 : vector<1x16xf32> to vector<16xf32>
          %get3A_88 = arith.index_cast %add3A_83 : i32 to index
          %get3A_89 = arith.index_cast %mul3A_63 : i32 to index
          %get3A_90 = tpu.vector_load %arg10[%get3A_88, %get3A_89] {strides = array<i32>} : memref<128x128xf32, #tpu.memory_space<vmem>>, vector<1x16xf32>,
          %get3A_91 = vector.shape_cast %get3A_90 : vector<1x16xf32> to vector<16xf32>
          %add3A_92 = arith.addf %get3A_87, %get3A_91 : vector<16xf32>
          %max3A_93 = arith.constant 0.000000e+00 : f32
          %max3A_94 = vector.broadcast %max3A_93 : f32 to vector<16xf32>
          %max3A_95 = arith.maximumf %add3A_92, %max3A_94 : vector<16xf32>
          %add3A_96 = arith.addf %add3A_79, %max3A_95 : vector<16xf32>
          %mul3A_97 = arith.constant 16 : i32
          %mul3A_98 = arith.muli %scan3A_55, %mul3A_97 : i32
          %add3A_99 = arith.constant 2 : i32
          %add3A_100 = arith.addi %mul3A_98, %add3A_99 : i32
          %get3A_101 = arith.index_cast %add3A_100 : i32 to index
          %get3A_102 = arith.index_cast %mul3A_63 : i32 to index
          %get3A_103 = tpu.vector_load %arg9[%get3A_101, %get3A_102] {strides = array<i32>} : memref<128x128xf32, #tpu.memory_space<vmem>>, vector<1x16xf32>,
          %get3A_104 = vector.shape_cast %get3A_103 : vector<1x16xf32> to vector<16xf32>
          %get3A_105 = arith.index_cast %add3A_100 : i32 to index
          %get3A_106 = arith.index_cast %mul3A_63 : i32 to index
          %get3A_107 = tpu.vector_load %arg10[%get3A_105, %get3A_106] {strides = array<i32>} : memref<128x128xf32, #tpu.memory_space<vmem>>, vector<1x16xf32>,
          %get3A_108 = vector.shape_cast %get3A_107 : vector<1x16xf32> to vector<16xf32>
          %add3A_109 = arith.addf %get3A_104, %get3A_108 : vector<16xf32>
          %max3A_110 = arith.constant 0.000000e+00 : f32
          %max3A_111 = vector.broadcast %max3A_110 : f32 to vector<16xf32>
          %max3A_112 = arith.maximumf %add3A_109, %max3A_111 : vector<16xf32>
          %add3A_113 = arith.addf %add3A_96, %max3A_112 : vector<16xf32>
          %mul3A_114 = arith.constant 16 : i32
          %mul3A_115 = arith.muli %scan3A_55, %mul3A_114 : i32
          %add3A_116 = arith.constant 3 : i32
          %add3A_117 = arith.addi %mul3A_115, %add3A_116 : i32
          %get3A_118 = arith.index_cast %add3A_117 : i32 to index
          %get3A_119 = arith.index_cast %mul3A_63 : i32 to index
          %get3A_120 = tpu.vector_load %arg9[%get3A_118, %get3A_119] {strides = array<i32>} : memref<128x128xf32, #tpu.memory_space<vmem>>, vector<1x16xf32>,
          %get3A_121 = vector.shape_cast %get3A_120 : vector<1x16xf32> to vector<16xf32>
          %get3A_122 = arith.index_cast %add3A_117 : i32 to index
          %get3A_123 = arith.index_cast %mul3A_63 : i32 to index
          %get3A_124 = tpu.vector_load %arg10[%get3A_122, %get3A_123] {strides = array<i32>} : memref<128x128xf32, #tpu.memory_space<vmem>>, vector<1x16xf32>,
          %get3A_125 = vector.shape_cast %get3A_124 : vector<1x16xf32> to vector<16xf32>
          %add3A_126 = arith.addf %get3A_121, %get3A_125 : vector<16xf32>
          %max3A_127 = arith.constant 0.000000e+00 : f32
          %max3A_128 = vector.broadcast %max3A_127 : f32 to vector<16xf32>
          %max3A_129 = arith.maximumf %add3A_126, %max3A_128 : vector<16xf32>
          %add3A_130 = arith.addf %add3A_113, %max3A_129 : vector<16xf32>
          %mul3A_131 = arith.constant 16 : i32
          %mul3A_132 = arith.muli %scan3A_55, %mul3A_131 : i32
          %add3A_133 = arith.constant 4 : i32
          %add3A_134 = arith.addi %mul3A_132, %add3A_133 : i32
          %get3A_135 = arith.index_cast %add3A_134 : i32 to index
          %get3A_136 = arith.index_cast %mul3A_63 : i32 to index
          %get3A_137 = tpu.vector_load %arg9[%get3A_135, %get3A_136] {strides = array<i32>} : memref<128x128xf32, #tpu.memory_space<vmem>>, vector<1x16xf32>,
          %get3A_138 = vector.shape_cast %get3A_137 : vector<1x16xf32> to vector<16xf32>
          %get3A_139 = arith.index_cast %add3A_134 : i32 to index
          %get3A_140 = arith.index_cast %mul3A_63 : i32 to index
          %get3A_141 = tpu.vector_load %arg10[%get3A_139, %get3A_140] {strides = array<i32>} : memref<128x128xf32, #tpu.memory_space<vmem>>, vector<1x16xf32>,
          %get3A_142 = vector.shape_cast %get3A_141 : vector<1x16xf32> to vector<16xf32>
          %add3A_143 = arith.addf %get3A_138, %get3A_142 : vector<16xf32>
          %max3A_144 = arith.constant 0.000000e+00 : f32
          %max3A_145 = vector.broadcast %max3A_144 : f32 to vector<16xf32>
          %max3A_146 = arith.maximumf %add3A_143, %max3A_145 : vector<16xf32>
          %add3A_147 = arith.addf %add3A_130, %max3A_146 : vector<16xf32>
          %mul3A_148 = arith.constant 16 : i32
          %mul3A_149 = arith.muli %scan3A_55, %mul3A_148 : i32
          %add3A_150 = arith.constant 5 : i32
          %add3A_151 = arith.addi %mul3A_149, %add3A_150 : i32
          %get3A_152 = arith.index_cast %add3A_151 : i32 to index
          %get3A_153 = arith.index_cast %mul3A_63 : i32 to index
          %get3A_154 = tpu.vector_load %arg9[%get3A_152, %get3A_153] {strides = array<i32>} : memref<128x128xf32, #tpu.memory_space<vmem>>, vector<1x16xf32>,
          %get3A_155 = vector.shape_cast %get3A_154 : vector<1x16xf32> to vector<16xf32>
          %get3A_156 = arith.index_cast %add3A_151 : i32 to index
          %get3A_157 = arith.index_cast %mul3A_63 : i32 to index
          %get3A_158 = tpu.vector_load %arg10[%get3A_156, %get3A_157] {strides = array<i32>} : memref<128x128xf32, #tpu.memory_space<vmem>>, vector<1x16xf32>,
          %get3A_159 = vector.shape_cast %get3A_158 : vector<1x16xf32> to vector<16xf32>
          %add3A_160 = arith.addf %get3A_155, %get3A_159 : vector<16xf32>
          %max3A_161 = arith.constant 0.000000e+00 : f32
          %max3A_162 = vector.broadcast %max3A_161 : f32 to vector<16xf32>
          %max3A_163 = arith.maximumf %add3A_160, %max3A_162 : vector<16xf32>
          %add3A_164 = arith.addf %add3A_147, %max3A_163 : vector<16xf32>
          %mul3A_165 = arith.constant 16 : i32
          %mul3A_166 = arith.muli %scan3A_55, %mul3A_165 : i32
          %add3A_167 = arith.constant 6 : i32
          %add3A_168 = arith.addi %mul3A_166, %add3A_167 : i32
          %get3A_169 = arith.index_cast %add3A_168 : i32 to index
          %get3A_170 = arith.index_cast %mul3A_63 : i32 to index
          %get3A_171 = tpu.vector_load %arg9[%get3A_169, %get3A_170] {strides = array<i32>} : memref<128x128xf32, #tpu.memory_space<vmem>>, vector<1x16xf32>,
          %get3A_172 = vector.shape_cast %get3A_171 : vector<1x16xf32> to vector<16xf32>
          %get3A_173 = arith.index_cast %add3A_168 : i32 to index
          %get3A_174 = arith.index_cast %mul3A_63 : i32 to index
          %get3A_175 = tpu.vector_load %arg10[%get3A_173, %get3A_174] {strides = array<i32>} : memref<128x128xf32, #tpu.memory_space<vmem>>, vector<1x16xf32>,
          %get3A_176 = vector.shape_cast %get3A_175 : vector<1x16xf32> to vector<16xf32>
          %add3A_177 = arith.addf %get3A_172, %get3A_176 : vector<16xf32>
          %max3A_178 = arith.constant 0.000000e+00 : f32
          %max3A_179 = vector.broadcast %max3A_178 : f32 to vector<16xf32>
          %max3A_180 = arith.maximumf %add3A_177, %max3A_179 : vector<16xf32>
          %add3A_181 = arith.addf %add3A_164, %max3A_180 : vector<16xf32>
          %mul3A_182 = arith.constant 16 : i32
          %mul3A_183 = arith.muli %scan3A_55, %mul3A_182 : i32
          %add3A_184 = arith.constant 7 : i32
          %add3A_185 = arith.addi %mul3A_183, %add3A_184 : i32
          %get3A_186 = arith.index_cast %add3A_185 : i32 to index
          %get3A_187 = arith.index_cast %mul3A_63 : i32 to index
          %get3A_188 = tpu.vector_load %arg9[%get3A_186, %get3A_187] {strides = array<i32>} : memref<128x128xf32, #tpu.memory_space<vmem>>, vector<1x16xf32>,
          %get3A_189 = vector.shape_cast %get3A_188 : vector<1x16xf32> to vector<16xf32>
          %get3A_190 = arith.index_cast %add3A_185 : i32 to index
          %get3A_191 = arith.index_cast %mul3A_63 : i32 to index
          %get3A_192 = tpu.vector_load %arg10[%get3A_190, %get3A_191] {strides = array<i32>} : memref<128x128xf32, #tpu.memory_space<vmem>>, vector<1x16xf32>,
          %get3A_193 = vector.shape_cast %get3A_192 : vector<1x16xf32> to vector<16xf32>
          %add3A_194 = arith.addf %get3A_189, %get3A_193 : vector<16xf32>
          %max3A_195 = arith.constant 0.000000e+00 : f32
          %max3A_196 = vector.broadcast %max3A_195 : f32 to vector<16xf32>
          %max3A_197 = arith.maximumf %add3A_194, %max3A_196 : vector<16xf32>
          %add3A_198 = arith.addf %add3A_181, %max3A_197 : vector<16xf32>
          %mul3A_199 = arith.constant 16 : i32
          %mul3A_200 = arith.muli %scan3A_55, %mul3A_199 : i32
          %add3A_201 = arith.constant 8 : i32
          %add3A_202 = arith.addi %mul3A_200, %add3A_201 : i32
          %get3A_203 = arith.index_cast %add3A_202 : i32 to index
          %get3A_204 = arith.index_cast %mul3A_63 : i32 to index
          %get3A_205 = tpu.vector_load %arg9[%get3A_203, %get3A_204] {strides = array<i32>} : memref<128x128xf32, #tpu.memory_space<vmem>>, vector<1x16xf32>,
          %get3A_206 = vector.shape_cast %get3A_205 : vector<1x16xf32> to vector<16xf32>
          %get3A_207 = arith.index_cast %add3A_202 : i32 to index
          %get3A_208 = arith.index_cast %mul3A_63 : i32 to index
          %get3A_209 = tpu.vector_load %arg10[%get3A_207, %get3A_208] {strides = array<i32>} : memref<128x128xf32, #tpu.memory_space<vmem>>, vector<1x16xf32>,
          %get3A_210 = vector.shape_cast %get3A_209 : vector<1x16xf32> to vector<16xf32>
          %add3A_211 = arith.addf %get3A_206, %get3A_210 : vector<16xf32>
          %max3A_212 = arith.constant 0.000000e+00 : f32
          %max3A_213 = vector.broadcast %max3A_212 : f32 to vector<16xf32>
          %max3A_214 = arith.maximumf %add3A_211, %max3A_213 : vector<16xf32>
          %add3A_215 = arith.addf %add3A_198, %max3A_214 : vector<16xf32>
          %mul3A_216 = arith.constant 16 : i32
          %mul3A_217 = arith.muli %scan3A_55, %mul3A_216 : i32
          %add3A_218 = arith.constant 9 : i32
          %add3A_219 = arith.addi %mul3A_217, %add3A_218 : i32
          %get3A_220 = arith.index_cast %add3A_219 : i32 to index
          %get3A_221 = arith.index_cast %mul3A_63 : i32 to index
          %get3A_222 = tpu.vector_load %arg9[%get3A_220, %get3A_221] {strides = array<i32>} : memref<128x128xf32, #tpu.memory_space<vmem>>, vector<1x16xf32>,
          %get3A_223 = vector.shape_cast %get3A_222 : vector<1x16xf32> to vector<16xf32>
          %get3A_224 = arith.index_cast %add3A_219 : i32 to index
          %get3A_225 = arith.index_cast %mul3A_63 : i32 to index
          %get3A_226 = tpu.vector_load %arg10[%get3A_224, %get3A_225] {strides = array<i32>} : memref<128x128xf32, #tpu.memory_space<vmem>>, vector<1x16xf32>,
          %get3A_227 = vector.shape_cast %get3A_226 : vector<1x16xf32> to vector<16xf32>
          %add3A_228 = arith.addf %get3A_223, %get3A_227 : vector<16xf32>
          %max3A_229 = arith.constant 0.000000e+00 : f32
          %max3A_230 = vector.broadcast %max3A_229 : f32 to vector<16xf32>
          %max3A_231 = arith.maximumf %add3A_228, %max3A_230 : vector<16xf32>
          %add3A_232 = arith.addf %add3A_215, %max3A_231 : vector<16xf32>
          %mul3A_233 = arith.constant 16 : i32
          %mul3A_234 = arith.muli %scan3A_55, %mul3A_233 : i32
          %add3A_235 = arith.constant 10 : i32
          %add3A_236 = arith.addi %mul3A_234, %add3A_235 : i32
          %get3A_237 = arith.index_cast %add3A_236 : i32 to index
          %get3A_238 = arith.index_cast %mul3A_63 : i32 to index
          %get3A_239 = tpu.vector_load %arg9[%get3A_237, %get3A_238] {strides = array<i32>} : memref<128x128xf32, #tpu.memory_space<vmem>>, vector<1x16xf32>,
          %get3A_240 = vector.shape_cast %get3A_239 : vector<1x16xf32> to vector<16xf32>
          %get3A_241 = arith.index_cast %add3A_236 : i32 to index
          %get3A_242 = arith.index_cast %mul3A_63 : i32 to index
          %get3A_243 = tpu.vector_load %arg10[%get3A_241, %get3A_242] {strides = array<i32>} : memref<128x128xf32, #tpu.memory_space<vmem>>, vector<1x16xf32>,
          %get3A_244 = vector.shape_cast %get3A_243 : vector<1x16xf32> to vector<16xf32>
          %add3A_245 = arith.addf %get3A_240, %get3A_244 : vector<16xf32>
          %max3A_246 = arith.constant 0.000000e+00 : f32
          %max3A_247 = vector.broadcast %max3A_246 : f32 to vector<16xf32>
          %max3A_248 = arith.maximumf %add3A_245, %max3A_247 : vector<16xf32>
          %add3A_249 = arith.addf %add3A_232, %max3A_248 : vector<16xf32>
          %mul3A_250 = arith.constant 16 : i32
          %mul3A_251 = arith.muli %scan3A_55, %mul3A_250 : i32
          %add3A_252 = arith.constant 11 : i32
          %add3A_253 = arith.addi %mul3A_251, %add3A_252 : i32
          %get3A_254 = arith.index_cast %add3A_253 : i32 to index
          %get3A_255 = arith.index_cast %mul3A_63 : i32 to index
          %get3A_256 = tpu.vector_load %arg9[%get3A_254, %get3A_255] {strides = array<i32>} : memref<128x128xf32, #tpu.memory_space<vmem>>, vector<1x16xf32>,
          %get3A_257 = vector.shape_cast %get3A_256 : vector<1x16xf32> to vector<16xf32>
          %get3A_258 = arith.index_cast %add3A_253 : i32 to index
          %get3A_259 = arith.index_cast %mul3A_63 : i32 to index
          %get3A_260 = tpu.vector_load %arg10[%get3A_258, %get3A_259] {strides = array<i32>} : memref<128x128xf32, #tpu.memory_space<vmem>>, vector<1x16xf32>,
          %get3A_261 = vector.shape_cast %get3A_260 : vector<1x16xf32> to vector<16xf32>
          %add3A_262 = arith.addf %get3A_257, %get3A_261 : vector<16xf32>
          %max3A_263 = arith.constant 0.000000e+00 : f32
          %max3A_264 = vector.broadcast %max3A_263 : f32 to vector<16xf32>
          %max3A_265 = arith.maximumf %add3A_262, %max3A_264 : vector<16xf32>
          %add3A_266 = arith.addf %add3A_249, %max3A_265 : vector<16xf32>
          %mul3A_267 = arith.constant 16 : i32
          %mul3A_268 = arith.muli %scan3A_55, %mul3A_267 : i32
          %add3A_269 = arith.constant 12 : i32
          %add3A_270 = arith.addi %mul3A_268, %add3A_269 : i32
          %get3A_271 = arith.index_cast %add3A_270 : i32 to index
          %get3A_272 = arith.index_cast %mul3A_63 : i32 to index
          %get3A_273 = tpu.vector_load %arg9[%get3A_271, %get3A_272] {strides = array<i32>} : memref<128x128xf32, #tpu.memory_space<vmem>>, vector<1x16xf32>,
          %get3A_274 = vector.shape_cast %get3A_273 : vector<1x16xf32> to vector<16xf32>
          %get3A_275 = arith.index_cast %add3A_270 : i32 to index
          %get3A_276 = arith.index_cast %mul3A_63 : i32 to index
          %get3A_277 = tpu.vector_load %arg10[%get3A_275, %get3A_276] {strides = array<i32>} : memref<128x128xf32, #tpu.memory_space<vmem>>, vector<1x16xf32>,
          %get3A_278 = vector.shape_cast %get3A_277 : vector<1x16xf32> to vector<16xf32>
          %add3A_279 = arith.addf %get3A_274, %get3A_278 : vector<16xf32>
          %max3A_280 = arith.constant 0.000000e+00 : f32
          %max3A_281 = vector.broadcast %max3A_280 : f32 to vector<16xf32>
          %max3A_282 = arith.maximumf %add3A_279, %max3A_281 : vector<16xf32>
          %add3A_283 = arith.addf %add3A_266, %max3A_282 : vector<16xf32>
          %mul3A_284 = arith.constant 16 : i32
          %mul3A_285 = arith.muli %scan3A_55, %mul3A_284 : i32
          %add3A_286 = arith.constant 13 : i32
          %add3A_287 = arith.addi %mul3A_285, %add3A_286 : i32
          %get3A_288 = arith.index_cast %add3A_287 : i32 to index
          %get3A_289 = arith.index_cast %mul3A_63 : i32 to index
          %get3A_290 = tpu.vector_load %arg9[%get3A_288, %get3A_289] {strides = array<i32>} : memref<128x128xf32, #tpu.memory_space<vmem>>, vector<1x16xf32>,
          %get3A_291 = vector.shape_cast %get3A_290 : vector<1x16xf32> to vector<16xf32>
          %get3A_292 = arith.index_cast %add3A_287 : i32 to index
          %get3A_293 = arith.index_cast %mul3A_63 : i32 to index
          %get3A_294 = tpu.vector_load %arg10[%get3A_292, %get3A_293] {strides = array<i32>} : memref<128x128xf32, #tpu.memory_space<vmem>>, vector<1x16xf32>,
          %get3A_295 = vector.shape_cast %get3A_294 : vector<1x16xf32> to vector<16xf32>
          %add3A_296 = arith.addf %get3A_291, %get3A_295 : vector<16xf32>
          %max3A_297 = arith.constant 0.000000e+00 : f32
          %max3A_298 = vector.broadcast %max3A_297 : f32 to vector<16xf32>
          %max3A_299 = arith.maximumf %add3A_296, %max3A_298 : vector<16xf32>
          %add3A_300 = arith.addf %add3A_283, %max3A_299 : vector<16xf32>
          %mul3A_301 = arith.constant 16 : i32
          %mul3A_302 = arith.muli %scan3A_55, %mul3A_301 : i32
          %add3A_303 = arith.constant 14 : i32
          %add3A_304 = arith.addi %mul3A_302, %add3A_303 : i32
          %get3A_305 = arith.index_cast %add3A_304 : i32 to index
          %get3A_306 = arith.index_cast %mul3A_63 : i32 to index
          %get3A_307 = tpu.vector_load %arg9[%get3A_305, %get3A_306] {strides = array<i32>} : memref<128x128xf32, #tpu.memory_space<vmem>>, vector<1x16xf32>,
          %get3A_308 = vector.shape_cast %get3A_307 : vector<1x16xf32> to vector<16xf32>
          %get3A_309 = arith.index_cast %add3A_304 : i32 to index
          %get3A_310 = arith.index_cast %mul3A_63 : i32 to index
          %get3A_311 = tpu.vector_load %arg10[%get3A_309, %get3A_310] {strides = array<i32>} : memref<128x128xf32, #tpu.memory_space<vmem>>, vector<1x16xf32>,
          %get3A_312 = vector.shape_cast %get3A_311 : vector<1x16xf32> to vector<16xf32>
          %add3A_313 = arith.addf %get3A_308, %get3A_312 : vector<16xf32>
          %max3A_314 = arith.constant 0.000000e+00 : f32
          %max3A_315 = vector.broadcast %max3A_314 : f32 to vector<16xf32>
          %max3A_316 = arith.maximumf %add3A_313, %max3A_315 : vector<16xf32>
          %add3A_317 = arith.addf %add3A_300, %max3A_316 : vector<16xf32>
          %mul3A_318 = arith.constant 16 : i32
          %mul3A_319 = arith.muli %scan3A_55, %mul3A_318 : i32
          %add3A_320 = arith.constant 15 : i32
          %add3A_321 = arith.addi %mul3A_319, %add3A_320 : i32
          %get3A_322 = arith.index_cast %add3A_321 : i32 to index
          %get3A_323 = arith.index_cast %mul3A_63 : i32 to index
          %get3A_324 = tpu.vector_load %arg9[%get3A_322, %get3A_323] {strides = array<i32>} : memref<128x128xf32, #tpu.memory_space<vmem>>, vector<1x16xf32>,
          %get3A_325 = vector.shape_cast %get3A_324 : vector<1x16xf32> to vector<16xf32>
          %get3A_326 = arith.index_cast %add3A_321 : i32 to index
          %get3A_327 = arith.index_cast %mul3A_63 : i32 to index
          %get3A_328 = tpu.vector_load %arg10[%get3A_326, %get3A_327] {strides = array<i32>} : memref<128x128xf32, #tpu.memory_space<vmem>>, vector<1x16xf32>,
          %get3A_329 = vector.shape_cast %get3A_328 : vector<1x16xf32> to vector<16xf32>
          %add3A_330 = arith.addf %get3A_325, %get3A_329 : vector<16xf32>
          %max3A_331 = arith.constant 0.000000e+00 : f32
          %max3A_332 = vector.broadcast %max3A_331 : f32 to vector<16xf32>
          %max3A_333 = arith.maximumf %add3A_330, %max3A_332 : vector<16xf32>
          %add3A_334 = arith.addf %add3A_317, %max3A_333 : vector<16xf32>
          %swap3A = arith.index_cast %scan3A_55 : i32 to index
          %swap3A_335 = arith.index_cast %mul3A_63 : i32 to index
          %swap3A_336 = tpu.vector_load %arg11[%swap3A, %swap3A_335] {strides = array<i32>} : memref<8x128xf32, #tpu.memory_space<vmem>>, vector<1x16xf32>,
          %swap3A_337 = vector.shape_cast %swap3A_336 : vector<1x16xf32> to vector<16xf32>
          %swap3A_338 = vector.shape_cast %add3A_334 : vector<16xf32> to vector<1x16xf32>
          tpu.vector_store %arg11[%swap3A, %swap3A_335], %swap3A_338 {strides = array<i32>} : memref<8x128xf32, #tpu.memory_space<vmem>>, vector<1x16xf32>,
        }
        %scan3A_60 = arith.constant 8 : i32
      }
      %scan3A_54 = arith.constant 8 : i32
      "tpu.region"() ({
        %run_scoped3A = tpu.sem_alloc : memref<!tpu.dma_semaphore, #tpu.memory_space<semaphore_mem>>
        %dma_start3A_55 = arith.constant 0 : i32
        %dma_start3A_56 = tpu.memref_slice %arg6[%mul3A_37, %dma_start3A_55] : memref<20000x128xf32, #tpu.memory_space<hbm>> -> memref<8x128xf32, #tpu.memory_space<hbm>>
        %dma_start3A_57 = arith.constant 0 : i32
        %dma_start3A_58 = tpu.memref_slice %arg6[%mul3A_37, %dma_start3A_57] : memref<20000x128xf32, #tpu.memory_space<hbm>> -> memref<8x128xf32, #tpu.memory_space<hbm>>
        tpu.enqueue_dma source(%arg11 : memref<8x128xf32, #tpu.memory_space<vmem>>) target(%dma_start3A_58 : memref<8x128xf32, #tpu.memory_space<hbm>>) target_semaphore(%run_scoped3A : memref<!tpu.dma_semaphore, #tpu.memory_space<semaphore_mem>>)
        %dma_wait3A_59 = arith.constant 0 : i32
        %dma_wait3A_60 = tpu.memref_slice %arg6[%mul3A_37, %dma_wait3A_59] : memref<20000x128xf32, #tpu.memory_space<hbm>> -> memref<8x128xf32, #tpu.memory_space<hbm>>
        %dma_wait3A_61 = arith.constant 0 : i32
        %dma_wait3A_62 = tpu.memref_slice %arg6[%mul3A_37, %dma_wait3A_61] : memref<20000x128xf32, #tpu.memory_space<hbm>> -> memref<8x128xf32, #tpu.memory_space<hbm>>
        tpu.wait_dma2 semaphore(%run_scoped3A : memref<!tpu.dma_semaphore, #tpu.memory_space<semaphore_mem>>) src(%arg11 : memref<8x128xf32, #tpu.memory_space<vmem>>) dst(%dma_wait3A_62 : memref<8x128xf32, #tpu.memory_space<hbm>>)
        tpu.yield
      }) : () -> ()
    }
    %while3A_31 = arith.constant 1 : i32
    scf.for %while3A_32 = %while3A_29 to %while3A_25 step %while3A_31  : i32 {
      %mul3A_33 = arith.constant 32 : i32
      %mul3A_34 = arith.muli %while3A_32, %mul3A_33 : i32
      %add3A_35 = arith.addi %add3A, %mul3A_34 : i32
      %mul3A_36 = arith.constant 8 : i32
      %mul3A_37 = arith.muli %add3A_35, %mul3A_36 : i32
      %mul3A_38 = arith.constant 16 : i32
      %mul3A_39 = arith.muli %mul3A_37, %mul3A_38 : i32
      "tpu.region"() ({
        %run_scoped3A = tpu.sem_alloc : memref<!tpu.dma_semaphore, #tpu.memory_space<semaphore_mem>>
        %dma_start3A_55 = tpu.memref_slice %arg4[%mul3A_39] : memref<320000xi32, #tpu.memory_space<hbm>> -> memref<128xi32, #tpu.memory_space<hbm>>
        %dma_start3A_56 = tpu.memref_slice %arg4[%mul3A_39] : memref<320000xi32, #tpu.memory_space<hbm>> -> memref<128xi32, #tpu.memory_space<hbm>>
        tpu.enqueue_dma source(%dma_start3A_56 : memref<128xi32, #tpu.memory_space<hbm>>) target(%arg7 : memref<128xi32, #tpu.memory_space<vmem>>) target_semaphore(%run_scoped3A : memref<!tpu.dma_semaphore, #tpu.memory_space<semaphore_mem>>)
        %dma_wait3A_57 = tpu.memref_slice %arg4[%mul3A_39] : memref<320000xi32, #tpu.memory_space<hbm>> -> memref<128xi32, #tpu.memory_space<hbm>>
        %dma_wait3A_58 = tpu.memref_slice %arg4[%mul3A_39] : memref<320000xi32, #tpu.memory_space<hbm>> -> memref<128xi32, #tpu.memory_space<hbm>>
        tpu.wait_dma2 semaphore(%run_scoped3A : memref<!tpu.dma_semaphore, #tpu.memory_space<semaphore_mem>>) src(%dma_wait3A_58 : memref<128xi32, #tpu.memory_space<hbm>>) dst(%arg7 : memref<128xi32, #tpu.memory_space<vmem>>)
        tpu.yield
      }) : () -> ()
      "tpu.region"() ({
        %run_scoped3A = tpu.sem_alloc : memref<!tpu.dma_semaphore, #tpu.memory_space<semaphore_mem>>
        %dma_start3A_55 = tpu.memref_slice %arg5[%mul3A_39] : memref<320000xi32, #tpu.memory_space<hbm>> -> memref<128xi32, #tpu.memory_space<hbm>>
        %dma_start3A_56 = tpu.memref_slice %arg5[%mul3A_39] : memref<320000xi32, #tpu.memory_space<hbm>> -> memref<128xi32, #tpu.memory_space<hbm>>
        tpu.enqueue_dma source(%dma_start3A_56 : memref<128xi32, #tpu.memory_space<hbm>>) target(%arg8 : memref<128xi32, #tpu.memory_space<vmem>>) target_semaphore(%run_scoped3A : memref<!tpu.dma_semaphore, #tpu.memory_space<semaphore_mem>>)
        %dma_wait3A_57 = tpu.memref_slice %arg5[%mul3A_39] : memref<320000xi32, #tpu.memory_space<hbm>> -> memref<128xi32, #tpu.memory_space<hbm>>
        %dma_wait3A_58 = tpu.memref_slice %arg5[%mul3A_39] : memref<320000xi32, #tpu.memory_space<hbm>> -> memref<128xi32, #tpu.memory_space<hbm>>
        tpu.wait_dma2 semaphore(%run_scoped3A : memref<!tpu.dma_semaphore, #tpu.memory_space<semaphore_mem>>) src(%dma_wait3A_58 : memref<128xi32, #tpu.memory_space<hbm>>) dst(%arg8 : memref<128xi32, #tpu.memory_space<vmem>>)
        tpu.yield
      }) : () -> ()
      %dma_start3A = arith.constant 0 : i32
      %dma_start3A_40 = arith.constant 0 : i32
      %dma_start3A_41 = tpu.memref_slice %arg2[%dma_start3A, %dma_start3A_40] : memref<20000x128xf32, #tpu.memory_space<hbm>> -> memref<20000x128xf32, #tpu.memory_space<hbm>>
      tpu.enqueue_indirect_dma source(%dma_start3A_41 : memref<20000x128xf32, #tpu.memory_space<hbm>>) target(%arg9 : memref<128x128xf32, #tpu.memory_space<vmem>>) offsets(%arg7 : memref<128xi32, #tpu.memory_space<vmem>>) semaphore(%arg12 : memref<!tpu.dma_semaphore, #tpu.memory_space<semaphore_mem>>)
      %dma_start3A_42 = arith.constant 0 : i32
      %dma_start3A_43 = arith.constant 0 : i32
      %dma_start3A_44 = tpu.memref_slice %arg3[%dma_start3A_42, %dma_start3A_43] : memref<20000x128xf32, #tpu.memory_space<hbm>> -> memref<20000x128xf32, #tpu.memory_space<hbm>>
      tpu.enqueue_indirect_dma source(%dma_start3A_44 : memref<20000x128xf32, #tpu.memory_space<hbm>>) target(%arg10 : memref<128x128xf32, #tpu.memory_space<vmem>>) offsets(%arg8 : memref<128xi32, #tpu.memory_space<vmem>>) semaphore(%arg13 : memref<!tpu.dma_semaphore, #tpu.memory_space<semaphore_mem>>)
      %dma_wait3A = arith.constant 0 : i32
      %dma_wait3A_45 = arith.constant 0 : i32
      %dma_wait3A_46 = tpu.memref_slice %arg2[%dma_wait3A, %dma_wait3A_45] : memref<20000x128xf32, #tpu.memory_space<hbm>> -> memref<20000x128xf32, #tpu.memory_space<hbm>>
      tpu.wait_indirect_dma semaphore(%arg12 : memref<!tpu.dma_semaphore, #tpu.memory_space<semaphore_mem>>) src(%dma_wait3A_46 : memref<20000x128xf32, #tpu.memory_space<hbm>>) dst(%arg9 : memref<128x128xf32, #tpu.memory_space<vmem>>)
      %dma_wait3A_47 = arith.constant 0 : i32
      %dma_wait3A_48 = arith.constant 0 : i32
      %dma_wait3A_49 = tpu.memref_slice %arg3[%dma_wait3A_47, %dma_wait3A_48] : memref<20000x128xf32, #tpu.memory_space<hbm>> -> memref<20000x128xf32, #tpu.memory_space<hbm>>
      tpu.wait_indirect_dma semaphore(%arg13 : memref<!tpu.dma_semaphore, #tpu.memory_space<semaphore_mem>>) src(%dma_wait3A_49 : memref<20000x128xf32, #tpu.memory_space<hbm>>) dst(%arg10 : memref<128x128xf32, #tpu.memory_space<vmem>>)
      %scan3A = arith.constant 0 : i32
      %scan3A_50 = arith.constant 0 : i32
      %scan3A_51 = arith.constant 8 : i32
      %scan3A_52 = arith.addi %scan3A_50, %scan3A_51 : i32
      %scan3A_53 = arith.constant 1 : i32
      scf.for %scan3A_55 = %scan3A_50 to %scan3A_52 step %scan3A_53  : i32 {
        %scan3A_56 = arith.constant 0 : i32
        %scan3A_57 = arith.constant 8 : i32
        %scan3A_58 = arith.addi %scan3A_56, %scan3A_57 : i32
        %scan3A_59 = arith.constant 1 : i32
        scf.for %scan3A_61 = %scan3A_56 to %scan3A_58 step %scan3A_59  : i32 {
          %mul3A_62 = arith.constant 16 : i32
          %mul3A_63 = arith.muli %scan3A_61, %mul3A_62 : i32
          %broadcast_in_dim3A = arith.constant 0.000000e+00 : f32
          %broadcast_in_dim3A_64 = vector.broadcast %broadcast_in_dim3A : f32 to vector<16xf32>
          %mul3A_65 = arith.constant 16 : i32
          %mul3A_66 = arith.muli %scan3A_55, %mul3A_65 : i32
          %add3A_67 = arith.constant 0 : i32
          %add3A_68 = arith.addi %mul3A_66, %add3A_67 : i32
          %get3A = arith.index_cast %add3A_68 : i32 to index
          %get3A_69 = arith.index_cast %mul3A_63 : i32 to index
          %get3A_70 = tpu.vector_load %arg9[%get3A, %get3A_69] {strides = array<i32>} : memref<128x128xf32, #tpu.memory_space<vmem>>, vector<1x16xf32>,
          %get3A_71 = vector.shape_cast %get3A_70 : vector<1x16xf32> to vector<16xf32>
          %get3A_72 = arith.index_cast %add3A_68 : i32 to index
          %get3A_73 = arith.index_cast %mul3A_63 : i32 to index
          %get3A_74 = tpu.vector_load %arg10[%get3A_72, %get3A_73] {strides = array<i32>} : memref<128x128xf32, #tpu.memory_space<vmem>>, vector<1x16xf32>,
          %get3A_75 = vector.shape_cast %get3A_74 : vector<1x16xf32> to vector<16xf32>
          %add3A_76 = arith.addf %get3A_71, %get3A_75 : vector<16xf32>
          %max3A = arith.constant 0.000000e+00 : f32
          %max3A_77 = vector.broadcast %max3A : f32 to vector<16xf32>
          %max3A_78 = arith.maximumf %add3A_76, %max3A_77 : vector<16xf32>
          %add3A_79 = arith.addf %broadcast_in_dim3A_64, %max3A_78 : vector<16xf32>
          %mul3A_80 = arith.constant 16 : i32
          %mul3A_81 = arith.muli %scan3A_55, %mul3A_80 : i32
          %add3A_82 = arith.constant 1 : i32
          %add3A_83 = arith.addi %mul3A_81, %add3A_82 : i32
          %get3A_84 = arith.index_cast %add3A_83 : i32 to index
          %get3A_85 = arith.index_cast %mul3A_63 : i32 to index
          %get3A_86 = tpu.vector_load %arg9[%get3A_84, %get3A_85] {strides = array<i32>} : memref<128x128xf32, #tpu.memory_space<vmem>>, vector<1x16xf32>,
          %get3A_87 = vector.shape_cast %get3A_86 : vector<1x16xf32> to vector<16xf32>
          %get3A_88 = arith.index_cast %add3A_83 : i32 to index
          %get3A_89 = arith.index_cast %mul3A_63 : i32 to index
          %get3A_90 = tpu.vector_load %arg10[%get3A_88, %get3A_89] {strides = array<i32>} : memref<128x128xf32, #tpu.memory_space<vmem>>, vector<1x16xf32>,
          %get3A_91 = vector.shape_cast %get3A_90 : vector<1x16xf32> to vector<16xf32>
          %add3A_92 = arith.addf %get3A_87, %get3A_91 : vector<16xf32>
          %max3A_93 = arith.constant 0.000000e+00 : f32
          %max3A_94 = vector.broadcast %max3A_93 : f32 to vector<16xf32>
          %max3A_95 = arith.maximumf %add3A_92, %max3A_94 : vector<16xf32>
          %add3A_96 = arith.addf %add3A_79, %max3A_95 : vector<16xf32>
          %mul3A_97 = arith.constant 16 : i32
          %mul3A_98 = arith.muli %scan3A_55, %mul3A_97 : i32
          %add3A_99 = arith.constant 2 : i32
          %add3A_100 = arith.addi %mul3A_98, %add3A_99 : i32
          %get3A_101 = arith.index_cast %add3A_100 : i32 to index
          %get3A_102 = arith.index_cast %mul3A_63 : i32 to index
          %get3A_103 = tpu.vector_load %arg9[%get3A_101, %get3A_102] {strides = array<i32>} : memref<128x128xf32, #tpu.memory_space<vmem>>, vector<1x16xf32>,
          %get3A_104 = vector.shape_cast %get3A_103 : vector<1x16xf32> to vector<16xf32>
          %get3A_105 = arith.index_cast %add3A_100 : i32 to index
          %get3A_106 = arith.index_cast %mul3A_63 : i32 to index
          %get3A_107 = tpu.vector_load %arg10[%get3A_105, %get3A_106] {strides = array<i32>} : memref<128x128xf32, #tpu.memory_space<vmem>>, vector<1x16xf32>,
          %get3A_108 = vector.shape_cast %get3A_107 : vector<1x16xf32> to vector<16xf32>
          %add3A_109 = arith.addf %get3A_104, %get3A_108 : vector<16xf32>
          %max3A_110 = arith.constant 0.000000e+00 : f32
          %max3A_111 = vector.broadcast %max3A_110 : f32 to vector<16xf32>
          %max3A_112 = arith.maximumf %add3A_109, %max3A_111 : vector<16xf32>
          %add3A_113 = arith.addf %add3A_96, %max3A_112 : vector<16xf32>
          %mul3A_114 = arith.constant 16 : i32
          %mul3A_115 = arith.muli %scan3A_55, %mul3A_114 : i32
          %add3A_116 = arith.constant 3 : i32
          %add3A_117 = arith.addi %mul3A_115, %add3A_116 : i32
          %get3A_118 = arith.index_cast %add3A_117 : i32 to index
          %get3A_119 = arith.index_cast %mul3A_63 : i32 to index
          %get3A_120 = tpu.vector_load %arg9[%get3A_118, %get3A_119] {strides = array<i32>} : memref<128x128xf32, #tpu.memory_space<vmem>>, vector<1x16xf32>,
          %get3A_121 = vector.shape_cast %get3A_120 : vector<1x16xf32> to vector<16xf32>
          %get3A_122 = arith.index_cast %add3A_117 : i32 to index
          %get3A_123 = arith.index_cast %mul3A_63 : i32 to index
          %get3A_124 = tpu.vector_load %arg10[%get3A_122, %get3A_123] {strides = array<i32>} : memref<128x128xf32, #tpu.memory_space<vmem>>, vector<1x16xf32>,
          %get3A_125 = vector.shape_cast %get3A_124 : vector<1x16xf32> to vector<16xf32>
          %add3A_126 = arith.addf %get3A_121, %get3A_125 : vector<16xf32>
          %max3A_127 = arith.constant 0.000000e+00 : f32
          %max3A_128 = vector.broadcast %max3A_127 : f32 to vector<16xf32>
          %max3A_129 = arith.maximumf %add3A_126, %max3A_128 : vector<16xf32>
          %add3A_130 = arith.addf %add3A_113, %max3A_129 : vector<16xf32>
          %mul3A_131 = arith.constant 16 : i32
          %mul3A_132 = arith.muli %scan3A_55, %mul3A_131 : i32
          %add3A_133 = arith.constant 4 : i32
          %add3A_134 = arith.addi %mul3A_132, %add3A_133 : i32
          %get3A_135 = arith.index_cast %add3A_134 : i32 to index
          %get3A_136 = arith.index_cast %mul3A_63 : i32 to index
          %get3A_137 = tpu.vector_load %arg9[%get3A_135, %get3A_136] {strides = array<i32>} : memref<128x128xf32, #tpu.memory_space<vmem>>, vector<1x16xf32>,
          %get3A_138 = vector.shape_cast %get3A_137 : vector<1x16xf32> to vector<16xf32>
          %get3A_139 = arith.index_cast %add3A_134 : i32 to index
          %get3A_140 = arith.index_cast %mul3A_63 : i32 to index
          %get3A_141 = tpu.vector_load %arg10[%get3A_139, %get3A_140] {strides = array<i32>} : memref<128x128xf32, #tpu.memory_space<vmem>>, vector<1x16xf32>,
          %get3A_142 = vector.shape_cast %get3A_141 : vector<1x16xf32> to vector<16xf32>
          %add3A_143 = arith.addf %get3A_138, %get3A_142 : vector<16xf32>
          %max3A_144 = arith.constant 0.000000e+00 : f32
          %max3A_145 = vector.broadcast %max3A_144 : f32 to vector<16xf32>
          %max3A_146 = arith.maximumf %add3A_143, %max3A_145 : vector<16xf32>
          %add3A_147 = arith.addf %add3A_130, %max3A_146 : vector<16xf32>
          %mul3A_148 = arith.constant 16 : i32
          %mul3A_149 = arith.muli %scan3A_55, %mul3A_148 : i32
          %add3A_150 = arith.constant 5 : i32
          %add3A_151 = arith.addi %mul3A_149, %add3A_150 : i32
          %get3A_152 = arith.index_cast %add3A_151 : i32 to index
          %get3A_153 = arith.index_cast %mul3A_63 : i32 to index
          %get3A_154 = tpu.vector_load %arg9[%get3A_152, %get3A_153] {strides = array<i32>} : memref<128x128xf32, #tpu.memory_space<vmem>>, vector<1x16xf32>,
          %get3A_155 = vector.shape_cast %get3A_154 : vector<1x16xf32> to vector<16xf32>
          %get3A_156 = arith.index_cast %add3A_151 : i32 to index
          %get3A_157 = arith.index_cast %mul3A_63 : i32 to index
          %get3A_158 = tpu.vector_load %arg10[%get3A_156, %get3A_157] {strides = array<i32>} : memref<128x128xf32, #tpu.memory_space<vmem>>, vector<1x16xf32>,
          %get3A_159 = vector.shape_cast %get3A_158 : vector<1x16xf32> to vector<16xf32>
          %add3A_160 = arith.addf %get3A_155, %get3A_159 : vector<16xf32>
          %max3A_161 = arith.constant 0.000000e+00 : f32
          %max3A_162 = vector.broadcast %max3A_161 : f32 to vector<16xf32>
          %max3A_163 = arith.maximumf %add3A_160, %max3A_162 : vector<16xf32>
          %add3A_164 = arith.addf %add3A_147, %max3A_163 : vector<16xf32>
          %mul3A_165 = arith.constant 16 : i32
          %mul3A_166 = arith.muli %scan3A_55, %mul3A_165 : i32
          %add3A_167 = arith.constant 6 : i32
          %add3A_168 = arith.addi %mul3A_166, %add3A_167 : i32
          %get3A_169 = arith.index_cast %add3A_168 : i32 to index
          %get3A_170 = arith.index_cast %mul3A_63 : i32 to index
          %get3A_171 = tpu.vector_load %arg9[%get3A_169, %get3A_170] {strides = array<i32>} : memref<128x128xf32, #tpu.memory_space<vmem>>, vector<1x16xf32>,
          %get3A_172 = vector.shape_cast %get3A_171 : vector<1x16xf32> to vector<16xf32>
          %get3A_173 = arith.index_cast %add3A_168 : i32 to index
          %get3A_174 = arith.index_cast %mul3A_63 : i32 to index
          %get3A_175 = tpu.vector_load %arg10[%get3A_173, %get3A_174] {strides = array<i32>} : memref<128x128xf32, #tpu.memory_space<vmem>>, vector<1x16xf32>,
          %get3A_176 = vector.shape_cast %get3A_175 : vector<1x16xf32> to vector<16xf32>
          %add3A_177 = arith.addf %get3A_172, %get3A_176 : vector<16xf32>
          %max3A_178 = arith.constant 0.000000e+00 : f32
          %max3A_179 = vector.broadcast %max3A_178 : f32 to vector<16xf32>
          %max3A_180 = arith.maximumf %add3A_177, %max3A_179 : vector<16xf32>
          %add3A_181 = arith.addf %add3A_164, %max3A_180 : vector<16xf32>
          %mul3A_182 = arith.constant 16 : i32
          %mul3A_183 = arith.muli %scan3A_55, %mul3A_182 : i32
          %add3A_184 = arith.constant 7 : i32
          %add3A_185 = arith.addi %mul3A_183, %add3A_184 : i32
          %get3A_186 = arith.index_cast %add3A_185 : i32 to index
          %get3A_187 = arith.index_cast %mul3A_63 : i32 to index
          %get3A_188 = tpu.vector_load %arg9[%get3A_186, %get3A_187] {strides = array<i32>} : memref<128x128xf32, #tpu.memory_space<vmem>>, vector<1x16xf32>,
          %get3A_189 = vector.shape_cast %get3A_188 : vector<1x16xf32> to vector<16xf32>
          %get3A_190 = arith.index_cast %add3A_185 : i32 to index
          %get3A_191 = arith.index_cast %mul3A_63 : i32 to index
          %get3A_192 = tpu.vector_load %arg10[%get3A_190, %get3A_191] {strides = array<i32>} : memref<128x128xf32, #tpu.memory_space<vmem>>, vector<1x16xf32>,
          %get3A_193 = vector.shape_cast %get3A_192 : vector<1x16xf32> to vector<16xf32>
          %add3A_194 = arith.addf %get3A_189, %get3A_193 : vector<16xf32>
          %max3A_195 = arith.constant 0.000000e+00 : f32
          %max3A_196 = vector.broadcast %max3A_195 : f32 to vector<16xf32>
          %max3A_197 = arith.maximumf %add3A_194, %max3A_196 : vector<16xf32>
          %add3A_198 = arith.addf %add3A_181, %max3A_197 : vector<16xf32>
          %mul3A_199 = arith.constant 16 : i32
          %mul3A_200 = arith.muli %scan3A_55, %mul3A_199 : i32
          %add3A_201 = arith.constant 8 : i32
          %add3A_202 = arith.addi %mul3A_200, %add3A_201 : i32
          %get3A_203 = arith.index_cast %add3A_202 : i32 to index
          %get3A_204 = arith.index_cast %mul3A_63 : i32 to index
          %get3A_205 = tpu.vector_load %arg9[%get3A_203, %get3A_204] {strides = array<i32>} : memref<128x128xf32, #tpu.memory_space<vmem>>, vector<1x16xf32>,
          %get3A_206 = vector.shape_cast %get3A_205 : vector<1x16xf32> to vector<16xf32>
          %get3A_207 = arith.index_cast %add3A_202 : i32 to index
          %get3A_208 = arith.index_cast %mul3A_63 : i32 to index
          %get3A_209 = tpu.vector_load %arg10[%get3A_207, %get3A_208] {strides = array<i32>} : memref<128x128xf32, #tpu.memory_space<vmem>>, vector<1x16xf32>,
          %get3A_210 = vector.shape_cast %get3A_209 : vector<1x16xf32> to vector<16xf32>
          %add3A_211 = arith.addf %get3A_206, %get3A_210 : vector<16xf32>
          %max3A_212 = arith.constant 0.000000e+00 : f32
          %max3A_213 = vector.broadcast %max3A_212 : f32 to vector<16xf32>
          %max3A_214 = arith.maximumf %add3A_211, %max3A_213 : vector<16xf32>
          %add3A_215 = arith.addf %add3A_198, %max3A_214 : vector<16xf32>
          %mul3A_216 = arith.constant 16 : i32
          %mul3A_217 = arith.muli %scan3A_55, %mul3A_216 : i32
          %add3A_218 = arith.constant 9 : i32
          %add3A_219 = arith.addi %mul3A_217, %add3A_218 : i32
          %get3A_220 = arith.index_cast %add3A_219 : i32 to index
          %get3A_221 = arith.index_cast %mul3A_63 : i32 to index
          %get3A_222 = tpu.vector_load %arg9[%get3A_220, %get3A_221] {strides = array<i32>} : memref<128x128xf32, #tpu.memory_space<vmem>>, vector<1x16xf32>,
          %get3A_223 = vector.shape_cast %get3A_222 : vector<1x16xf32> to vector<16xf32>
          %get3A_224 = arith.index_cast %add3A_219 : i32 to index
          %get3A_225 = arith.index_cast %mul3A_63 : i32 to index
          %get3A_226 = tpu.vector_load %arg10[%get3A_224, %get3A_225] {strides = array<i32>} : memref<128x128xf32, #tpu.memory_space<vmem>>, vector<1x16xf32>,
          %get3A_227 = vector.shape_cast %get3A_226 : vector<1x16xf32> to vector<16xf32>
          %add3A_228 = arith.addf %get3A_223, %get3A_227 : vector<16xf32>
          %max3A_229 = arith.constant 0.000000e+00 : f32
          %max3A_230 = vector.broadcast %max3A_229 : f32 to vector<16xf32>
          %max3A_231 = arith.maximumf %add3A_228, %max3A_230 : vector<16xf32>
          %add3A_232 = arith.addf %add3A_215, %max3A_231 : vector<16xf32>
          %mul3A_233 = arith.constant 16 : i32
          %mul3A_234 = arith.muli %scan3A_55, %mul3A_233 : i32
          %add3A_235 = arith.constant 10 : i32
          %add3A_236 = arith.addi %mul3A_234, %add3A_235 : i32
          %get3A_237 = arith.index_cast %add3A_236 : i32 to index
          %get3A_238 = arith.index_cast %mul3A_63 : i32 to index
          %get3A_239 = tpu.vector_load %arg9[%get3A_237, %get3A_238] {strides = array<i32>} : memref<128x128xf32, #tpu.memory_space<vmem>>, vector<1x16xf32>,
          %get3A_240 = vector.shape_cast %get3A_239 : vector<1x16xf32> to vector<16xf32>
          %get3A_241 = arith.index_cast %add3A_236 : i32 to index
          %get3A_242 = arith.index_cast %mul3A_63 : i32 to index
          %get3A_243 = tpu.vector_load %arg10[%get3A_241, %get3A_242] {strides = array<i32>} : memref<128x128xf32, #tpu.memory_space<vmem>>, vector<1x16xf32>,
          %get3A_244 = vector.shape_cast %get3A_243 : vector<1x16xf32> to vector<16xf32>
          %add3A_245 = arith.addf %get3A_240, %get3A_244 : vector<16xf32>
          %max3A_246 = arith.constant 0.000000e+00 : f32
          %max3A_247 = vector.broadcast %max3A_246 : f32 to vector<16xf32>
          %max3A_248 = arith.maximumf %add3A_245, %max3A_247 : vector<16xf32>
          %add3A_249 = arith.addf %add3A_232, %max3A_248 : vector<16xf32>
          %mul3A_250 = arith.constant 16 : i32
          %mul3A_251 = arith.muli %scan3A_55, %mul3A_250 : i32
          %add3A_252 = arith.constant 11 : i32
          %add3A_253 = arith.addi %mul3A_251, %add3A_252 : i32
          %get3A_254 = arith.index_cast %add3A_253 : i32 to index
          %get3A_255 = arith.index_cast %mul3A_63 : i32 to index
          %get3A_256 = tpu.vector_load %arg9[%get3A_254, %get3A_255] {strides = array<i32>} : memref<128x128xf32, #tpu.memory_space<vmem>>, vector<1x16xf32>,
          %get3A_257 = vector.shape_cast %get3A_256 : vector<1x16xf32> to vector<16xf32>
          %get3A_258 = arith.index_cast %add3A_253 : i32 to index
          %get3A_259 = arith.index_cast %mul3A_63 : i32 to index
          %get3A_260 = tpu.vector_load %arg10[%get3A_258, %get3A_259] {strides = array<i32>} : memref<128x128xf32, #tpu.memory_space<vmem>>, vector<1x16xf32>,
          %get3A_261 = vector.shape_cast %get3A_260 : vector<1x16xf32> to vector<16xf32>
          %add3A_262 = arith.addf %get3A_257, %get3A_261 : vector<16xf32>
          %max3A_263 = arith.constant 0.000000e+00 : f32
          %max3A_264 = vector.broadcast %max3A_263 : f32 to vector<16xf32>
          %max3A_265 = arith.maximumf %add3A_262, %max3A_264 : vector<16xf32>
          %add3A_266 = arith.addf %add3A_249, %max3A_265 : vector<16xf32>
          %mul3A_267 = arith.constant 16 : i32
          %mul3A_268 = arith.muli %scan3A_55, %mul3A_267 : i32
          %add3A_269 = arith.constant 12 : i32
          %add3A_270 = arith.addi %mul3A_268, %add3A_269 : i32
          %get3A_271 = arith.index_cast %add3A_270 : i32 to index
          %get3A_272 = arith.index_cast %mul3A_63 : i32 to index
          %get3A_273 = tpu.vector_load %arg9[%get3A_271, %get3A_272] {strides = array<i32>} : memref<128x128xf32, #tpu.memory_space<vmem>>, vector<1x16xf32>,
          %get3A_274 = vector.shape_cast %get3A_273 : vector<1x16xf32> to vector<16xf32>
          %get3A_275 = arith.index_cast %add3A_270 : i32 to index
          %get3A_276 = arith.index_cast %mul3A_63 : i32 to index
          %get3A_277 = tpu.vector_load %arg10[%get3A_275, %get3A_276] {strides = array<i32>} : memref<128x128xf32, #tpu.memory_space<vmem>>, vector<1x16xf32>,
          %get3A_278 = vector.shape_cast %get3A_277 : vector<1x16xf32> to vector<16xf32>
          %add3A_279 = arith.addf %get3A_274, %get3A_278 : vector<16xf32>
          %max3A_280 = arith.constant 0.000000e+00 : f32
          %max3A_281 = vector.broadcast %max3A_280 : f32 to vector<16xf32>
          %max3A_282 = arith.maximumf %add3A_279, %max3A_281 : vector<16xf32>
          %add3A_283 = arith.addf %add3A_266, %max3A_282 : vector<16xf32>
          %mul3A_284 = arith.constant 16 : i32
          %mul3A_285 = arith.muli %scan3A_55, %mul3A_284 : i32
          %add3A_286 = arith.constant 13 : i32
          %add3A_287 = arith.addi %mul3A_285, %add3A_286 : i32
          %get3A_288 = arith.index_cast %add3A_287 : i32 to index
          %get3A_289 = arith.index_cast %mul3A_63 : i32 to index
          %get3A_290 = tpu.vector_load %arg9[%get3A_288, %get3A_289] {strides = array<i32>} : memref<128x128xf32, #tpu.memory_space<vmem>>, vector<1x16xf32>,
          %get3A_291 = vector.shape_cast %get3A_290 : vector<1x16xf32> to vector<16xf32>
          %get3A_292 = arith.index_cast %add3A_287 : i32 to index
          %get3A_293 = arith.index_cast %mul3A_63 : i32 to index
          %get3A_294 = tpu.vector_load %arg10[%get3A_292, %get3A_293] {strides = array<i32>} : memref<128x128xf32, #tpu.memory_space<vmem>>, vector<1x16xf32>,
          %get3A_295 = vector.shape_cast %get3A_294 : vector<1x16xf32> to vector<16xf32>
          %add3A_296 = arith.addf %get3A_291, %get3A_295 : vector<16xf32>
          %max3A_297 = arith.constant 0.000000e+00 : f32
          %max3A_298 = vector.broadcast %max3A_297 : f32 to vector<16xf32>
          %max3A_299 = arith.maximumf %add3A_296, %max3A_298 : vector<16xf32>
          %add3A_300 = arith.addf %add3A_283, %max3A_299 : vector<16xf32>
          %mul3A_301 = arith.constant 16 : i32
          %mul3A_302 = arith.muli %scan3A_55, %mul3A_301 : i32
          %add3A_303 = arith.constant 14 : i32
          %add3A_304 = arith.addi %mul3A_302, %add3A_303 : i32
          %get3A_305 = arith.index_cast %add3A_304 : i32 to index
          %get3A_306 = arith.index_cast %mul3A_63 : i32 to index
          %get3A_307 = tpu.vector_load %arg9[%get3A_305, %get3A_306] {strides = array<i32>} : memref<128x128xf32, #tpu.memory_space<vmem>>, vector<1x16xf32>,
          %get3A_308 = vector.shape_cast %get3A_307 : vector<1x16xf32> to vector<16xf32>
          %get3A_309 = arith.index_cast %add3A_304 : i32 to index
          %get3A_310 = arith.index_cast %mul3A_63 : i32 to index
          %get3A_311 = tpu.vector_load %arg10[%get3A_309, %get3A_310] {strides = array<i32>} : memref<128x128xf32, #tpu.memory_space<vmem>>, vector<1x16xf32>,
          %get3A_312 = vector.shape_cast %get3A_311 : vector<1x16xf32> to vector<16xf32>
          %add3A_313 = arith.addf %get3A_308, %get3A_312 : vector<16xf32>
          %max3A_314 = arith.constant 0.000000e+00 : f32
          %max3A_315 = vector.broadcast %max3A_314 : f32 to vector<16xf32>
          %max3A_316 = arith.maximumf %add3A_313, %max3A_315 : vector<16xf32>
          %add3A_317 = arith.addf %add3A_300, %max3A_316 : vector<16xf32>
          %mul3A_318 = arith.constant 16 : i32
          %mul3A_319 = arith.muli %scan3A_55, %mul3A_318 : i32
          %add3A_320 = arith.constant 15 : i32
          %add3A_321 = arith.addi %mul3A_319, %add3A_320 : i32
          %get3A_322 = arith.index_cast %add3A_321 : i32 to index
          %get3A_323 = arith.index_cast %mul3A_63 : i32 to index
          %get3A_324 = tpu.vector_load %arg9[%get3A_322, %get3A_323] {strides = array<i32>} : memref<128x128xf32, #tpu.memory_space<vmem>>, vector<1x16xf32>,
          %get3A_325 = vector.shape_cast %get3A_324 : vector<1x16xf32> to vector<16xf32>
          %get3A_326 = arith.index_cast %add3A_321 : i32 to index
          %get3A_327 = arith.index_cast %mul3A_63 : i32 to index
          %get3A_328 = tpu.vector_load %arg10[%get3A_326, %get3A_327] {strides = array<i32>} : memref<128x128xf32, #tpu.memory_space<vmem>>, vector<1x16xf32>,
          %get3A_329 = vector.shape_cast %get3A_328 : vector<1x16xf32> to vector<16xf32>
          %add3A_330 = arith.addf %get3A_325, %get3A_329 : vector<16xf32>
          %max3A_331 = arith.constant 0.000000e+00 : f32
          %max3A_332 = vector.broadcast %max3A_331 : f32 to vector<16xf32>
          %max3A_333 = arith.maximumf %add3A_330, %max3A_332 : vector<16xf32>
          %add3A_334 = arith.addf %add3A_317, %max3A_333 : vector<16xf32>
          %swap3A = arith.index_cast %scan3A_55 : i32 to index
          %swap3A_335 = arith.index_cast %mul3A_63 : i32 to index
          %swap3A_336 = tpu.vector_load %arg11[%swap3A, %swap3A_335] {strides = array<i32>} : memref<8x128xf32, #tpu.memory_space<vmem>>, vector<1x16xf32>,
          %swap3A_337 = vector.shape_cast %swap3A_336 : vector<1x16xf32> to vector<16xf32>
          %swap3A_338 = vector.shape_cast %add3A_334 : vector<16xf32> to vector<1x16xf32>
          tpu.vector_store %arg11[%swap3A, %swap3A_335], %swap3A_338 {strides = array<i32>} : memref<8x128xf32, #tpu.memory_space<vmem>>, vector<1x16xf32>,
        }
        %scan3A_60 = arith.constant 8 : i32
      }
      %scan3A_54 = arith.constant 8 : i32
      "tpu.region"() ({
        %run_scoped3A = tpu.sem_alloc : memref<!tpu.dma_semaphore, #tpu.memory_space<semaphore_mem>>
        %dma_start3A_55 = arith.constant 0 : i32
        %dma_start3A_56 = tpu.memref_slice %arg6[%mul3A_37, %dma_start3A_55] : memref<20000x128xf32, #tpu.memory_space<hbm>> -> memref<8x128xf32, #tpu.memory_space<hbm>>
        %dma_start3A_57 = arith.constant 0 : i32
        %dma_start3A_58 = tpu.memref_slice %arg6[%mul3A_37, %dma_start3A_57] : memref<20000x128xf32, #tpu.memory_space<hbm>> -> memref<8x128xf32, #tpu.memory_space<hbm>>
        tpu.enqueue_dma source(%arg11 : memref<8x128xf32, #tpu.memory_space<vmem>>) target(%dma_start3A_58 : memref<8x128xf32, #tpu.memory_space<hbm>>) target_semaphore(%run_scoped3A : memref<!tpu.dma_semaphore, #tpu.memory_space<semaphore_mem>>)
        %dma_wait3A_59 = arith.constant 0 : i32
        %dma_wait3A_60 = tpu.memref_slice %arg6[%mul3A_37, %dma_wait3A_59] : memref<20000x128xf32, #tpu.memory_space<hbm>> -> memref<8x128xf32, #tpu.memory_space<hbm>>
        %dma_wait3A_61 = arith.constant 0 : i32
        %dma_wait3A_62 = tpu.memref_slice %arg6[%mul3A_37, %dma_wait3A_61] : memref<20000x128xf32, #tpu.memory_space<hbm>> -> memref<8x128xf32, #tpu.memory_space<hbm>>
        tpu.wait_dma2 semaphore(%run_scoped3A : memref<!tpu.dma_semaphore, #tpu.memory_space<semaphore_mem>>) src(%arg11 : memref<8x128xf32, #tpu.memory_space<vmem>>) dst(%dma_wait3A_62 : memref<8x128xf32, #tpu.memory_space<hbm>>)
        tpu.yield
      }) : () -> ()
    }
    return
  }
}

#map = affine_map<(d0, d1) -> (0, 0)>
#map1 = affine_map<(d0, d1) -> (0)>
module attributes {stable_mosaic.version = 14 : i64} {
  func.func @_msg_body(%arg0: i32, %arg1: i32, %arg2: memref<20000x128xf32, #tpu.memory_space<hbm>>, %arg3: memref<20000x128xf32, #tpu.memory_space<hbm>>, %arg4: memref<320000xi32, #tpu.memory_space<hbm>>, %arg5: memref<320000xi32, #tpu.memory_space<hbm>>, %arg6: memref<20000x128xf32, #tpu.memory_space<hbm>>, %arg7: memref<128xi32, #tpu.memory_space<vmem>>, %arg8: memref<128xi32, #tpu.memory_space<vmem>>, %arg9: memref<128x128xf32, #tpu.memory_space<vmem>>, %arg10: memref<128x128xf32, #tpu.memory_space<vmem>>, %arg11: memref<8x128xf32, #tpu.memory_space<vmem>>, %arg12: memref<!tpu.dma_semaphore, #tpu.memory_space<semaphore_mem>>, %arg13: memref<!tpu.dma_semaphore, #tpu.memory_space<semaphore_mem>>) attributes {dimension_semantics = [#tpu.dimension_semantics<core_parallel>, #tpu.dimension_semantics<subcore_parallel>], iteration_bounds = array<i64: 2, 16>, scalar_prefetch = 0 : i64, scratch_operands = 7 : i64, tpu.core_type = #tpu.core_type<sc_vector_subcore>, window_params = [{transform_indices = #map}, {transform_indices = #map}, {transform_indices = #map1}, {transform_indices = #map1}, {transform_indices = #map}]} {
    %mul3A = arith.constant 2 : i32
    %mul3A_0 = arith.muli %arg1, %mul3A : i32
    %add3A = arith.addi %mul3A_0, %arg0 : i32
    %sub3A = arith.constant 2500 : i32
    %sub3A_1 = arith.subi %sub3A, %add3A : i32
    %add3A_2 = arith.constant 32 : i32
    %add3A_3 = arith.addi %sub3A_1, %add3A_2 : i32
    %sub3A_4 = arith.constant 1 : i32
    %sub3A_5 = arith.subi %add3A_3, %sub3A_4 : i32
    %jit3A = arith.constant 32 : i32
    %div3A = arith.divsi %sub3A_5, %jit3A : i32
    %sign3A = arith.constant 0 : i32
    %sign3A_6 = arith.cmpi sgt, %sub3A_5, %sign3A : i32
    %sign3A_7 = arith.extui %sign3A_6 : i1 to i32
    %sign3A_8 = arith.constant 0 : i32
    %sign3A_9 = arith.cmpi slt, %sub3A_5, %sign3A_8 : i32
    %sign3A_10 = arith.extui %sign3A_9 : i1 to i32
    %sign3A_11 = arith.subi %sign3A_7, %sign3A_10 : i32
    %sign3A_12 = arith.constant 0 : i32
    %sign3A_13 = arith.cmpi sgt, %jit3A, %sign3A_12 : i32
    %sign3A_14 = arith.extui %sign3A_13 : i1 to i32
    %sign3A_15 = arith.constant 0 : i32
    %sign3A_16 = arith.cmpi slt, %jit3A, %sign3A_15 : i32
    %sign3A_17 = arith.extui %sign3A_16 : i1 to i32
    %sign3A_18 = arith.subi %sign3A_14, %sign3A_17 : i32
    %ne3A = arith.cmpi ne, %sign3A_11, %sign3A_18 : i32
    %rem3A = arith.remsi %sub3A_5, %jit3A : i32
    %ne3A_19 = arith.constant 0 : i32
    %ne3A_20 = arith.cmpi ne, %rem3A, %ne3A_19 : i32
    %and3A = arith.andi %ne3A, %ne3A_20 : i1
    %sub3A_21 = arith.constant 1 : i32
    %sub3A_22 = arith.subi %div3A, %sub3A_21 : i32
    %select_n3A = arith.select %and3A, %sub3A_22, %div3A : i32
    %while3A = arith.constant 0 : i32
    %while3A_23 = arith.constant 0 : i32
    %while3A_24 = arith.subi %select_n3A, %while3A_23 : i32
    %while3A_25 = arith.addi %while3A_23, %while3A_24 : i32
    %while3A_26 = arith.constant 1 : i32
    %while3A_27 = arith.divsi %while3A_24, %while3A_26 : i32
    %while3A_28 = arith.muli %while3A_27, %while3A_26 : i32
    %while3A_29 = arith.addi %while3A_23, %while3A_28 : i32
    %while3A_30 = arith.constant 1 : i32
    scf.for %while3A_32 = %while3A_23 to %while3A_29 step %while3A_30  : i32 {
      %mul3A_33 = arith.constant 32 : i32
      %mul3A_34 = arith.muli %while3A_32, %mul3A_33 : i32
      %add3A_35 = arith.addi %add3A, %mul3A_34 : i32
      %mul3A_36 = arith.constant 8 : i32
      %mul3A_37 = arith.muli %add3A_35, %mul3A_36 : i32
      %mul3A_38 = arith.constant 16 : i32
      %mul3A_39 = arith.muli %mul3A_37, %mul3A_38 : i32
      "tpu.region"() ({
        %run_scoped3A = tpu.sem_alloc : memref<!tpu.dma_semaphore, #tpu.memory_space<semaphore_mem>>
        %dma_start3A_55 = tpu.memref_slice %arg4[%mul3A_39] : memref<320000xi32, #tpu.memory_space<hbm>> -> memref<128xi32, #tpu.memory_space<hbm>>
        %dma_start3A_56 = tpu.memref_slice %arg4[%mul3A_39] : memref<320000xi32, #tpu.memory_space<hbm>> -> memref<128xi32, #tpu.memory_space<hbm>>
        tpu.enqueue_dma source(%dma_start3A_56 : memref<128xi32, #tpu.memory_space<hbm>>) target(%arg7 : memref<128xi32, #tpu.memory_space<vmem>>) target_semaphore(%run_scoped3A : memref<!tpu.dma_semaphore, #tpu.memory_space<semaphore_mem>>)
        %dma_wait3A_57 = tpu.memref_slice %arg4[%mul3A_39] : memref<320000xi32, #tpu.memory_space<hbm>> -> memref<128xi32, #tpu.memory_space<hbm>>
        %dma_wait3A_58 = tpu.memref_slice %arg4[%mul3A_39] : memref<320000xi32, #tpu.memory_space<hbm>> -> memref<128xi32, #tpu.memory_space<hbm>>
        tpu.wait_dma2 semaphore(%run_scoped3A : memref<!tpu.dma_semaphore, #tpu.memory_space<semaphore_mem>>) src(%dma_wait3A_58 : memref<128xi32, #tpu.memory_space<hbm>>) dst(%arg7 : memref<128xi32, #tpu.memory_space<vmem>>)
        tpu.yield
      }) : () -> ()
      "tpu.region"() ({
        %run_scoped3A = tpu.sem_alloc : memref<!tpu.dma_semaphore, #tpu.memory_space<semaphore_mem>>
        %dma_start3A_55 = tpu.memref_slice %arg5[%mul3A_39] : memref<320000xi32, #tpu.memory_space<hbm>> -> memref<128xi32, #tpu.memory_space<hbm>>
        %dma_start3A_56 = tpu.memref_slice %arg5[%mul3A_39] : memref<320000xi32, #tpu.memory_space<hbm>> -> memref<128xi32, #tpu.memory_space<hbm>>
        tpu.enqueue_dma source(%dma_start3A_56 : memref<128xi32, #tpu.memory_space<hbm>>) target(%arg8 : memref<128xi32, #tpu.memory_space<vmem>>) target_semaphore(%run_scoped3A : memref<!tpu.dma_semaphore, #tpu.memory_space<semaphore_mem>>)
        %dma_wait3A_57 = tpu.memref_slice %arg5[%mul3A_39] : memref<320000xi32, #tpu.memory_space<hbm>> -> memref<128xi32, #tpu.memory_space<hbm>>
        %dma_wait3A_58 = tpu.memref_slice %arg5[%mul3A_39] : memref<320000xi32, #tpu.memory_space<hbm>> -> memref<128xi32, #tpu.memory_space<hbm>>
        tpu.wait_dma2 semaphore(%run_scoped3A : memref<!tpu.dma_semaphore, #tpu.memory_space<semaphore_mem>>) src(%dma_wait3A_58 : memref<128xi32, #tpu.memory_space<hbm>>) dst(%arg8 : memref<128xi32, #tpu.memory_space<vmem>>)
        tpu.yield
      }) : () -> ()
      %dma_start3A = arith.constant 0 : i32
      %dma_start3A_40 = arith.constant 0 : i32
      %dma_start3A_41 = tpu.memref_slice %arg2[%dma_start3A, %dma_start3A_40] : memref<20000x128xf32, #tpu.memory_space<hbm>> -> memref<20000x128xf32, #tpu.memory_space<hbm>>
      tpu.enqueue_indirect_dma source(%dma_start3A_41 : memref<20000x128xf32, #tpu.memory_space<hbm>>) target(%arg9 : memref<128x128xf32, #tpu.memory_space<vmem>>) offsets(%arg7 : memref<128xi32, #tpu.memory_space<vmem>>) semaphore(%arg12 : memref<!tpu.dma_semaphore, #tpu.memory_space<semaphore_mem>>)
      %dma_start3A_42 = arith.constant 0 : i32
      %dma_start3A_43 = arith.constant 0 : i32
      %dma_start3A_44 = tpu.memref_slice %arg3[%dma_start3A_42, %dma_start3A_43] : memref<20000x128xf32, #tpu.memory_space<hbm>> -> memref<20000x128xf32, #tpu.memory_space<hbm>>
      tpu.enqueue_indirect_dma source(%dma_start3A_44 : memref<20000x128xf32, #tpu.memory_space<hbm>>) target(%arg10 : memref<128x128xf32, #tpu.memory_space<vmem>>) offsets(%arg8 : memref<128xi32, #tpu.memory_space<vmem>>) semaphore(%arg13 : memref<!tpu.dma_semaphore, #tpu.memory_space<semaphore_mem>>)
      %dma_wait3A = arith.constant 0 : i32
      %dma_wait3A_45 = arith.constant 0 : i32
      %dma_wait3A_46 = tpu.memref_slice %arg2[%dma_wait3A, %dma_wait3A_45] : memref<20000x128xf32, #tpu.memory_space<hbm>> -> memref<20000x128xf32, #tpu.memory_space<hbm>>
      tpu.wait_indirect_dma semaphore(%arg12 : memref<!tpu.dma_semaphore, #tpu.memory_space<semaphore_mem>>) src(%dma_wait3A_46 : memref<20000x128xf32, #tpu.memory_space<hbm>>) dst(%arg9 : memref<128x128xf32, #tpu.memory_space<vmem>>)
      %dma_wait3A_47 = arith.constant 0 : i32
      %dma_wait3A_48 = arith.constant 0 : i32
      %dma_wait3A_49 = tpu.memref_slice %arg3[%dma_wait3A_47, %dma_wait3A_48] : memref<20000x128xf32, #tpu.memory_space<hbm>> -> memref<20000x128xf32, #tpu.memory_space<hbm>>
      tpu.wait_indirect_dma semaphore(%arg13 : memref<!tpu.dma_semaphore, #tpu.memory_space<semaphore_mem>>) src(%dma_wait3A_49 : memref<20000x128xf32, #tpu.memory_space<hbm>>) dst(%arg10 : memref<128x128xf32, #tpu.memory_space<vmem>>)
      %scan3A = arith.constant 0 : i32
      %scan3A_50 = arith.constant 0 : i32
      %scan3A_51 = arith.constant 8 : i32
      %scan3A_52 = arith.addi %scan3A_50, %scan3A_51 : i32
      %scan3A_53 = arith.constant 1 : i32
      scf.for %scan3A_55 = %scan3A_50 to %scan3A_52 step %scan3A_53  : i32 {
        %scan3A_56 = arith.constant 0 : i32
        %scan3A_57 = arith.constant 8 : i32
        %scan3A_58 = arith.addi %scan3A_56, %scan3A_57 : i32
        %scan3A_59 = arith.constant 1 : i32
        scf.for %scan3A_61 = %scan3A_56 to %scan3A_58 step %scan3A_59  : i32 {
          %mul3A_62 = arith.constant 16 : i32
          %mul3A_63 = arith.muli %scan3A_61, %mul3A_62 : i32
          %broadcast_in_dim3A = arith.constant 0.000000e+00 : f32
          %broadcast_in_dim3A_64 = vector.broadcast %broadcast_in_dim3A : f32 to vector<16xf32>
          %mul3A_65 = arith.constant 16 : i32
          %mul3A_66 = arith.muli %scan3A_55, %mul3A_65 : i32
          %add3A_67 = arith.constant 0 : i32
          %add3A_68 = arith.addi %mul3A_66, %add3A_67 : i32
          %get3A = arith.index_cast %add3A_68 : i32 to index
          %get3A_69 = arith.index_cast %mul3A_63 : i32 to index
          %get3A_70 = tpu.vector_load %arg9[%get3A, %get3A_69] {strides = array<i32>} : memref<128x128xf32, #tpu.memory_space<vmem>>, vector<1x16xf32>,
          %get3A_71 = vector.shape_cast %get3A_70 : vector<1x16xf32> to vector<16xf32>
          %get3A_72 = arith.index_cast %add3A_68 : i32 to index
          %get3A_73 = arith.index_cast %mul3A_63 : i32 to index
          %get3A_74 = tpu.vector_load %arg10[%get3A_72, %get3A_73] {strides = array<i32>} : memref<128x128xf32, #tpu.memory_space<vmem>>, vector<1x16xf32>,
          %get3A_75 = vector.shape_cast %get3A_74 : vector<1x16xf32> to vector<16xf32>
          %add3A_76 = arith.addf %get3A_71, %get3A_75 : vector<16xf32>
          %max3A = arith.constant 0.000000e+00 : f32
          %max3A_77 = vector.broadcast %max3A : f32 to vector<16xf32>
          %max3A_78 = arith.maximumf %add3A_76, %max3A_77 : vector<16xf32>
          %add3A_79 = arith.addf %broadcast_in_dim3A_64, %max3A_78 : vector<16xf32>
          %mul3A_80 = arith.constant 16 : i32
          %mul3A_81 = arith.muli %scan3A_55, %mul3A_80 : i32
          %add3A_82 = arith.constant 1 : i32
          %add3A_83 = arith.addi %mul3A_81, %add3A_82 : i32
          %get3A_84 = arith.index_cast %add3A_83 : i32 to index
          %get3A_85 = arith.index_cast %mul3A_63 : i32 to index
          %get3A_86 = tpu.vector_load %arg9[%get3A_84, %get3A_85] {strides = array<i32>} : memref<128x128xf32, #tpu.memory_space<vmem>>, vector<1x16xf32>,
          %get3A_87 = vector.shape_cast %get3A_86 : vector<1x16xf32> to vector<16xf32>
          %get3A_88 = arith.index_cast %add3A_83 : i32 to index
          %get3A_89 = arith.index_cast %mul3A_63 : i32 to index
          %get3A_90 = tpu.vector_load %arg10[%get3A_88, %get3A_89] {strides = array<i32>} : memref<128x128xf32, #tpu.memory_space<vmem>>, vector<1x16xf32>,
          %get3A_91 = vector.shape_cast %get3A_90 : vector<1x16xf32> to vector<16xf32>
          %add3A_92 = arith.addf %get3A_87, %get3A_91 : vector<16xf32>
          %max3A_93 = arith.constant 0.000000e+00 : f32
          %max3A_94 = vector.broadcast %max3A_93 : f32 to vector<16xf32>
          %max3A_95 = arith.maximumf %add3A_92, %max3A_94 : vector<16xf32>
          %add3A_96 = arith.addf %add3A_79, %max3A_95 : vector<16xf32>
          %mul3A_97 = arith.constant 16 : i32
          %mul3A_98 = arith.muli %scan3A_55, %mul3A_97 : i32
          %add3A_99 = arith.constant 2 : i32
          %add3A_100 = arith.addi %mul3A_98, %add3A_99 : i32
          %get3A_101 = arith.index_cast %add3A_100 : i32 to index
          %get3A_102 = arith.index_cast %mul3A_63 : i32 to index
          %get3A_103 = tpu.vector_load %arg9[%get3A_101, %get3A_102] {strides = array<i32>} : memref<128x128xf32, #tpu.memory_space<vmem>>, vector<1x16xf32>,
          %get3A_104 = vector.shape_cast %get3A_103 : vector<1x16xf32> to vector<16xf32>
          %get3A_105 = arith.index_cast %add3A_100 : i32 to index
          %get3A_106 = arith.index_cast %mul3A_63 : i32 to index
          %get3A_107 = tpu.vector_load %arg10[%get3A_105, %get3A_106] {strides = array<i32>} : memref<128x128xf32, #tpu.memory_space<vmem>>, vector<1x16xf32>,
          %get3A_108 = vector.shape_cast %get3A_107 : vector<1x16xf32> to vector<16xf32>
          %add3A_109 = arith.addf %get3A_104, %get3A_108 : vector<16xf32>
          %max3A_110 = arith.constant 0.000000e+00 : f32
          %max3A_111 = vector.broadcast %max3A_110 : f32 to vector<16xf32>
          %max3A_112 = arith.maximumf %add3A_109, %max3A_111 : vector<16xf32>
          %add3A_113 = arith.addf %add3A_96, %max3A_112 : vector<16xf32>
          %mul3A_114 = arith.constant 16 : i32
          %mul3A_115 = arith.muli %scan3A_55, %mul3A_114 : i32
          %add3A_116 = arith.constant 3 : i32
          %add3A_117 = arith.addi %mul3A_115, %add3A_116 : i32
          %get3A_118 = arith.index_cast %add3A_117 : i32 to index
          %get3A_119 = arith.index_cast %mul3A_63 : i32 to index
          %get3A_120 = tpu.vector_load %arg9[%get3A_118, %get3A_119] {strides = array<i32>} : memref<128x128xf32, #tpu.memory_space<vmem>>, vector<1x16xf32>,
          %get3A_121 = vector.shape_cast %get3A_120 : vector<1x16xf32> to vector<16xf32>
          %get3A_122 = arith.index_cast %add3A_117 : i32 to index
          %get3A_123 = arith.index_cast %mul3A_63 : i32 to index
          %get3A_124 = tpu.vector_load %arg10[%get3A_122, %get3A_123] {strides = array<i32>} : memref<128x128xf32, #tpu.memory_space<vmem>>, vector<1x16xf32>,
          %get3A_125 = vector.shape_cast %get3A_124 : vector<1x16xf32> to vector<16xf32>
          %add3A_126 = arith.addf %get3A_121, %get3A_125 : vector<16xf32>
          %max3A_127 = arith.constant 0.000000e+00 : f32
          %max3A_128 = vector.broadcast %max3A_127 : f32 to vector<16xf32>
          %max3A_129 = arith.maximumf %add3A_126, %max3A_128 : vector<16xf32>
          %add3A_130 = arith.addf %add3A_113, %max3A_129 : vector<16xf32>
          %mul3A_131 = arith.constant 16 : i32
          %mul3A_132 = arith.muli %scan3A_55, %mul3A_131 : i32
          %add3A_133 = arith.constant 4 : i32
          %add3A_134 = arith.addi %mul3A_132, %add3A_133 : i32
          %get3A_135 = arith.index_cast %add3A_134 : i32 to index
          %get3A_136 = arith.index_cast %mul3A_63 : i32 to index
          %get3A_137 = tpu.vector_load %arg9[%get3A_135, %get3A_136] {strides = array<i32>} : memref<128x128xf32, #tpu.memory_space<vmem>>, vector<1x16xf32>,
          %get3A_138 = vector.shape_cast %get3A_137 : vector<1x16xf32> to vector<16xf32>
          %get3A_139 = arith.index_cast %add3A_134 : i32 to index
          %get3A_140 = arith.index_cast %mul3A_63 : i32 to index
          %get3A_141 = tpu.vector_load %arg10[%get3A_139, %get3A_140] {strides = array<i32>} : memref<128x128xf32, #tpu.memory_space<vmem>>, vector<1x16xf32>,
          %get3A_142 = vector.shape_cast %get3A_141 : vector<1x16xf32> to vector<16xf32>
          %add3A_143 = arith.addf %get3A_138, %get3A_142 : vector<16xf32>
          %max3A_144 = arith.constant 0.000000e+00 : f32
          %max3A_145 = vector.broadcast %max3A_144 : f32 to vector<16xf32>
          %max3A_146 = arith.maximumf %add3A_143, %max3A_145 : vector<16xf32>
          %add3A_147 = arith.addf %add3A_130, %max3A_146 : vector<16xf32>
          %mul3A_148 = arith.constant 16 : i32
          %mul3A_149 = arith.muli %scan3A_55, %mul3A_148 : i32
          %add3A_150 = arith.constant 5 : i32
          %add3A_151 = arith.addi %mul3A_149, %add3A_150 : i32
          %get3A_152 = arith.index_cast %add3A_151 : i32 to index
          %get3A_153 = arith.index_cast %mul3A_63 : i32 to index
          %get3A_154 = tpu.vector_load %arg9[%get3A_152, %get3A_153] {strides = array<i32>} : memref<128x128xf32, #tpu.memory_space<vmem>>, vector<1x16xf32>,
          %get3A_155 = vector.shape_cast %get3A_154 : vector<1x16xf32> to vector<16xf32>
          %get3A_156 = arith.index_cast %add3A_151 : i32 to index
          %get3A_157 = arith.index_cast %mul3A_63 : i32 to index
          %get3A_158 = tpu.vector_load %arg10[%get3A_156, %get3A_157] {strides = array<i32>} : memref<128x128xf32, #tpu.memory_space<vmem>>, vector<1x16xf32>,
          %get3A_159 = vector.shape_cast %get3A_158 : vector<1x16xf32> to vector<16xf32>
          %add3A_160 = arith.addf %get3A_155, %get3A_159 : vector<16xf32>
          %max3A_161 = arith.constant 0.000000e+00 : f32
          %max3A_162 = vector.broadcast %max3A_161 : f32 to vector<16xf32>
          %max3A_163 = arith.maximumf %add3A_160, %max3A_162 : vector<16xf32>
          %add3A_164 = arith.addf %add3A_147, %max3A_163 : vector<16xf32>
          %mul3A_165 = arith.constant 16 : i32
          %mul3A_166 = arith.muli %scan3A_55, %mul3A_165 : i32
          %add3A_167 = arith.constant 6 : i32
          %add3A_168 = arith.addi %mul3A_166, %add3A_167 : i32
          %get3A_169 = arith.index_cast %add3A_168 : i32 to index
          %get3A_170 = arith.index_cast %mul3A_63 : i32 to index
          %get3A_171 = tpu.vector_load %arg9[%get3A_169, %get3A_170] {strides = array<i32>} : memref<128x128xf32, #tpu.memory_space<vmem>>, vector<1x16xf32>,
          %get3A_172 = vector.shape_cast %get3A_171 : vector<1x16xf32> to vector<16xf32>
          %get3A_173 = arith.index_cast %add3A_168 : i32 to index
          %get3A_174 = arith.index_cast %mul3A_63 : i32 to index
          %get3A_175 = tpu.vector_load %arg10[%get3A_173, %get3A_174] {strides = array<i32>} : memref<128x128xf32, #tpu.memory_space<vmem>>, vector<1x16xf32>,
          %get3A_176 = vector.shape_cast %get3A_175 : vector<1x16xf32> to vector<16xf32>
          %add3A_177 = arith.addf %get3A_172, %get3A_176 : vector<16xf32>
          %max3A_178 = arith.constant 0.000000e+00 : f32
          %max3A_179 = vector.broadcast %max3A_178 : f32 to vector<16xf32>
          %max3A_180 = arith.maximumf %add3A_177, %max3A_179 : vector<16xf32>
          %add3A_181 = arith.addf %add3A_164, %max3A_180 : vector<16xf32>
          %mul3A_182 = arith.constant 16 : i32
          %mul3A_183 = arith.muli %scan3A_55, %mul3A_182 : i32
          %add3A_184 = arith.constant 7 : i32
          %add3A_185 = arith.addi %mul3A_183, %add3A_184 : i32
          %get3A_186 = arith.index_cast %add3A_185 : i32 to index
          %get3A_187 = arith.index_cast %mul3A_63 : i32 to index
          %get3A_188 = tpu.vector_load %arg9[%get3A_186, %get3A_187] {strides = array<i32>} : memref<128x128xf32, #tpu.memory_space<vmem>>, vector<1x16xf32>,
          %get3A_189 = vector.shape_cast %get3A_188 : vector<1x16xf32> to vector<16xf32>
          %get3A_190 = arith.index_cast %add3A_185 : i32 to index
          %get3A_191 = arith.index_cast %mul3A_63 : i32 to index
          %get3A_192 = tpu.vector_load %arg10[%get3A_190, %get3A_191] {strides = array<i32>} : memref<128x128xf32, #tpu.memory_space<vmem>>, vector<1x16xf32>,
          %get3A_193 = vector.shape_cast %get3A_192 : vector<1x16xf32> to vector<16xf32>
          %add3A_194 = arith.addf %get3A_189, %get3A_193 : vector<16xf32>
          %max3A_195 = arith.constant 0.000000e+00 : f32
          %max3A_196 = vector.broadcast %max3A_195 : f32 to vector<16xf32>
          %max3A_197 = arith.maximumf %add3A_194, %max3A_196 : vector<16xf32>
          %add3A_198 = arith.addf %add3A_181, %max3A_197 : vector<16xf32>
          %mul3A_199 = arith.constant 16 : i32
          %mul3A_200 = arith.muli %scan3A_55, %mul3A_199 : i32
          %add3A_201 = arith.constant 8 : i32
          %add3A_202 = arith.addi %mul3A_200, %add3A_201 : i32
          %get3A_203 = arith.index_cast %add3A_202 : i32 to index
          %get3A_204 = arith.index_cast %mul3A_63 : i32 to index
          %get3A_205 = tpu.vector_load %arg9[%get3A_203, %get3A_204] {strides = array<i32>} : memref<128x128xf32, #tpu.memory_space<vmem>>, vector<1x16xf32>,
          %get3A_206 = vector.shape_cast %get3A_205 : vector<1x16xf32> to vector<16xf32>
          %get3A_207 = arith.index_cast %add3A_202 : i32 to index
          %get3A_208 = arith.index_cast %mul3A_63 : i32 to index
          %get3A_209 = tpu.vector_load %arg10[%get3A_207, %get3A_208] {strides = array<i32>} : memref<128x128xf32, #tpu.memory_space<vmem>>, vector<1x16xf32>,
          %get3A_210 = vector.shape_cast %get3A_209 : vector<1x16xf32> to vector<16xf32>
          %add3A_211 = arith.addf %get3A_206, %get3A_210 : vector<16xf32>
          %max3A_212 = arith.constant 0.000000e+00 : f32
          %max3A_213 = vector.broadcast %max3A_212 : f32 to vector<16xf32>
          %max3A_214 = arith.maximumf %add3A_211, %max3A_213 : vector<16xf32>
          %add3A_215 = arith.addf %add3A_198, %max3A_214 : vector<16xf32>
          %mul3A_216 = arith.constant 16 : i32
          %mul3A_217 = arith.muli %scan3A_55, %mul3A_216 : i32
          %add3A_218 = arith.constant 9 : i32
          %add3A_219 = arith.addi %mul3A_217, %add3A_218 : i32
          %get3A_220 = arith.index_cast %add3A_219 : i32 to index
          %get3A_221 = arith.index_cast %mul3A_63 : i32 to index
          %get3A_222 = tpu.vector_load %arg9[%get3A_220, %get3A_221] {strides = array<i32>} : memref<128x128xf32, #tpu.memory_space<vmem>>, vector<1x16xf32>,
          %get3A_223 = vector.shape_cast %get3A_222 : vector<1x16xf32> to vector<16xf32>
          %get3A_224 = arith.index_cast %add3A_219 : i32 to index
          %get3A_225 = arith.index_cast %mul3A_63 : i32 to index
          %get3A_226 = tpu.vector_load %arg10[%get3A_224, %get3A_225] {strides = array<i32>} : memref<128x128xf32, #tpu.memory_space<vmem>>, vector<1x16xf32>,
          %get3A_227 = vector.shape_cast %get3A_226 : vector<1x16xf32> to vector<16xf32>
          %add3A_228 = arith.addf %get3A_223, %get3A_227 : vector<16xf32>
          %max3A_229 = arith.constant 0.000000e+00 : f32
          %max3A_230 = vector.broadcast %max3A_229 : f32 to vector<16xf32>
          %max3A_231 = arith.maximumf %add3A_228, %max3A_230 : vector<16xf32>
          %add3A_232 = arith.addf %add3A_215, %max3A_231 : vector<16xf32>
          %mul3A_233 = arith.constant 16 : i32
          %mul3A_234 = arith.muli %scan3A_55, %mul3A_233 : i32
          %add3A_235 = arith.constant 10 : i32
          %add3A_236 = arith.addi %mul3A_234, %add3A_235 : i32
          %get3A_237 = arith.index_cast %add3A_236 : i32 to index
          %get3A_238 = arith.index_cast %mul3A_63 : i32 to index
          %get3A_239 = tpu.vector_load %arg9[%get3A_237, %get3A_238] {strides = array<i32>} : memref<128x128xf32, #tpu.memory_space<vmem>>, vector<1x16xf32>,
          %get3A_240 = vector.shape_cast %get3A_239 : vector<1x16xf32> to vector<16xf32>
          %get3A_241 = arith.index_cast %add3A_236 : i32 to index
          %get3A_242 = arith.index_cast %mul3A_63 : i32 to index
          %get3A_243 = tpu.vector_load %arg10[%get3A_241, %get3A_242] {strides = array<i32>} : memref<128x128xf32, #tpu.memory_space<vmem>>, vector<1x16xf32>,
          %get3A_244 = vector.shape_cast %get3A_243 : vector<1x16xf32> to vector<16xf32>
          %add3A_245 = arith.addf %get3A_240, %get3A_244 : vector<16xf32>
          %max3A_246 = arith.constant 0.000000e+00 : f32
          %max3A_247 = vector.broadcast %max3A_246 : f32 to vector<16xf32>
          %max3A_248 = arith.maximumf %add3A_245, %max3A_247 : vector<16xf32>
          %add3A_249 = arith.addf %add3A_232, %max3A_248 : vector<16xf32>
          %mul3A_250 = arith.constant 16 : i32
          %mul3A_251 = arith.muli %scan3A_55, %mul3A_250 : i32
          %add3A_252 = arith.constant 11 : i32
          %add3A_253 = arith.addi %mul3A_251, %add3A_252 : i32
          %get3A_254 = arith.index_cast %add3A_253 : i32 to index
          %get3A_255 = arith.index_cast %mul3A_63 : i32 to index
          %get3A_256 = tpu.vector_load %arg9[%get3A_254, %get3A_255] {strides = array<i32>} : memref<128x128xf32, #tpu.memory_space<vmem>>, vector<1x16xf32>,
          %get3A_257 = vector.shape_cast %get3A_256 : vector<1x16xf32> to vector<16xf32>
          %get3A_258 = arith.index_cast %add3A_253 : i32 to index
          %get3A_259 = arith.index_cast %mul3A_63 : i32 to index
          %get3A_260 = tpu.vector_load %arg10[%get3A_258, %get3A_259] {strides = array<i32>} : memref<128x128xf32, #tpu.memory_space<vmem>>, vector<1x16xf32>,
          %get3A_261 = vector.shape_cast %get3A_260 : vector<1x16xf32> to vector<16xf32>
          %add3A_262 = arith.addf %get3A_257, %get3A_261 : vector<16xf32>
          %max3A_263 = arith.constant 0.000000e+00 : f32
          %max3A_264 = vector.broadcast %max3A_263 : f32 to vector<16xf32>
          %max3A_265 = arith.maximumf %add3A_262, %max3A_264 : vector<16xf32>
          %add3A_266 = arith.addf %add3A_249, %max3A_265 : vector<16xf32>
          %mul3A_267 = arith.constant 16 : i32
          %mul3A_268 = arith.muli %scan3A_55, %mul3A_267 : i32
          %add3A_269 = arith.constant 12 : i32
          %add3A_270 = arith.addi %mul3A_268, %add3A_269 : i32
          %get3A_271 = arith.index_cast %add3A_270 : i32 to index
          %get3A_272 = arith.index_cast %mul3A_63 : i32 to index
          %get3A_273 = tpu.vector_load %arg9[%get3A_271, %get3A_272] {strides = array<i32>} : memref<128x128xf32, #tpu.memory_space<vmem>>, vector<1x16xf32>,
          %get3A_274 = vector.shape_cast %get3A_273 : vector<1x16xf32> to vector<16xf32>
          %get3A_275 = arith.index_cast %add3A_270 : i32 to index
          %get3A_276 = arith.index_cast %mul3A_63 : i32 to index
          %get3A_277 = tpu.vector_load %arg10[%get3A_275, %get3A_276] {strides = array<i32>} : memref<128x128xf32, #tpu.memory_space<vmem>>, vector<1x16xf32>,
          %get3A_278 = vector.shape_cast %get3A_277 : vector<1x16xf32> to vector<16xf32>
          %add3A_279 = arith.addf %get3A_274, %get3A_278 : vector<16xf32>
          %max3A_280 = arith.constant 0.000000e+00 : f32
          %max3A_281 = vector.broadcast %max3A_280 : f32 to vector<16xf32>
          %max3A_282 = arith.maximumf %add3A_279, %max3A_281 : vector<16xf32>
          %add3A_283 = arith.addf %add3A_266, %max3A_282 : vector<16xf32>
          %mul3A_284 = arith.constant 16 : i32
          %mul3A_285 = arith.muli %scan3A_55, %mul3A_284 : i32
          %add3A_286 = arith.constant 13 : i32
          %add3A_287 = arith.addi %mul3A_285, %add3A_286 : i32
          %get3A_288 = arith.index_cast %add3A_287 : i32 to index
          %get3A_289 = arith.index_cast %mul3A_63 : i32 to index
          %get3A_290 = tpu.vector_load %arg9[%get3A_288, %get3A_289] {strides = array<i32>} : memref<128x128xf32, #tpu.memory_space<vmem>>, vector<1x16xf32>,
          %get3A_291 = vector.shape_cast %get3A_290 : vector<1x16xf32> to vector<16xf32>
          %get3A_292 = arith.index_cast %add3A_287 : i32 to index
          %get3A_293 = arith.index_cast %mul3A_63 : i32 to index
          %get3A_294 = tpu.vector_load %arg10[%get3A_292, %get3A_293] {strides = array<i32>} : memref<128x128xf32, #tpu.memory_space<vmem>>, vector<1x16xf32>,
          %get3A_295 = vector.shape_cast %get3A_294 : vector<1x16xf32> to vector<16xf32>
          %add3A_296 = arith.addf %get3A_291, %get3A_295 : vector<16xf32>
          %max3A_297 = arith.constant 0.000000e+00 : f32
          %max3A_298 = vector.broadcast %max3A_297 : f32 to vector<16xf32>
          %max3A_299 = arith.maximumf %add3A_296, %max3A_298 : vector<16xf32>
          %add3A_300 = arith.addf %add3A_283, %max3A_299 : vector<16xf32>
          %mul3A_301 = arith.constant 16 : i32
          %mul3A_302 = arith.muli %scan3A_55, %mul3A_301 : i32
          %add3A_303 = arith.constant 14 : i32
          %add3A_304 = arith.addi %mul3A_302, %add3A_303 : i32
          %get3A_305 = arith.index_cast %add3A_304 : i32 to index
          %get3A_306 = arith.index_cast %mul3A_63 : i32 to index
          %get3A_307 = tpu.vector_load %arg9[%get3A_305, %get3A_306] {strides = array<i32>} : memref<128x128xf32, #tpu.memory_space<vmem>>, vector<1x16xf32>,
          %get3A_308 = vector.shape_cast %get3A_307 : vector<1x16xf32> to vector<16xf32>
          %get3A_309 = arith.index_cast %add3A_304 : i32 to index
          %get3A_310 = arith.index_cast %mul3A_63 : i32 to index
          %get3A_311 = tpu.vector_load %arg10[%get3A_309, %get3A_310] {strides = array<i32>} : memref<128x128xf32, #tpu.memory_space<vmem>>, vector<1x16xf32>,
          %get3A_312 = vector.shape_cast %get3A_311 : vector<1x16xf32> to vector<16xf32>
          %add3A_313 = arith.addf %get3A_308, %get3A_312 : vector<16xf32>
          %max3A_314 = arith.constant 0.000000e+00 : f32
          %max3A_315 = vector.broadcast %max3A_314 : f32 to vector<16xf32>
          %max3A_316 = arith.maximumf %add3A_313, %max3A_315 : vector<16xf32>
          %add3A_317 = arith.addf %add3A_300, %max3A_316 : vector<16xf32>
          %mul3A_318 = arith.constant 16 : i32
          %mul3A_319 = arith.muli %scan3A_55, %mul3A_318 : i32
          %add3A_320 = arith.constant 15 : i32
          %add3A_321 = arith.addi %mul3A_319, %add3A_320 : i32
          %get3A_322 = arith.index_cast %add3A_321 : i32 to index
          %get3A_323 = arith.index_cast %mul3A_63 : i32 to index
          %get3A_324 = tpu.vector_load %arg9[%get3A_322, %get3A_323] {strides = array<i32>} : memref<128x128xf32, #tpu.memory_space<vmem>>, vector<1x16xf32>,
          %get3A_325 = vector.shape_cast %get3A_324 : vector<1x16xf32> to vector<16xf32>
          %get3A_326 = arith.index_cast %add3A_321 : i32 to index
          %get3A_327 = arith.index_cast %mul3A_63 : i32 to index
          %get3A_328 = tpu.vector_load %arg10[%get3A_326, %get3A_327] {strides = array<i32>} : memref<128x128xf32, #tpu.memory_space<vmem>>, vector<1x16xf32>,
          %get3A_329 = vector.shape_cast %get3A_328 : vector<1x16xf32> to vector<16xf32>
          %add3A_330 = arith.addf %get3A_325, %get3A_329 : vector<16xf32>
          %max3A_331 = arith.constant 0.000000e+00 : f32
          %max3A_332 = vector.broadcast %max3A_331 : f32 to vector<16xf32>
          %max3A_333 = arith.maximumf %add3A_330, %max3A_332 : vector<16xf32>
          %add3A_334 = arith.addf %add3A_317, %max3A_333 : vector<16xf32>
          %swap3A = arith.index_cast %scan3A_55 : i32 to index
          %swap3A_335 = arith.index_cast %mul3A_63 : i32 to index
          %swap3A_336 = tpu.vector_load %arg11[%swap3A, %swap3A_335] {strides = array<i32>} : memref<8x128xf32, #tpu.memory_space<vmem>>, vector<1x16xf32>,
          %swap3A_337 = vector.shape_cast %swap3A_336 : vector<1x16xf32> to vector<16xf32>
          %swap3A_338 = vector.shape_cast %add3A_334 : vector<16xf32> to vector<1x16xf32>
          tpu.vector_store %arg11[%swap3A, %swap3A_335], %swap3A_338 {strides = array<i32>} : memref<8x128xf32, #tpu.memory_space<vmem>>, vector<1x16xf32>,
        }
        %scan3A_60 = arith.constant 8 : i32
      }
      %scan3A_54 = arith.constant 8 : i32
      "tpu.region"() ({
        %run_scoped3A = tpu.sem_alloc : memref<!tpu.dma_semaphore, #tpu.memory_space<semaphore_mem>>
        %dma_start3A_55 = arith.constant 0 : i32
        %dma_start3A_56 = tpu.memref_slice %arg6[%mul3A_37, %dma_start3A_55] : memref<20000x128xf32, #tpu.memory_space<hbm>> -> memref<8x128xf32, #tpu.memory_space<hbm>>
        %dma_start3A_57 = arith.constant 0 : i32
        %dma_start3A_58 = tpu.memref_slice %arg6[%mul3A_37, %dma_start3A_57] : memref<20000x128xf32, #tpu.memory_space<hbm>> -> memref<8x128xf32, #tpu.memory_space<hbm>>
        tpu.enqueue_dma source(%arg11 : memref<8x128xf32, #tpu.memory_space<vmem>>) target(%dma_start3A_58 : memref<8x128xf32, #tpu.memory_space<hbm>>) target_semaphore(%run_scoped3A : memref<!tpu.dma_semaphore, #tpu.memory_space<semaphore_mem>>)
        %dma_wait3A_59 = arith.constant 0 : i32
        %dma_wait3A_60 = tpu.memref_slice %arg6[%mul3A_37, %dma_wait3A_59] : memref<20000x128xf32, #tpu.memory_space<hbm>> -> memref<8x128xf32, #tpu.memory_space<hbm>>
        %dma_wait3A_61 = arith.constant 0 : i32
        %dma_wait3A_62 = tpu.memref_slice %arg6[%mul3A_37, %dma_wait3A_61] : memref<20000x128xf32, #tpu.memory_space<hbm>> -> memref<8x128xf32, #tpu.memory_space<hbm>>
        tpu.wait_dma2 semaphore(%run_scoped3A : memref<!tpu.dma_semaphore, #tpu.memory_space<semaphore_mem>>) src(%arg11 : memref<8x128xf32, #tpu.memory_space<vmem>>) dst(%dma_wait3A_62 : memref<8x128xf32, #tpu.memory_space<hbm>>)
        tpu.yield
      }) : () -> ()
    }
    %while3A_31 = arith.constant 1 : i32
    scf.for %while3A_32 = %while3A_29 to %while3A_25 step %while3A_31  : i32 {
      %mul3A_33 = arith.constant 32 : i32
      %mul3A_34 = arith.muli %while3A_32, %mul3A_33 : i32
      %add3A_35 = arith.addi %add3A, %mul3A_34 : i32
      %mul3A_36 = arith.constant 8 : i32
      %mul3A_37 = arith.muli %add3A_35, %mul3A_36 : i32
      %mul3A_38 = arith.constant 16 : i32
      %mul3A_39 = arith.muli %mul3A_37, %mul3A_38 : i32
      "tpu.region"() ({
        %run_scoped3A = tpu.sem_alloc : memref<!tpu.dma_semaphore, #tpu.memory_space<semaphore_mem>>
        %dma_start3A_55 = tpu.memref_slice %arg4[%mul3A_39] : memref<320000xi32, #tpu.memory_space<hbm>> -> memref<128xi32, #tpu.memory_space<hbm>>
        %dma_start3A_56 = tpu.memref_slice %arg4[%mul3A_39] : memref<320000xi32, #tpu.memory_space<hbm>> -> memref<128xi32, #tpu.memory_space<hbm>>
        tpu.enqueue_dma source(%dma_start3A_56 : memref<128xi32, #tpu.memory_space<hbm>>) target(%arg7 : memref<128xi32, #tpu.memory_space<vmem>>) target_semaphore(%run_scoped3A : memref<!tpu.dma_semaphore, #tpu.memory_space<semaphore_mem>>)
        %dma_wait3A_57 = tpu.memref_slice %arg4[%mul3A_39] : memref<320000xi32, #tpu.memory_space<hbm>> -> memref<128xi32, #tpu.memory_space<hbm>>
        %dma_wait3A_58 = tpu.memref_slice %arg4[%mul3A_39] : memref<320000xi32, #tpu.memory_space<hbm>> -> memref<128xi32, #tpu.memory_space<hbm>>
        tpu.wait_dma2 semaphore(%run_scoped3A : memref<!tpu.dma_semaphore, #tpu.memory_space<semaphore_mem>>) src(%dma_wait3A_58 : memref<128xi32, #tpu.memory_space<hbm>>) dst(%arg7 : memref<128xi32, #tpu.memory_space<vmem>>)
        tpu.yield
      }) : () -> ()
      "tpu.region"() ({
        %run_scoped3A = tpu.sem_alloc : memref<!tpu.dma_semaphore, #tpu.memory_space<semaphore_mem>>
        %dma_start3A_55 = tpu.memref_slice %arg5[%mul3A_39] : memref<320000xi32, #tpu.memory_space<hbm>> -> memref<128xi32, #tpu.memory_space<hbm>>
        %dma_start3A_56 = tpu.memref_slice %arg5[%mul3A_39] : memref<320000xi32, #tpu.memory_space<hbm>> -> memref<128xi32, #tpu.memory_space<hbm>>
        tpu.enqueue_dma source(%dma_start3A_56 : memref<128xi32, #tpu.memory_space<hbm>>) target(%arg8 : memref<128xi32, #tpu.memory_space<vmem>>) target_semaphore(%run_scoped3A : memref<!tpu.dma_semaphore, #tpu.memory_space<semaphore_mem>>)
        %dma_wait3A_57 = tpu.memref_slice %arg5[%mul3A_39] : memref<320000xi32, #tpu.memory_space<hbm>> -> memref<128xi32, #tpu.memory_space<hbm>>
        %dma_wait3A_58 = tpu.memref_slice %arg5[%mul3A_39] : memref<320000xi32, #tpu.memory_space<hbm>> -> memref<128xi32, #tpu.memory_space<hbm>>
        tpu.wait_dma2 semaphore(%run_scoped3A : memref<!tpu.dma_semaphore, #tpu.memory_space<semaphore_mem>>) src(%dma_wait3A_58 : memref<128xi32, #tpu.memory_space<hbm>>) dst(%arg8 : memref<128xi32, #tpu.memory_space<vmem>>)
        tpu.yield
      }) : () -> ()
      %dma_start3A = arith.constant 0 : i32
      %dma_start3A_40 = arith.constant 0 : i32
      %dma_start3A_41 = tpu.memref_slice %arg2[%dma_start3A, %dma_start3A_40] : memref<20000x128xf32, #tpu.memory_space<hbm>> -> memref<20000x128xf32, #tpu.memory_space<hbm>>
      tpu.enqueue_indirect_dma source(%dma_start3A_41 : memref<20000x128xf32, #tpu.memory_space<hbm>>) target(%arg9 : memref<128x128xf32, #tpu.memory_space<vmem>>) offsets(%arg7 : memref<128xi32, #tpu.memory_space<vmem>>) semaphore(%arg12 : memref<!tpu.dma_semaphore, #tpu.memory_space<semaphore_mem>>)
      %dma_start3A_42 = arith.constant 0 : i32
      %dma_start3A_43 = arith.constant 0 : i32
      %dma_start3A_44 = tpu.memref_slice %arg3[%dma_start3A_42, %dma_start3A_43] : memref<20000x128xf32, #tpu.memory_space<hbm>> -> memref<20000x128xf32, #tpu.memory_space<hbm>>
      tpu.enqueue_indirect_dma source(%dma_start3A_44 : memref<20000x128xf32, #tpu.memory_space<hbm>>) target(%arg10 : memref<128x128xf32, #tpu.memory_space<vmem>>) offsets(%arg8 : memref<128xi32, #tpu.memory_space<vmem>>) semaphore(%arg13 : memref<!tpu.dma_semaphore, #tpu.memory_space<semaphore_mem>>)
      %dma_wait3A = arith.constant 0 : i32
      %dma_wait3A_45 = arith.constant 0 : i32
      %dma_wait3A_46 = tpu.memref_slice %arg2[%dma_wait3A, %dma_wait3A_45] : memref<20000x128xf32, #tpu.memory_space<hbm>> -> memref<20000x128xf32, #tpu.memory_space<hbm>>
      tpu.wait_indirect_dma semaphore(%arg12 : memref<!tpu.dma_semaphore, #tpu.memory_space<semaphore_mem>>) src(%dma_wait3A_46 : memref<20000x128xf32, #tpu.memory_space<hbm>>) dst(%arg9 : memref<128x128xf32, #tpu.memory_space<vmem>>)
      %dma_wait3A_47 = arith.constant 0 : i32
      %dma_wait3A_48 = arith.constant 0 : i32
      %dma_wait3A_49 = tpu.memref_slice %arg3[%dma_wait3A_47, %dma_wait3A_48] : memref<20000x128xf32, #tpu.memory_space<hbm>> -> memref<20000x128xf32, #tpu.memory_space<hbm>>
      tpu.wait_indirect_dma semaphore(%arg13 : memref<!tpu.dma_semaphore, #tpu.memory_space<semaphore_mem>>) src(%dma_wait3A_49 : memref<20000x128xf32, #tpu.memory_space<hbm>>) dst(%arg10 : memref<128x128xf32, #tpu.memory_space<vmem>>)
      %scan3A = arith.constant 0 : i32
      %scan3A_50 = arith.constant 0 : i32
      %scan3A_51 = arith.constant 8 : i32
      %scan3A_52 = arith.addi %scan3A_50, %scan3A_51 : i32
      %scan3A_53 = arith.constant 1 : i32
      scf.for %scan3A_55 = %scan3A_50 to %scan3A_52 step %scan3A_53  : i32 {
        %scan3A_56 = arith.constant 0 : i32
        %scan3A_57 = arith.constant 8 : i32
        %scan3A_58 = arith.addi %scan3A_56, %scan3A_57 : i32
        %scan3A_59 = arith.constant 1 : i32
        scf.for %scan3A_61 = %scan3A_56 to %scan3A_58 step %scan3A_59  : i32 {
          %mul3A_62 = arith.constant 16 : i32
          %mul3A_63 = arith.muli %scan3A_61, %mul3A_62 : i32
          %broadcast_in_dim3A = arith.constant 0.000000e+00 : f32
          %broadcast_in_dim3A_64 = vector.broadcast %broadcast_in_dim3A : f32 to vector<16xf32>
          %mul3A_65 = arith.constant 16 : i32
          %mul3A_66 = arith.muli %scan3A_55, %mul3A_65 : i32
          %add3A_67 = arith.constant 0 : i32
          %add3A_68 = arith.addi %mul3A_66, %add3A_67 : i32
          %get3A = arith.index_cast %add3A_68 : i32 to index
          %get3A_69 = arith.index_cast %mul3A_63 : i32 to index
          %get3A_70 = tpu.vector_load %arg9[%get3A, %get3A_69] {strides = array<i32>} : memref<128x128xf32, #tpu.memory_space<vmem>>, vector<1x16xf32>,
          %get3A_71 = vector.shape_cast %get3A_70 : vector<1x16xf32> to vector<16xf32>
          %get3A_72 = arith.index_cast %add3A_68 : i32 to index
          %get3A_73 = arith.index_cast %mul3A_63 : i32 to index
          %get3A_74 = tpu.vector_load %arg10[%get3A_72, %get3A_73] {strides = array<i32>} : memref<128x128xf32, #tpu.memory_space<vmem>>, vector<1x16xf32>,
          %get3A_75 = vector.shape_cast %get3A_74 : vector<1x16xf32> to vector<16xf32>
          %add3A_76 = arith.addf %get3A_71, %get3A_75 : vector<16xf32>
          %max3A = arith.constant 0.000000e+00 : f32
          %max3A_77 = vector.broadcast %max3A : f32 to vector<16xf32>
          %max3A_78 = arith.maximumf %add3A_76, %max3A_77 : vector<16xf32>
          %add3A_79 = arith.addf %broadcast_in_dim3A_64, %max3A_78 : vector<16xf32>
          %mul3A_80 = arith.constant 16 : i32
          %mul3A_81 = arith.muli %scan3A_55, %mul3A_80 : i32
          %add3A_82 = arith.constant 1 : i32
          %add3A_83 = arith.addi %mul3A_81, %add3A_82 : i32
          %get3A_84 = arith.index_cast %add3A_83 : i32 to index
          %get3A_85 = arith.index_cast %mul3A_63 : i32 to index
          %get3A_86 = tpu.vector_load %arg9[%get3A_84, %get3A_85] {strides = array<i32>} : memref<128x128xf32, #tpu.memory_space<vmem>>, vector<1x16xf32>,
          %get3A_87 = vector.shape_cast %get3A_86 : vector<1x16xf32> to vector<16xf32>
          %get3A_88 = arith.index_cast %add3A_83 : i32 to index
          %get3A_89 = arith.index_cast %mul3A_63 : i32 to index
          %get3A_90 = tpu.vector_load %arg10[%get3A_88, %get3A_89] {strides = array<i32>} : memref<128x128xf32, #tpu.memory_space<vmem>>, vector<1x16xf32>,
          %get3A_91 = vector.shape_cast %get3A_90 : vector<1x16xf32> to vector<16xf32>
          %add3A_92 = arith.addf %get3A_87, %get3A_91 : vector<16xf32>
          %max3A_93 = arith.constant 0.000000e+00 : f32
          %max3A_94 = vector.broadcast %max3A_93 : f32 to vector<16xf32>
          %max3A_95 = arith.maximumf %add3A_92, %max3A_94 : vector<16xf32>
          %add3A_96 = arith.addf %add3A_79, %max3A_95 : vector<16xf32>
          %mul3A_97 = arith.constant 16 : i32
          %mul3A_98 = arith.muli %scan3A_55, %mul3A_97 : i32
          %add3A_99 = arith.constant 2 : i32
          %add3A_100 = arith.addi %mul3A_98, %add3A_99 : i32
          %get3A_101 = arith.index_cast %add3A_100 : i32 to index
          %get3A_102 = arith.index_cast %mul3A_63 : i32 to index
          %get3A_103 = tpu.vector_load %arg9[%get3A_101, %get3A_102] {strides = array<i32>} : memref<128x128xf32, #tpu.memory_space<vmem>>, vector<1x16xf32>,
          %get3A_104 = vector.shape_cast %get3A_103 : vector<1x16xf32> to vector<16xf32>
          %get3A_105 = arith.index_cast %add3A_100 : i32 to index
          %get3A_106 = arith.index_cast %mul3A_63 : i32 to index
          %get3A_107 = tpu.vector_load %arg10[%get3A_105, %get3A_106] {strides = array<i32>} : memref<128x128xf32, #tpu.memory_space<vmem>>, vector<1x16xf32>,
          %get3A_108 = vector.shape_cast %get3A_107 : vector<1x16xf32> to vector<16xf32>
          %add3A_109 = arith.addf %get3A_104, %get3A_108 : vector<16xf32>
          %max3A_110 = arith.constant 0.000000e+00 : f32
          %max3A_111 = vector.broadcast %max3A_110 : f32 to vector<16xf32>
          %max3A_112 = arith.maximumf %add3A_109, %max3A_111 : vector<16xf32>
          %add3A_113 = arith.addf %add3A_96, %max3A_112 : vector<16xf32>
          %mul3A_114 = arith.constant 16 : i32
          %mul3A_115 = arith.muli %scan3A_55, %mul3A_114 : i32
          %add3A_116 = arith.constant 3 : i32
          %add3A_117 = arith.addi %mul3A_115, %add3A_116 : i32
          %get3A_118 = arith.index_cast %add3A_117 : i32 to index
          %get3A_119 = arith.index_cast %mul3A_63 : i32 to index
          %get3A_120 = tpu.vector_load %arg9[%get3A_118, %get3A_119] {strides = array<i32>} : memref<128x128xf32, #tpu.memory_space<vmem>>, vector<1x16xf32>,
          %get3A_121 = vector.shape_cast %get3A_120 : vector<1x16xf32> to vector<16xf32>
          %get3A_122 = arith.index_cast %add3A_117 : i32 to index
          %get3A_123 = arith.index_cast %mul3A_63 : i32 to index
          %get3A_124 = tpu.vector_load %arg10[%get3A_122, %get3A_123] {strides = array<i32>} : memref<128x128xf32, #tpu.memory_space<vmem>>, vector<1x16xf32>,
          %get3A_125 = vector.shape_cast %get3A_124 : vector<1x16xf32> to vector<16xf32>
          %add3A_126 = arith.addf %get3A_121, %get3A_125 : vector<16xf32>
          %max3A_127 = arith.constant 0.000000e+00 : f32
          %max3A_128 = vector.broadcast %max3A_127 : f32 to vector<16xf32>
          %max3A_129 = arith.maximumf %add3A_126, %max3A_128 : vector<16xf32>
          %add3A_130 = arith.addf %add3A_113, %max3A_129 : vector<16xf32>
          %mul3A_131 = arith.constant 16 : i32
          %mul3A_132 = arith.muli %scan3A_55, %mul3A_131 : i32
          %add3A_133 = arith.constant 4 : i32
          %add3A_134 = arith.addi %mul3A_132, %add3A_133 : i32
          %get3A_135 = arith.index_cast %add3A_134 : i32 to index
          %get3A_136 = arith.index_cast %mul3A_63 : i32 to index
          %get3A_137 = tpu.vector_load %arg9[%get3A_135, %get3A_136] {strides = array<i32>} : memref<128x128xf32, #tpu.memory_space<vmem>>, vector<1x16xf32>,
          %get3A_138 = vector.shape_cast %get3A_137 : vector<1x16xf32> to vector<16xf32>
          %get3A_139 = arith.index_cast %add3A_134 : i32 to index
          %get3A_140 = arith.index_cast %mul3A_63 : i32 to index
          %get3A_141 = tpu.vector_load %arg10[%get3A_139, %get3A_140] {strides = array<i32>} : memref<128x128xf32, #tpu.memory_space<vmem>>, vector<1x16xf32>,
          %get3A_142 = vector.shape_cast %get3A_141 : vector<1x16xf32> to vector<16xf32>
          %add3A_143 = arith.addf %get3A_138, %get3A_142 : vector<16xf32>
          %max3A_144 = arith.constant 0.000000e+00 : f32
          %max3A_145 = vector.broadcast %max3A_144 : f32 to vector<16xf32>
          %max3A_146 = arith.maximumf %add3A_143, %max3A_145 : vector<16xf32>
          %add3A_147 = arith.addf %add3A_130, %max3A_146 : vector<16xf32>
          %mul3A_148 = arith.constant 16 : i32
          %mul3A_149 = arith.muli %scan3A_55, %mul3A_148 : i32
          %add3A_150 = arith.constant 5 : i32
          %add3A_151 = arith.addi %mul3A_149, %add3A_150 : i32
          %get3A_152 = arith.index_cast %add3A_151 : i32 to index
          %get3A_153 = arith.index_cast %mul3A_63 : i32 to index
          %get3A_154 = tpu.vector_load %arg9[%get3A_152, %get3A_153] {strides = array<i32>} : memref<128x128xf32, #tpu.memory_space<vmem>>, vector<1x16xf32>,
          %get3A_155 = vector.shape_cast %get3A_154 : vector<1x16xf32> to vector<16xf32>
          %get3A_156 = arith.index_cast %add3A_151 : i32 to index
          %get3A_157 = arith.index_cast %mul3A_63 : i32 to index
          %get3A_158 = tpu.vector_load %arg10[%get3A_156, %get3A_157] {strides = array<i32>} : memref<128x128xf32, #tpu.memory_space<vmem>>, vector<1x16xf32>,
          %get3A_159 = vector.shape_cast %get3A_158 : vector<1x16xf32> to vector<16xf32>
          %add3A_160 = arith.addf %get3A_155, %get3A_159 : vector<16xf32>
          %max3A_161 = arith.constant 0.000000e+00 : f32
          %max3A_162 = vector.broadcast %max3A_161 : f32 to vector<16xf32>
          %max3A_163 = arith.maximumf %add3A_160, %max3A_162 : vector<16xf32>
          %add3A_164 = arith.addf %add3A_147, %max3A_163 : vector<16xf32>
          %mul3A_165 = arith.constant 16 : i32
          %mul3A_166 = arith.muli %scan3A_55, %mul3A_165 : i32
          %add3A_167 = arith.constant 6 : i32
          %add3A_168 = arith.addi %mul3A_166, %add3A_167 : i32
          %get3A_169 = arith.index_cast %add3A_168 : i32 to index
          %get3A_170 = arith.index_cast %mul3A_63 : i32 to index
          %get3A_171 = tpu.vector_load %arg9[%get3A_169, %get3A_170] {strides = array<i32>} : memref<128x128xf32, #tpu.memory_space<vmem>>, vector<1x16xf32>,
          %get3A_172 = vector.shape_cast %get3A_171 : vector<1x16xf32> to vector<16xf32>
          %get3A_173 = arith.index_cast %add3A_168 : i32 to index
          %get3A_174 = arith.index_cast %mul3A_63 : i32 to index
          %get3A_175 = tpu.vector_load %arg10[%get3A_173, %get3A_174] {strides = array<i32>} : memref<128x128xf32, #tpu.memory_space<vmem>>, vector<1x16xf32>,
          %get3A_176 = vector.shape_cast %get3A_175 : vector<1x16xf32> to vector<16xf32>
          %add3A_177 = arith.addf %get3A_172, %get3A_176 : vector<16xf32>
          %max3A_178 = arith.constant 0.000000e+00 : f32
          %max3A_179 = vector.broadcast %max3A_178 : f32 to vector<16xf32>
          %max3A_180 = arith.maximumf %add3A_177, %max3A_179 : vector<16xf32>
          %add3A_181 = arith.addf %add3A_164, %max3A_180 : vector<16xf32>
          %mul3A_182 = arith.constant 16 : i32
          %mul3A_183 = arith.muli %scan3A_55, %mul3A_182 : i32
          %add3A_184 = arith.constant 7 : i32
          %add3A_185 = arith.addi %mul3A_183, %add3A_184 : i32
          %get3A_186 = arith.index_cast %add3A_185 : i32 to index
          %get3A_187 = arith.index_cast %mul3A_63 : i32 to index
          %get3A_188 = tpu.vector_load %arg9[%get3A_186, %get3A_187] {strides = array<i32>} : memref<128x128xf32, #tpu.memory_space<vmem>>, vector<1x16xf32>,
          %get3A_189 = vector.shape_cast %get3A_188 : vector<1x16xf32> to vector<16xf32>
          %get3A_190 = arith.index_cast %add3A_185 : i32 to index
          %get3A_191 = arith.index_cast %mul3A_63 : i32 to index
          %get3A_192 = tpu.vector_load %arg10[%get3A_190, %get3A_191] {strides = array<i32>} : memref<128x128xf32, #tpu.memory_space<vmem>>, vector<1x16xf32>,
          %get3A_193 = vector.shape_cast %get3A_192 : vector<1x16xf32> to vector<16xf32>
          %add3A_194 = arith.addf %get3A_189, %get3A_193 : vector<16xf32>
          %max3A_195 = arith.constant 0.000000e+00 : f32
          %max3A_196 = vector.broadcast %max3A_195 : f32 to vector<16xf32>
          %max3A_197 = arith.maximumf %add3A_194, %max3A_196 : vector<16xf32>
          %add3A_198 = arith.addf %add3A_181, %max3A_197 : vector<16xf32>
          %mul3A_199 = arith.constant 16 : i32
          %mul3A_200 = arith.muli %scan3A_55, %mul3A_199 : i32
          %add3A_201 = arith.constant 8 : i32
          %add3A_202 = arith.addi %mul3A_200, %add3A_201 : i32
          %get3A_203 = arith.index_cast %add3A_202 : i32 to index
          %get3A_204 = arith.index_cast %mul3A_63 : i32 to index
          %get3A_205 = tpu.vector_load %arg9[%get3A_203, %get3A_204] {strides = array<i32>} : memref<128x128xf32, #tpu.memory_space<vmem>>, vector<1x16xf32>,
          %get3A_206 = vector.shape_cast %get3A_205 : vector<1x16xf32> to vector<16xf32>
          %get3A_207 = arith.index_cast %add3A_202 : i32 to index
          %get3A_208 = arith.index_cast %mul3A_63 : i32 to index
          %get3A_209 = tpu.vector_load %arg10[%get3A_207, %get3A_208] {strides = array<i32>} : memref<128x128xf32, #tpu.memory_space<vmem>>, vector<1x16xf32>,
          %get3A_210 = vector.shape_cast %get3A_209 : vector<1x16xf32> to vector<16xf32>
          %add3A_211 = arith.addf %get3A_206, %get3A_210 : vector<16xf32>
          %max3A_212 = arith.constant 0.000000e+00 : f32
          %max3A_213 = vector.broadcast %max3A_212 : f32 to vector<16xf32>
          %max3A_214 = arith.maximumf %add3A_211, %max3A_213 : vector<16xf32>
          %add3A_215 = arith.addf %add3A_198, %max3A_214 : vector<16xf32>
          %mul3A_216 = arith.constant 16 : i32
          %mul3A_217 = arith.muli %scan3A_55, %mul3A_216 : i32
          %add3A_218 = arith.constant 9 : i32
          %add3A_219 = arith.addi %mul3A_217, %add3A_218 : i32
          %get3A_220 = arith.index_cast %add3A_219 : i32 to index
          %get3A_221 = arith.index_cast %mul3A_63 : i32 to index
          %get3A_222 = tpu.vector_load %arg9[%get3A_220, %get3A_221] {strides = array<i32>} : memref<128x128xf32, #tpu.memory_space<vmem>>, vector<1x16xf32>,
          %get3A_223 = vector.shape_cast %get3A_222 : vector<1x16xf32> to vector<16xf32>
          %get3A_224 = arith.index_cast %add3A_219 : i32 to index
          %get3A_225 = arith.index_cast %mul3A_63 : i32 to index
          %get3A_226 = tpu.vector_load %arg10[%get3A_224, %get3A_225] {strides = array<i32>} : memref<128x128xf32, #tpu.memory_space<vmem>>, vector<1x16xf32>,
          %get3A_227 = vector.shape_cast %get3A_226 : vector<1x16xf32> to vector<16xf32>
          %add3A_228 = arith.addf %get3A_223, %get3A_227 : vector<16xf32>
          %max3A_229 = arith.constant 0.000000e+00 : f32
          %max3A_230 = vector.broadcast %max3A_229 : f32 to vector<16xf32>
          %max3A_231 = arith.maximumf %add3A_228, %max3A_230 : vector<16xf32>
          %add3A_232 = arith.addf %add3A_215, %max3A_231 : vector<16xf32>
          %mul3A_233 = arith.constant 16 : i32
          %mul3A_234 = arith.muli %scan3A_55, %mul3A_233 : i32
          %add3A_235 = arith.constant 10 : i32
          %add3A_236 = arith.addi %mul3A_234, %add3A_235 : i32
          %get3A_237 = arith.index_cast %add3A_236 : i32 to index
          %get3A_238 = arith.index_cast %mul3A_63 : i32 to index
          %get3A_239 = tpu.vector_load %arg9[%get3A_237, %get3A_238] {strides = array<i32>} : memref<128x128xf32, #tpu.memory_space<vmem>>, vector<1x16xf32>,
          %get3A_240 = vector.shape_cast %get3A_239 : vector<1x16xf32> to vector<16xf32>
          %get3A_241 = arith.index_cast %add3A_236 : i32 to index
          %get3A_242 = arith.index_cast %mul3A_63 : i32 to index
          %get3A_243 = tpu.vector_load %arg10[%get3A_241, %get3A_242] {strides = array<i32>} : memref<128x128xf32, #tpu.memory_space<vmem>>, vector<1x16xf32>,
          %get3A_244 = vector.shape_cast %get3A_243 : vector<1x16xf32> to vector<16xf32>
          %add3A_245 = arith.addf %get3A_240, %get3A_244 : vector<16xf32>
          %max3A_246 = arith.constant 0.000000e+00 : f32
          %max3A_247 = vector.broadcast %max3A_246 : f32 to vector<16xf32>
          %max3A_248 = arith.maximumf %add3A_245, %max3A_247 : vector<16xf32>
          %add3A_249 = arith.addf %add3A_232, %max3A_248 : vector<16xf32>
          %mul3A_250 = arith.constant 16 : i32
          %mul3A_251 = arith.muli %scan3A_55, %mul3A_250 : i32
          %add3A_252 = arith.constant 11 : i32
          %add3A_253 = arith.addi %mul3A_251, %add3A_252 : i32
          %get3A_254 = arith.index_cast %add3A_253 : i32 to index
          %get3A_255 = arith.index_cast %mul3A_63 : i32 to index
          %get3A_256 = tpu.vector_load %arg9[%get3A_254, %get3A_255] {strides = array<i32>} : memref<128x128xf32, #tpu.memory_space<vmem>>, vector<1x16xf32>,
          %get3A_257 = vector.shape_cast %get3A_256 : vector<1x16xf32> to vector<16xf32>
          %get3A_258 = arith.index_cast %add3A_253 : i32 to index
          %get3A_259 = arith.index_cast %mul3A_63 : i32 to index
          %get3A_260 = tpu.vector_load %arg10[%get3A_258, %get3A_259] {strides = array<i32>} : memref<128x128xf32, #tpu.memory_space<vmem>>, vector<1x16xf32>,
          %get3A_261 = vector.shape_cast %get3A_260 : vector<1x16xf32> to vector<16xf32>
          %add3A_262 = arith.addf %get3A_257, %get3A_261 : vector<16xf32>
          %max3A_263 = arith.constant 0.000000e+00 : f32
          %max3A_264 = vector.broadcast %max3A_263 : f32 to vector<16xf32>
          %max3A_265 = arith.maximumf %add3A_262, %max3A_264 : vector<16xf32>
          %add3A_266 = arith.addf %add3A_249, %max3A_265 : vector<16xf32>
          %mul3A_267 = arith.constant 16 : i32
          %mul3A_268 = arith.muli %scan3A_55, %mul3A_267 : i32
          %add3A_269 = arith.constant 12 : i32
          %add3A_270 = arith.addi %mul3A_268, %add3A_269 : i32
          %get3A_271 = arith.index_cast %add3A_270 : i32 to index
          %get3A_272 = arith.index_cast %mul3A_63 : i32 to index
          %get3A_273 = tpu.vector_load %arg9[%get3A_271, %get3A_272] {strides = array<i32>} : memref<128x128xf32, #tpu.memory_space<vmem>>, vector<1x16xf32>,
          %get3A_274 = vector.shape_cast %get3A_273 : vector<1x16xf32> to vector<16xf32>
          %get3A_275 = arith.index_cast %add3A_270 : i32 to index
          %get3A_276 = arith.index_cast %mul3A_63 : i32 to index
          %get3A_277 = tpu.vector_load %arg10[%get3A_275, %get3A_276] {strides = array<i32>} : memref<128x128xf32, #tpu.memory_space<vmem>>, vector<1x16xf32>,
          %get3A_278 = vector.shape_cast %get3A_277 : vector<1x16xf32> to vector<16xf32>
          %add3A_279 = arith.addf %get3A_274, %get3A_278 : vector<16xf32>
          %max3A_280 = arith.constant 0.000000e+00 : f32
          %max3A_281 = vector.broadcast %max3A_280 : f32 to vector<16xf32>
          %max3A_282 = arith.maximumf %add3A_279, %max3A_281 : vector<16xf32>
          %add3A_283 = arith.addf %add3A_266, %max3A_282 : vector<16xf32>
          %mul3A_284 = arith.constant 16 : i32
          %mul3A_285 = arith.muli %scan3A_55, %mul3A_284 : i32
          %add3A_286 = arith.constant 13 : i32
          %add3A_287 = arith.addi %mul3A_285, %add3A_286 : i32
          %get3A_288 = arith.index_cast %add3A_287 : i32 to index
          %get3A_289 = arith.index_cast %mul3A_63 : i32 to index
          %get3A_290 = tpu.vector_load %arg9[%get3A_288, %get3A_289] {strides = array<i32>} : memref<128x128xf32, #tpu.memory_space<vmem>>, vector<1x16xf32>,
          %get3A_291 = vector.shape_cast %get3A_290 : vector<1x16xf32> to vector<16xf32>
          %get3A_292 = arith.index_cast %add3A_287 : i32 to index
          %get3A_293 = arith.index_cast %mul3A_63 : i32 to index
          %get3A_294 = tpu.vector_load %arg10[%get3A_292, %get3A_293] {strides = array<i32>} : memref<128x128xf32, #tpu.memory_space<vmem>>, vector<1x16xf32>,
          %get3A_295 = vector.shape_cast %get3A_294 : vector<1x16xf32> to vector<16xf32>
          %add3A_296 = arith.addf %get3A_291, %get3A_295 : vector<16xf32>
          %max3A_297 = arith.constant 0.000000e+00 : f32
          %max3A_298 = vector.broadcast %max3A_297 : f32 to vector<16xf32>
          %max3A_299 = arith.maximumf %add3A_296, %max3A_298 : vector<16xf32>
          %add3A_300 = arith.addf %add3A_283, %max3A_299 : vector<16xf32>
          %mul3A_301 = arith.constant 16 : i32
          %mul3A_302 = arith.muli %scan3A_55, %mul3A_301 : i32
          %add3A_303 = arith.constant 14 : i32
          %add3A_304 = arith.addi %mul3A_302, %add3A_303 : i32
          %get3A_305 = arith.index_cast %add3A_304 : i32 to index
          %get3A_306 = arith.index_cast %mul3A_63 : i32 to index
          %get3A_307 = tpu.vector_load %arg9[%get3A_305, %get3A_306] {strides = array<i32>} : memref<128x128xf32, #tpu.memory_space<vmem>>, vector<1x16xf32>,
          %get3A_308 = vector.shape_cast %get3A_307 : vector<1x16xf32> to vector<16xf32>
          %get3A_309 = arith.index_cast %add3A_304 : i32 to index
          %get3A_310 = arith.index_cast %mul3A_63 : i32 to index
          %get3A_311 = tpu.vector_load %arg10[%get3A_309, %get3A_310] {strides = array<i32>} : memref<128x128xf32, #tpu.memory_space<vmem>>, vector<1x16xf32>,
          %get3A_312 = vector.shape_cast %get3A_311 : vector<1x16xf32> to vector<16xf32>
          %add3A_313 = arith.addf %get3A_308, %get3A_312 : vector<16xf32>
          %max3A_314 = arith.constant 0.000000e+00 : f32
          %max3A_315 = vector.broadcast %max3A_314 : f32 to vector<16xf32>
          %max3A_316 = arith.maximumf %add3A_313, %max3A_315 : vector<16xf32>
          %add3A_317 = arith.addf %add3A_300, %max3A_316 : vector<16xf32>
          %mul3A_318 = arith.constant 16 : i32
          %mul3A_319 = arith.muli %scan3A_55, %mul3A_318 : i32
          %add3A_320 = arith.constant 15 : i32
          %add3A_321 = arith.addi %mul3A_319, %add3A_320 : i32
          %get3A_322 = arith.index_cast %add3A_321 : i32 to index
          %get3A_323 = arith.index_cast %mul3A_63 : i32 to index
          %get3A_324 = tpu.vector_load %arg9[%get3A_322, %get3A_323] {strides = array<i32>} : memref<128x128xf32, #tpu.memory_space<vmem>>, vector<1x16xf32>,
          %get3A_325 = vector.shape_cast %get3A_324 : vector<1x16xf32> to vector<16xf32>
          %get3A_326 = arith.index_cast %add3A_321 : i32 to index
          %get3A_327 = arith.index_cast %mul3A_63 : i32 to index
          %get3A_328 = tpu.vector_load %arg10[%get3A_326, %get3A_327] {strides = array<i32>} : memref<128x128xf32, #tpu.memory_space<vmem>>, vector<1x16xf32>,
          %get3A_329 = vector.shape_cast %get3A_328 : vector<1x16xf32> to vector<16xf32>
          %add3A_330 = arith.addf %get3A_325, %get3A_329 : vector<16xf32>
          %max3A_331 = arith.constant 0.000000e+00 : f32
          %max3A_332 = vector.broadcast %max3A_331 : f32 to vector<16xf32>
          %max3A_333 = arith.maximumf %add3A_330, %max3A_332 : vector<16xf32>
          %add3A_334 = arith.addf %add3A_317, %max3A_333 : vector<16xf32>
          %swap3A = arith.index_cast %scan3A_55 : i32 to index
          %swap3A_335 = arith.index_cast %mul3A_63 : i32 to index
          %swap3A_336 = tpu.vector_load %arg11[%swap3A, %swap3A_335] {strides = array<i32>} : memref<8x128xf32, #tpu.memory_space<vmem>>, vector<1x16xf32>,
          %swap3A_337 = vector.shape_cast %swap3A_336 : vector<1x16xf32> to vector<16xf32>
          %swap3A_338 = vector.shape_cast %add3A_334 : vector<16xf32> to vector<1x16xf32>
          tpu.vector_store %arg11[%swap3A, %swap3A_335], %swap3A_338 {strides = array<i32>} : memref<8x128xf32, #tpu.memory_space<vmem>>, vector<1x16xf32>,
        }
        %scan3A_60 = arith.constant 8 : i32
      }
      %scan3A_54 = arith.constant 8 : i32
      "tpu.region"() ({
        %run_scoped3A = tpu.sem_alloc : memref<!tpu.dma_semaphore, #tpu.memory_space<semaphore_mem>>
        %dma_start3A_55 = arith.constant 0 : i32
        %dma_start3A_56 = tpu.memref_slice %arg6[%mul3A_37, %dma_start3A_55] : memref<20000x128xf32, #tpu.memory_space<hbm>> -> memref<8x128xf32, #tpu.memory_space<hbm>>
        %dma_start3A_57 = arith.constant 0 : i32
        %dma_start3A_58 = tpu.memref_slice %arg6[%mul3A_37, %dma_start3A_57] : memref<20000x128xf32, #tpu.memory_space<hbm>> -> memref<8x128xf32, #tpu.memory_space<hbm>>
        tpu.enqueue_dma source(%arg11 : memref<8x128xf32, #tpu.memory_space<vmem>>) target(%dma_start3A_58 : memref<8x128xf32, #tpu.memory_space<hbm>>) target_semaphore(%run_scoped3A : memref<!tpu.dma_semaphore, #tpu.memory_space<semaphore_mem>>)
        %dma_wait3A_59 = arith.constant 0 : i32
        %dma_wait3A_60 = tpu.memref_slice %arg6[%mul3A_37, %dma_wait3A_59] : memref<20000x128xf32, #tpu.memory_space<hbm>> -> memref<8x128xf32, #tpu.memory_space<hbm>>
        %dma_wait3A_61 = arith.constant 0 : i32
        %dma_wait3A_62 = tpu.memref_slice %arg6[%mul3A_37, %dma_wait3A_61] : memref<20000x128xf32, #tpu.memory_space<hbm>> -> memref<8x128xf32, #tpu.memory_space<hbm>>
        tpu.wait_dma2 semaphore(%run_scoped3A : memref<!tpu.dma_semaphore, #tpu.memory_space<semaphore_mem>>) src(%arg11 : memref<8x128xf32, #tpu.memory_space<vmem>>) dst(%dma_wait3A_62 : memref<8x128xf32, #tpu.memory_space<hbm>>)
        tpu.yield
      }) : () -> ()
    }
    return
  }
}

#map = affine_map<(d0, d1) -> (0, 0)>
#map1 = affine_map<(d0, d1) -> (0)>
module attributes {stable_mosaic.version = 14 : i64} {
  func.func @_msg_body(%arg0: i32, %arg1: i32, %arg2: memref<20000x128xf32, #tpu.memory_space<hbm>>, %arg3: memref<20000x128xf32, #tpu.memory_space<hbm>>, %arg4: memref<320000xi32, #tpu.memory_space<hbm>>, %arg5: memref<320000xi32, #tpu.memory_space<hbm>>, %arg6: memref<20000x128xf32, #tpu.memory_space<hbm>>, %arg7: memref<128xi32, #tpu.memory_space<vmem>>, %arg8: memref<128xi32, #tpu.memory_space<vmem>>, %arg9: memref<128x128xf32, #tpu.memory_space<vmem>>, %arg10: memref<128x128xf32, #tpu.memory_space<vmem>>, %arg11: memref<8x128xf32, #tpu.memory_space<vmem>>, %arg12: memref<!tpu.dma_semaphore, #tpu.memory_space<semaphore_mem>>, %arg13: memref<!tpu.dma_semaphore, #tpu.memory_space<semaphore_mem>>) attributes {dimension_semantics = [#tpu.dimension_semantics<core_parallel>, #tpu.dimension_semantics<subcore_parallel>], iteration_bounds = array<i64: 2, 16>, scalar_prefetch = 0 : i64, scratch_operands = 7 : i64, tpu.core_type = #tpu.core_type<sc_vector_subcore>, window_params = [{transform_indices = #map}, {transform_indices = #map}, {transform_indices = #map1}, {transform_indices = #map1}, {transform_indices = #map}]} {
    %mul3A = arith.constant 2 : i32
    %mul3A_0 = arith.muli %arg1, %mul3A : i32
    %add3A = arith.addi %mul3A_0, %arg0 : i32
    %sub3A = arith.constant 2500 : i32
    %sub3A_1 = arith.subi %sub3A, %add3A : i32
    %add3A_2 = arith.constant 32 : i32
    %add3A_3 = arith.addi %sub3A_1, %add3A_2 : i32
    %sub3A_4 = arith.constant 1 : i32
    %sub3A_5 = arith.subi %add3A_3, %sub3A_4 : i32
    %jit3A = arith.constant 32 : i32
    %div3A = arith.divsi %sub3A_5, %jit3A : i32
    %sign3A = arith.constant 0 : i32
    %sign3A_6 = arith.cmpi sgt, %sub3A_5, %sign3A : i32
    %sign3A_7 = arith.extui %sign3A_6 : i1 to i32
    %sign3A_8 = arith.constant 0 : i32
    %sign3A_9 = arith.cmpi slt, %sub3A_5, %sign3A_8 : i32
    %sign3A_10 = arith.extui %sign3A_9 : i1 to i32
    %sign3A_11 = arith.subi %sign3A_7, %sign3A_10 : i32
    %sign3A_12 = arith.constant 0 : i32
    %sign3A_13 = arith.cmpi sgt, %jit3A, %sign3A_12 : i32
    %sign3A_14 = arith.extui %sign3A_13 : i1 to i32
    %sign3A_15 = arith.constant 0 : i32
    %sign3A_16 = arith.cmpi slt, %jit3A, %sign3A_15 : i32
    %sign3A_17 = arith.extui %sign3A_16 : i1 to i32
    %sign3A_18 = arith.subi %sign3A_14, %sign3A_17 : i32
    %ne3A = arith.cmpi ne, %sign3A_11, %sign3A_18 : i32
    %rem3A = arith.remsi %sub3A_5, %jit3A : i32
    %ne3A_19 = arith.constant 0 : i32
    %ne3A_20 = arith.cmpi ne, %rem3A, %ne3A_19 : i32
    %and3A = arith.andi %ne3A, %ne3A_20 : i1
    %sub3A_21 = arith.constant 1 : i32
    %sub3A_22 = arith.subi %div3A, %sub3A_21 : i32
    %select_n3A = arith.select %and3A, %sub3A_22, %div3A : i32
    %while3A = arith.constant 0 : i32
    %while3A_23 = arith.constant 0 : i32
    %while3A_24 = arith.subi %select_n3A, %while3A_23 : i32
    %while3A_25 = arith.addi %while3A_23, %while3A_24 : i32
    %while3A_26 = arith.constant 1 : i32
    %while3A_27 = arith.divsi %while3A_24, %while3A_26 : i32
    %while3A_28 = arith.muli %while3A_27, %while3A_26 : i32
    %while3A_29 = arith.addi %while3A_23, %while3A_28 : i32
    %while3A_30 = arith.constant 1 : i32
    scf.for %while3A_32 = %while3A_23 to %while3A_29 step %while3A_30  : i32 {
      %mul3A_33 = arith.constant 32 : i32
      %mul3A_34 = arith.muli %while3A_32, %mul3A_33 : i32
      %add3A_35 = arith.addi %add3A, %mul3A_34 : i32
      %mul3A_36 = arith.constant 8 : i32
      %mul3A_37 = arith.muli %add3A_35, %mul3A_36 : i32
      %mul3A_38 = arith.constant 16 : i32
      %mul3A_39 = arith.muli %mul3A_37, %mul3A_38 : i32
      "tpu.region"() ({
        %run_scoped3A = tpu.sem_alloc : memref<!tpu.dma_semaphore, #tpu.memory_space<semaphore_mem>>
        %dma_start3A_55 = tpu.memref_slice %arg4[%mul3A_39] : memref<320000xi32, #tpu.memory_space<hbm>> -> memref<128xi32, #tpu.memory_space<hbm>>
        %dma_start3A_56 = tpu.memref_slice %arg4[%mul3A_39] : memref<320000xi32, #tpu.memory_space<hbm>> -> memref<128xi32, #tpu.memory_space<hbm>>
        tpu.enqueue_dma source(%dma_start3A_56 : memref<128xi32, #tpu.memory_space<hbm>>) target(%arg7 : memref<128xi32, #tpu.memory_space<vmem>>) target_semaphore(%run_scoped3A : memref<!tpu.dma_semaphore, #tpu.memory_space<semaphore_mem>>)
        %dma_wait3A_57 = tpu.memref_slice %arg4[%mul3A_39] : memref<320000xi32, #tpu.memory_space<hbm>> -> memref<128xi32, #tpu.memory_space<hbm>>
        %dma_wait3A_58 = tpu.memref_slice %arg4[%mul3A_39] : memref<320000xi32, #tpu.memory_space<hbm>> -> memref<128xi32, #tpu.memory_space<hbm>>
        tpu.wait_dma2 semaphore(%run_scoped3A : memref<!tpu.dma_semaphore, #tpu.memory_space<semaphore_mem>>) src(%dma_wait3A_58 : memref<128xi32, #tpu.memory_space<hbm>>) dst(%arg7 : memref<128xi32, #tpu.memory_space<vmem>>)
        tpu.yield
      }) : () -> ()
      "tpu.region"() ({
        %run_scoped3A = tpu.sem_alloc : memref<!tpu.dma_semaphore, #tpu.memory_space<semaphore_mem>>
        %dma_start3A_55 = tpu.memref_slice %arg5[%mul3A_39] : memref<320000xi32, #tpu.memory_space<hbm>> -> memref<128xi32, #tpu.memory_space<hbm>>
        %dma_start3A_56 = tpu.memref_slice %arg5[%mul3A_39] : memref<320000xi32, #tpu.memory_space<hbm>> -> memref<128xi32, #tpu.memory_space<hbm>>
        tpu.enqueue_dma source(%dma_start3A_56 : memref<128xi32, #tpu.memory_space<hbm>>) target(%arg8 : memref<128xi32, #tpu.memory_space<vmem>>) target_semaphore(%run_scoped3A : memref<!tpu.dma_semaphore, #tpu.memory_space<semaphore_mem>>)
        %dma_wait3A_57 = tpu.memref_slice %arg5[%mul3A_39] : memref<320000xi32, #tpu.memory_space<hbm>> -> memref<128xi32, #tpu.memory_space<hbm>>
        %dma_wait3A_58 = tpu.memref_slice %arg5[%mul3A_39] : memref<320000xi32, #tpu.memory_space<hbm>> -> memref<128xi32, #tpu.memory_space<hbm>>
        tpu.wait_dma2 semaphore(%run_scoped3A : memref<!tpu.dma_semaphore, #tpu.memory_space<semaphore_mem>>) src(%dma_wait3A_58 : memref<128xi32, #tpu.memory_space<hbm>>) dst(%arg8 : memref<128xi32, #tpu.memory_space<vmem>>)
        tpu.yield
      }) : () -> ()
      %dma_start3A = arith.constant 0 : i32
      %dma_start3A_40 = arith.constant 0 : i32
      %dma_start3A_41 = tpu.memref_slice %arg2[%dma_start3A, %dma_start3A_40] : memref<20000x128xf32, #tpu.memory_space<hbm>> -> memref<20000x128xf32, #tpu.memory_space<hbm>>
      tpu.enqueue_indirect_dma source(%dma_start3A_41 : memref<20000x128xf32, #tpu.memory_space<hbm>>) target(%arg9 : memref<128x128xf32, #tpu.memory_space<vmem>>) offsets(%arg7 : memref<128xi32, #tpu.memory_space<vmem>>) semaphore(%arg12 : memref<!tpu.dma_semaphore, #tpu.memory_space<semaphore_mem>>)
      %dma_start3A_42 = arith.constant 0 : i32
      %dma_start3A_43 = arith.constant 0 : i32
      %dma_start3A_44 = tpu.memref_slice %arg3[%dma_start3A_42, %dma_start3A_43] : memref<20000x128xf32, #tpu.memory_space<hbm>> -> memref<20000x128xf32, #tpu.memory_space<hbm>>
      tpu.enqueue_indirect_dma source(%dma_start3A_44 : memref<20000x128xf32, #tpu.memory_space<hbm>>) target(%arg10 : memref<128x128xf32, #tpu.memory_space<vmem>>) offsets(%arg8 : memref<128xi32, #tpu.memory_space<vmem>>) semaphore(%arg13 : memref<!tpu.dma_semaphore, #tpu.memory_space<semaphore_mem>>)
      %dma_wait3A = arith.constant 0 : i32
      %dma_wait3A_45 = arith.constant 0 : i32
      %dma_wait3A_46 = tpu.memref_slice %arg2[%dma_wait3A, %dma_wait3A_45] : memref<20000x128xf32, #tpu.memory_space<hbm>> -> memref<20000x128xf32, #tpu.memory_space<hbm>>
      tpu.wait_indirect_dma semaphore(%arg12 : memref<!tpu.dma_semaphore, #tpu.memory_space<semaphore_mem>>) src(%dma_wait3A_46 : memref<20000x128xf32, #tpu.memory_space<hbm>>) dst(%arg9 : memref<128x128xf32, #tpu.memory_space<vmem>>)
      %dma_wait3A_47 = arith.constant 0 : i32
      %dma_wait3A_48 = arith.constant 0 : i32
      %dma_wait3A_49 = tpu.memref_slice %arg3[%dma_wait3A_47, %dma_wait3A_48] : memref<20000x128xf32, #tpu.memory_space<hbm>> -> memref<20000x128xf32, #tpu.memory_space<hbm>>
      tpu.wait_indirect_dma semaphore(%arg13 : memref<!tpu.dma_semaphore, #tpu.memory_space<semaphore_mem>>) src(%dma_wait3A_49 : memref<20000x128xf32, #tpu.memory_space<hbm>>) dst(%arg10 : memref<128x128xf32, #tpu.memory_space<vmem>>)
      %scan3A = arith.constant 0 : i32
      %scan3A_50 = arith.constant 0 : i32
      %scan3A_51 = arith.constant 8 : i32
      %scan3A_52 = arith.addi %scan3A_50, %scan3A_51 : i32
      %scan3A_53 = arith.constant 1 : i32
      scf.for %scan3A_55 = %scan3A_50 to %scan3A_52 step %scan3A_53  : i32 {
        %scan3A_56 = arith.constant 0 : i32
        %scan3A_57 = arith.constant 8 : i32
        %scan3A_58 = arith.addi %scan3A_56, %scan3A_57 : i32
        %scan3A_59 = arith.constant 1 : i32
        scf.for %scan3A_61 = %scan3A_56 to %scan3A_58 step %scan3A_59  : i32 {
          %mul3A_62 = arith.constant 16 : i32
          %mul3A_63 = arith.muli %scan3A_61, %mul3A_62 : i32
          %broadcast_in_dim3A = arith.constant 0.000000e+00 : f32
          %broadcast_in_dim3A_64 = vector.broadcast %broadcast_in_dim3A : f32 to vector<16xf32>
          %mul3A_65 = arith.constant 16 : i32
          %mul3A_66 = arith.muli %scan3A_55, %mul3A_65 : i32
          %add3A_67 = arith.constant 0 : i32
          %add3A_68 = arith.addi %mul3A_66, %add3A_67 : i32
          %get3A = arith.index_cast %add3A_68 : i32 to index
          %get3A_69 = arith.index_cast %mul3A_63 : i32 to index
          %get3A_70 = tpu.vector_load %arg9[%get3A, %get3A_69] {strides = array<i32>} : memref<128x128xf32, #tpu.memory_space<vmem>>, vector<1x16xf32>,
          %get3A_71 = vector.shape_cast %get3A_70 : vector<1x16xf32> to vector<16xf32>
          %get3A_72 = arith.index_cast %add3A_68 : i32 to index
          %get3A_73 = arith.index_cast %mul3A_63 : i32 to index
          %get3A_74 = tpu.vector_load %arg10[%get3A_72, %get3A_73] {strides = array<i32>} : memref<128x128xf32, #tpu.memory_space<vmem>>, vector<1x16xf32>,
          %get3A_75 = vector.shape_cast %get3A_74 : vector<1x16xf32> to vector<16xf32>
          %add3A_76 = arith.addf %get3A_71, %get3A_75 : vector<16xf32>
          %max3A = arith.constant 0.000000e+00 : f32
          %max3A_77 = vector.broadcast %max3A : f32 to vector<16xf32>
          %max3A_78 = arith.maximumf %add3A_76, %max3A_77 : vector<16xf32>
          %add3A_79 = arith.addf %broadcast_in_dim3A_64, %max3A_78 : vector<16xf32>
          %mul3A_80 = arith.constant 16 : i32
          %mul3A_81 = arith.muli %scan3A_55, %mul3A_80 : i32
          %add3A_82 = arith.constant 1 : i32
          %add3A_83 = arith.addi %mul3A_81, %add3A_82 : i32
          %get3A_84 = arith.index_cast %add3A_83 : i32 to index
          %get3A_85 = arith.index_cast %mul3A_63 : i32 to index
          %get3A_86 = tpu.vector_load %arg9[%get3A_84, %get3A_85] {strides = array<i32>} : memref<128x128xf32, #tpu.memory_space<vmem>>, vector<1x16xf32>,
          %get3A_87 = vector.shape_cast %get3A_86 : vector<1x16xf32> to vector<16xf32>
          %get3A_88 = arith.index_cast %add3A_83 : i32 to index
          %get3A_89 = arith.index_cast %mul3A_63 : i32 to index
          %get3A_90 = tpu.vector_load %arg10[%get3A_88, %get3A_89] {strides = array<i32>} : memref<128x128xf32, #tpu.memory_space<vmem>>, vector<1x16xf32>,
          %get3A_91 = vector.shape_cast %get3A_90 : vector<1x16xf32> to vector<16xf32>
          %add3A_92 = arith.addf %get3A_87, %get3A_91 : vector<16xf32>
          %max3A_93 = arith.constant 0.000000e+00 : f32
          %max3A_94 = vector.broadcast %max3A_93 : f32 to vector<16xf32>
          %max3A_95 = arith.maximumf %add3A_92, %max3A_94 : vector<16xf32>
          %add3A_96 = arith.addf %add3A_79, %max3A_95 : vector<16xf32>
          %mul3A_97 = arith.constant 16 : i32
          %mul3A_98 = arith.muli %scan3A_55, %mul3A_97 : i32
          %add3A_99 = arith.constant 2 : i32
          %add3A_100 = arith.addi %mul3A_98, %add3A_99 : i32
          %get3A_101 = arith.index_cast %add3A_100 : i32 to index
          %get3A_102 = arith.index_cast %mul3A_63 : i32 to index
          %get3A_103 = tpu.vector_load %arg9[%get3A_101, %get3A_102] {strides = array<i32>} : memref<128x128xf32, #tpu.memory_space<vmem>>, vector<1x16xf32>,
          %get3A_104 = vector.shape_cast %get3A_103 : vector<1x16xf32> to vector<16xf32>
          %get3A_105 = arith.index_cast %add3A_100 : i32 to index
          %get3A_106 = arith.index_cast %mul3A_63 : i32 to index
          %get3A_107 = tpu.vector_load %arg10[%get3A_105, %get3A_106] {strides = array<i32>} : memref<128x128xf32, #tpu.memory_space<vmem>>, vector<1x16xf32>,
          %get3A_108 = vector.shape_cast %get3A_107 : vector<1x16xf32> to vector<16xf32>
          %add3A_109 = arith.addf %get3A_104, %get3A_108 : vector<16xf32>
          %max3A_110 = arith.constant 0.000000e+00 : f32
          %max3A_111 = vector.broadcast %max3A_110 : f32 to vector<16xf32>
          %max3A_112 = arith.maximumf %add3A_109, %max3A_111 : vector<16xf32>
          %add3A_113 = arith.addf %add3A_96, %max3A_112 : vector<16xf32>
          %mul3A_114 = arith.constant 16 : i32
          %mul3A_115 = arith.muli %scan3A_55, %mul3A_114 : i32
          %add3A_116 = arith.constant 3 : i32
          %add3A_117 = arith.addi %mul3A_115, %add3A_116 : i32
          %get3A_118 = arith.index_cast %add3A_117 : i32 to index
          %get3A_119 = arith.index_cast %mul3A_63 : i32 to index
          %get3A_120 = tpu.vector_load %arg9[%get3A_118, %get3A_119] {strides = array<i32>} : memref<128x128xf32, #tpu.memory_space<vmem>>, vector<1x16xf32>,
          %get3A_121 = vector.shape_cast %get3A_120 : vector<1x16xf32> to vector<16xf32>
          %get3A_122 = arith.index_cast %add3A_117 : i32 to index
          %get3A_123 = arith.index_cast %mul3A_63 : i32 to index
          %get3A_124 = tpu.vector_load %arg10[%get3A_122, %get3A_123] {strides = array<i32>} : memref<128x128xf32, #tpu.memory_space<vmem>>, vector<1x16xf32>,
          %get3A_125 = vector.shape_cast %get3A_124 : vector<1x16xf32> to vector<16xf32>
          %add3A_126 = arith.addf %get3A_121, %get3A_125 : vector<16xf32>
          %max3A_127 = arith.constant 0.000000e+00 : f32
          %max3A_128 = vector.broadcast %max3A_127 : f32 to vector<16xf32>
          %max3A_129 = arith.maximumf %add3A_126, %max3A_128 : vector<16xf32>
          %add3A_130 = arith.addf %add3A_113, %max3A_129 : vector<16xf32>
          %mul3A_131 = arith.constant 16 : i32
          %mul3A_132 = arith.muli %scan3A_55, %mul3A_131 : i32
          %add3A_133 = arith.constant 4 : i32
          %add3A_134 = arith.addi %mul3A_132, %add3A_133 : i32
          %get3A_135 = arith.index_cast %add3A_134 : i32 to index
          %get3A_136 = arith.index_cast %mul3A_63 : i32 to index
          %get3A_137 = tpu.vector_load %arg9[%get3A_135, %get3A_136] {strides = array<i32>} : memref<128x128xf32, #tpu.memory_space<vmem>>, vector<1x16xf32>,
          %get3A_138 = vector.shape_cast %get3A_137 : vector<1x16xf32> to vector<16xf32>
          %get3A_139 = arith.index_cast %add3A_134 : i32 to index
          %get3A_140 = arith.index_cast %mul3A_63 : i32 to index
          %get3A_141 = tpu.vector_load %arg10[%get3A_139, %get3A_140] {strides = array<i32>} : memref<128x128xf32, #tpu.memory_space<vmem>>, vector<1x16xf32>,
          %get3A_142 = vector.shape_cast %get3A_141 : vector<1x16xf32> to vector<16xf32>
          %add3A_143 = arith.addf %get3A_138, %get3A_142 : vector<16xf32>
          %max3A_144 = arith.constant 0.000000e+00 : f32
          %max3A_145 = vector.broadcast %max3A_144 : f32 to vector<16xf32>
          %max3A_146 = arith.maximumf %add3A_143, %max3A_145 : vector<16xf32>
          %add3A_147 = arith.addf %add3A_130, %max3A_146 : vector<16xf32>
          %mul3A_148 = arith.constant 16 : i32
          %mul3A_149 = arith.muli %scan3A_55, %mul3A_148 : i32
          %add3A_150 = arith.constant 5 : i32
          %add3A_151 = arith.addi %mul3A_149, %add3A_150 : i32
          %get3A_152 = arith.index_cast %add3A_151 : i32 to index
          %get3A_153 = arith.index_cast %mul3A_63 : i32 to index
          %get3A_154 = tpu.vector_load %arg9[%get3A_152, %get3A_153] {strides = array<i32>} : memref<128x128xf32, #tpu.memory_space<vmem>>, vector<1x16xf32>,
          %get3A_155 = vector.shape_cast %get3A_154 : vector<1x16xf32> to vector<16xf32>
          %get3A_156 = arith.index_cast %add3A_151 : i32 to index
          %get3A_157 = arith.index_cast %mul3A_63 : i32 to index
          %get3A_158 = tpu.vector_load %arg10[%get3A_156, %get3A_157] {strides = array<i32>} : memref<128x128xf32, #tpu.memory_space<vmem>>, vector<1x16xf32>,
          %get3A_159 = vector.shape_cast %get3A_158 : vector<1x16xf32> to vector<16xf32>
          %add3A_160 = arith.addf %get3A_155, %get3A_159 : vector<16xf32>
          %max3A_161 = arith.constant 0.000000e+00 : f32
          %max3A_162 = vector.broadcast %max3A_161 : f32 to vector<16xf32>
          %max3A_163 = arith.maximumf %add3A_160, %max3A_162 : vector<16xf32>
          %add3A_164 = arith.addf %add3A_147, %max3A_163 : vector<16xf32>
          %mul3A_165 = arith.constant 16 : i32
          %mul3A_166 = arith.muli %scan3A_55, %mul3A_165 : i32
          %add3A_167 = arith.constant 6 : i32
          %add3A_168 = arith.addi %mul3A_166, %add3A_167 : i32
          %get3A_169 = arith.index_cast %add3A_168 : i32 to index
          %get3A_170 = arith.index_cast %mul3A_63 : i32 to index
          %get3A_171 = tpu.vector_load %arg9[%get3A_169, %get3A_170] {strides = array<i32>} : memref<128x128xf32, #tpu.memory_space<vmem>>, vector<1x16xf32>,
          %get3A_172 = vector.shape_cast %get3A_171 : vector<1x16xf32> to vector<16xf32>
          %get3A_173 = arith.index_cast %add3A_168 : i32 to index
          %get3A_174 = arith.index_cast %mul3A_63 : i32 to index
          %get3A_175 = tpu.vector_load %arg10[%get3A_173, %get3A_174] {strides = array<i32>} : memref<128x128xf32, #tpu.memory_space<vmem>>, vector<1x16xf32>,
          %get3A_176 = vector.shape_cast %get3A_175 : vector<1x16xf32> to vector<16xf32>
          %add3A_177 = arith.addf %get3A_172, %get3A_176 : vector<16xf32>
          %max3A_178 = arith.constant 0.000000e+00 : f32
          %max3A_179 = vector.broadcast %max3A_178 : f32 to vector<16xf32>
          %max3A_180 = arith.maximumf %add3A_177, %max3A_179 : vector<16xf32>
          %add3A_181 = arith.addf %add3A_164, %max3A_180 : vector<16xf32>
          %mul3A_182 = arith.constant 16 : i32
          %mul3A_183 = arith.muli %scan3A_55, %mul3A_182 : i32
          %add3A_184 = arith.constant 7 : i32
          %add3A_185 = arith.addi %mul3A_183, %add3A_184 : i32
          %get3A_186 = arith.index_cast %add3A_185 : i32 to index
          %get3A_187 = arith.index_cast %mul3A_63 : i32 to index
          %get3A_188 = tpu.vector_load %arg9[%get3A_186, %get3A_187] {strides = array<i32>} : memref<128x128xf32, #tpu.memory_space<vmem>>, vector<1x16xf32>,
          %get3A_189 = vector.shape_cast %get3A_188 : vector<1x16xf32> to vector<16xf32>
          %get3A_190 = arith.index_cast %add3A_185 : i32 to index
          %get3A_191 = arith.index_cast %mul3A_63 : i32 to index
          %get3A_192 = tpu.vector_load %arg10[%get3A_190, %get3A_191] {strides = array<i32>} : memref<128x128xf32, #tpu.memory_space<vmem>>, vector<1x16xf32>,
          %get3A_193 = vector.shape_cast %get3A_192 : vector<1x16xf32> to vector<16xf32>
          %add3A_194 = arith.addf %get3A_189, %get3A_193 : vector<16xf32>
          %max3A_195 = arith.constant 0.000000e+00 : f32
          %max3A_196 = vector.broadcast %max3A_195 : f32 to vector<16xf32>
          %max3A_197 = arith.maximumf %add3A_194, %max3A_196 : vector<16xf32>
          %add3A_198 = arith.addf %add3A_181, %max3A_197 : vector<16xf32>
          %mul3A_199 = arith.constant 16 : i32
          %mul3A_200 = arith.muli %scan3A_55, %mul3A_199 : i32
          %add3A_201 = arith.constant 8 : i32
          %add3A_202 = arith.addi %mul3A_200, %add3A_201 : i32
          %get3A_203 = arith.index_cast %add3A_202 : i32 to index
          %get3A_204 = arith.index_cast %mul3A_63 : i32 to index
          %get3A_205 = tpu.vector_load %arg9[%get3A_203, %get3A_204] {strides = array<i32>} : memref<128x128xf32, #tpu.memory_space<vmem>>, vector<1x16xf32>,
          %get3A_206 = vector.shape_cast %get3A_205 : vector<1x16xf32> to vector<16xf32>
          %get3A_207 = arith.index_cast %add3A_202 : i32 to index
          %get3A_208 = arith.index_cast %mul3A_63 : i32 to index
          %get3A_209 = tpu.vector_load %arg10[%get3A_207, %get3A_208] {strides = array<i32>} : memref<128x128xf32, #tpu.memory_space<vmem>>, vector<1x16xf32>,
          %get3A_210 = vector.shape_cast %get3A_209 : vector<1x16xf32> to vector<16xf32>
          %add3A_211 = arith.addf %get3A_206, %get3A_210 : vector<16xf32>
          %max3A_212 = arith.constant 0.000000e+00 : f32
          %max3A_213 = vector.broadcast %max3A_212 : f32 to vector<16xf32>
          %max3A_214 = arith.maximumf %add3A_211, %max3A_213 : vector<16xf32>
          %add3A_215 = arith.addf %add3A_198, %max3A_214 : vector<16xf32>
          %mul3A_216 = arith.constant 16 : i32
          %mul3A_217 = arith.muli %scan3A_55, %mul3A_216 : i32
          %add3A_218 = arith.constant 9 : i32
          %add3A_219 = arith.addi %mul3A_217, %add3A_218 : i32
          %get3A_220 = arith.index_cast %add3A_219 : i32 to index
          %get3A_221 = arith.index_cast %mul3A_63 : i32 to index
          %get3A_222 = tpu.vector_load %arg9[%get3A_220, %get3A_221] {strides = array<i32>} : memref<128x128xf32, #tpu.memory_space<vmem>>, vector<1x16xf32>,
          %get3A_223 = vector.shape_cast %get3A_222 : vector<1x16xf32> to vector<16xf32>
          %get3A_224 = arith.index_cast %add3A_219 : i32 to index
          %get3A_225 = arith.index_cast %mul3A_63 : i32 to index
          %get3A_226 = tpu.vector_load %arg10[%get3A_224, %get3A_225] {strides = array<i32>} : memref<128x128xf32, #tpu.memory_space<vmem>>, vector<1x16xf32>,
          %get3A_227 = vector.shape_cast %get3A_226 : vector<1x16xf32> to vector<16xf32>
          %add3A_228 = arith.addf %get3A_223, %get3A_227 : vector<16xf32>
          %max3A_229 = arith.constant 0.000000e+00 : f32
          %max3A_230 = vector.broadcast %max3A_229 : f32 to vector<16xf32>
          %max3A_231 = arith.maximumf %add3A_228, %max3A_230 : vector<16xf32>
          %add3A_232 = arith.addf %add3A_215, %max3A_231 : vector<16xf32>
          %mul3A_233 = arith.constant 16 : i32
          %mul3A_234 = arith.muli %scan3A_55, %mul3A_233 : i32
          %add3A_235 = arith.constant 10 : i32
          %add3A_236 = arith.addi %mul3A_234, %add3A_235 : i32
          %get3A_237 = arith.index_cast %add3A_236 : i32 to index
          %get3A_238 = arith.index_cast %mul3A_63 : i32 to index
          %get3A_239 = tpu.vector_load %arg9[%get3A_237, %get3A_238] {strides = array<i32>} : memref<128x128xf32, #tpu.memory_space<vmem>>, vector<1x16xf32>,
          %get3A_240 = vector.shape_cast %get3A_239 : vector<1x16xf32> to vector<16xf32>
          %get3A_241 = arith.index_cast %add3A_236 : i32 to index
          %get3A_242 = arith.index_cast %mul3A_63 : i32 to index
          %get3A_243 = tpu.vector_load %arg10[%get3A_241, %get3A_242] {strides = array<i32>} : memref<128x128xf32, #tpu.memory_space<vmem>>, vector<1x16xf32>,
          %get3A_244 = vector.shape_cast %get3A_243 : vector<1x16xf32> to vector<16xf32>
          %add3A_245 = arith.addf %get3A_240, %get3A_244 : vector<16xf32>
          %max3A_246 = arith.constant 0.000000e+00 : f32
          %max3A_247 = vector.broadcast %max3A_246 : f32 to vector<16xf32>
          %max3A_248 = arith.maximumf %add3A_245, %max3A_247 : vector<16xf32>
          %add3A_249 = arith.addf %add3A_232, %max3A_248 : vector<16xf32>
          %mul3A_250 = arith.constant 16 : i32
          %mul3A_251 = arith.muli %scan3A_55, %mul3A_250 : i32
          %add3A_252 = arith.constant 11 : i32
          %add3A_253 = arith.addi %mul3A_251, %add3A_252 : i32
          %get3A_254 = arith.index_cast %add3A_253 : i32 to index
          %get3A_255 = arith.index_cast %mul3A_63 : i32 to index
          %get3A_256 = tpu.vector_load %arg9[%get3A_254, %get3A_255] {strides = array<i32>} : memref<128x128xf32, #tpu.memory_space<vmem>>, vector<1x16xf32>,
          %get3A_257 = vector.shape_cast %get3A_256 : vector<1x16xf32> to vector<16xf32>
          %get3A_258 = arith.index_cast %add3A_253 : i32 to index
          %get3A_259 = arith.index_cast %mul3A_63 : i32 to index
          %get3A_260 = tpu.vector_load %arg10[%get3A_258, %get3A_259] {strides = array<i32>} : memref<128x128xf32, #tpu.memory_space<vmem>>, vector<1x16xf32>,
          %get3A_261 = vector.shape_cast %get3A_260 : vector<1x16xf32> to vector<16xf32>
          %add3A_262 = arith.addf %get3A_257, %get3A_261 : vector<16xf32>
          %max3A_263 = arith.constant 0.000000e+00 : f32
          %max3A_264 = vector.broadcast %max3A_263 : f32 to vector<16xf32>
          %max3A_265 = arith.maximumf %add3A_262, %max3A_264 : vector<16xf32>
          %add3A_266 = arith.addf %add3A_249, %max3A_265 : vector<16xf32>
          %mul3A_267 = arith.constant 16 : i32
          %mul3A_268 = arith.muli %scan3A_55, %mul3A_267 : i32
          %add3A_269 = arith.constant 12 : i32
          %add3A_270 = arith.addi %mul3A_268, %add3A_269 : i32
          %get3A_271 = arith.index_cast %add3A_270 : i32 to index
          %get3A_272 = arith.index_cast %mul3A_63 : i32 to index
          %get3A_273 = tpu.vector_load %arg9[%get3A_271, %get3A_272] {strides = array<i32>} : memref<128x128xf32, #tpu.memory_space<vmem>>, vector<1x16xf32>,
          %get3A_274 = vector.shape_cast %get3A_273 : vector<1x16xf32> to vector<16xf32>
          %get3A_275 = arith.index_cast %add3A_270 : i32 to index
          %get3A_276 = arith.index_cast %mul3A_63 : i32 to index
          %get3A_277 = tpu.vector_load %arg10[%get3A_275, %get3A_276] {strides = array<i32>} : memref<128x128xf32, #tpu.memory_space<vmem>>, vector<1x16xf32>,
          %get3A_278 = vector.shape_cast %get3A_277 : vector<1x16xf32> to vector<16xf32>
          %add3A_279 = arith.addf %get3A_274, %get3A_278 : vector<16xf32>
          %max3A_280 = arith.constant 0.000000e+00 : f32
          %max3A_281 = vector.broadcast %max3A_280 : f32 to vector<16xf32>
          %max3A_282 = arith.maximumf %add3A_279, %max3A_281 : vector<16xf32>
          %add3A_283 = arith.addf %add3A_266, %max3A_282 : vector<16xf32>
          %mul3A_284 = arith.constant 16 : i32
          %mul3A_285 = arith.muli %scan3A_55, %mul3A_284 : i32
          %add3A_286 = arith.constant 13 : i32
          %add3A_287 = arith.addi %mul3A_285, %add3A_286 : i32
          %get3A_288 = arith.index_cast %add3A_287 : i32 to index
          %get3A_289 = arith.index_cast %mul3A_63 : i32 to index
          %get3A_290 = tpu.vector_load %arg9[%get3A_288, %get3A_289] {strides = array<i32>} : memref<128x128xf32, #tpu.memory_space<vmem>>, vector<1x16xf32>,
          %get3A_291 = vector.shape_cast %get3A_290 : vector<1x16xf32> to vector<16xf32>
          %get3A_292 = arith.index_cast %add3A_287 : i32 to index
          %get3A_293 = arith.index_cast %mul3A_63 : i32 to index
          %get3A_294 = tpu.vector_load %arg10[%get3A_292, %get3A_293] {strides = array<i32>} : memref<128x128xf32, #tpu.memory_space<vmem>>, vector<1x16xf32>,
          %get3A_295 = vector.shape_cast %get3A_294 : vector<1x16xf32> to vector<16xf32>
          %add3A_296 = arith.addf %get3A_291, %get3A_295 : vector<16xf32>
          %max3A_297 = arith.constant 0.000000e+00 : f32
          %max3A_298 = vector.broadcast %max3A_297 : f32 to vector<16xf32>
          %max3A_299 = arith.maximumf %add3A_296, %max3A_298 : vector<16xf32>
          %add3A_300 = arith.addf %add3A_283, %max3A_299 : vector<16xf32>
          %mul3A_301 = arith.constant 16 : i32
          %mul3A_302 = arith.muli %scan3A_55, %mul3A_301 : i32
          %add3A_303 = arith.constant 14 : i32
          %add3A_304 = arith.addi %mul3A_302, %add3A_303 : i32
          %get3A_305 = arith.index_cast %add3A_304 : i32 to index
          %get3A_306 = arith.index_cast %mul3A_63 : i32 to index
          %get3A_307 = tpu.vector_load %arg9[%get3A_305, %get3A_306] {strides = array<i32>} : memref<128x128xf32, #tpu.memory_space<vmem>>, vector<1x16xf32>,
          %get3A_308 = vector.shape_cast %get3A_307 : vector<1x16xf32> to vector<16xf32>
          %get3A_309 = arith.index_cast %add3A_304 : i32 to index
          %get3A_310 = arith.index_cast %mul3A_63 : i32 to index
          %get3A_311 = tpu.vector_load %arg10[%get3A_309, %get3A_310] {strides = array<i32>} : memref<128x128xf32, #tpu.memory_space<vmem>>, vector<1x16xf32>,
          %get3A_312 = vector.shape_cast %get3A_311 : vector<1x16xf32> to vector<16xf32>
          %add3A_313 = arith.addf %get3A_308, %get3A_312 : vector<16xf32>
          %max3A_314 = arith.constant 0.000000e+00 : f32
          %max3A_315 = vector.broadcast %max3A_314 : f32 to vector<16xf32>
          %max3A_316 = arith.maximumf %add3A_313, %max3A_315 : vector<16xf32>
          %add3A_317 = arith.addf %add3A_300, %max3A_316 : vector<16xf32>
          %mul3A_318 = arith.constant 16 : i32
          %mul3A_319 = arith.muli %scan3A_55, %mul3A_318 : i32
          %add3A_320 = arith.constant 15 : i32
          %add3A_321 = arith.addi %mul3A_319, %add3A_320 : i32
          %get3A_322 = arith.index_cast %add3A_321 : i32 to index
          %get3A_323 = arith.index_cast %mul3A_63 : i32 to index
          %get3A_324 = tpu.vector_load %arg9[%get3A_322, %get3A_323] {strides = array<i32>} : memref<128x128xf32, #tpu.memory_space<vmem>>, vector<1x16xf32>,
          %get3A_325 = vector.shape_cast %get3A_324 : vector<1x16xf32> to vector<16xf32>
          %get3A_326 = arith.index_cast %add3A_321 : i32 to index
          %get3A_327 = arith.index_cast %mul3A_63 : i32 to index
          %get3A_328 = tpu.vector_load %arg10[%get3A_326, %get3A_327] {strides = array<i32>} : memref<128x128xf32, #tpu.memory_space<vmem>>, vector<1x16xf32>,
          %get3A_329 = vector.shape_cast %get3A_328 : vector<1x16xf32> to vector<16xf32>
          %add3A_330 = arith.addf %get3A_325, %get3A_329 : vector<16xf32>
          %max3A_331 = arith.constant 0.000000e+00 : f32
          %max3A_332 = vector.broadcast %max3A_331 : f32 to vector<16xf32>
          %max3A_333 = arith.maximumf %add3A_330, %max3A_332 : vector<16xf32>
          %add3A_334 = arith.addf %add3A_317, %max3A_333 : vector<16xf32>
          %swap3A = arith.index_cast %scan3A_55 : i32 to index
          %swap3A_335 = arith.index_cast %mul3A_63 : i32 to index
          %swap3A_336 = tpu.vector_load %arg11[%swap3A, %swap3A_335] {strides = array<i32>} : memref<8x128xf32, #tpu.memory_space<vmem>>, vector<1x16xf32>,
          %swap3A_337 = vector.shape_cast %swap3A_336 : vector<1x16xf32> to vector<16xf32>
          %swap3A_338 = vector.shape_cast %add3A_334 : vector<16xf32> to vector<1x16xf32>
          tpu.vector_store %arg11[%swap3A, %swap3A_335], %swap3A_338 {strides = array<i32>} : memref<8x128xf32, #tpu.memory_space<vmem>>, vector<1x16xf32>,
        }
        %scan3A_60 = arith.constant 8 : i32
      }
      %scan3A_54 = arith.constant 8 : i32
      "tpu.region"() ({
        %run_scoped3A = tpu.sem_alloc : memref<!tpu.dma_semaphore, #tpu.memory_space<semaphore_mem>>
        %dma_start3A_55 = arith.constant 0 : i32
        %dma_start3A_56 = tpu.memref_slice %arg6[%mul3A_37, %dma_start3A_55] : memref<20000x128xf32, #tpu.memory_space<hbm>> -> memref<8x128xf32, #tpu.memory_space<hbm>>
        %dma_start3A_57 = arith.constant 0 : i32
        %dma_start3A_58 = tpu.memref_slice %arg6[%mul3A_37, %dma_start3A_57] : memref<20000x128xf32, #tpu.memory_space<hbm>> -> memref<8x128xf32, #tpu.memory_space<hbm>>
        tpu.enqueue_dma source(%arg11 : memref<8x128xf32, #tpu.memory_space<vmem>>) target(%dma_start3A_58 : memref<8x128xf32, #tpu.memory_space<hbm>>) target_semaphore(%run_scoped3A : memref<!tpu.dma_semaphore, #tpu.memory_space<semaphore_mem>>)
        %dma_wait3A_59 = arith.constant 0 : i32
        %dma_wait3A_60 = tpu.memref_slice %arg6[%mul3A_37, %dma_wait3A_59] : memref<20000x128xf32, #tpu.memory_space<hbm>> -> memref<8x128xf32, #tpu.memory_space<hbm>>
        %dma_wait3A_61 = arith.constant 0 : i32
        %dma_wait3A_62 = tpu.memref_slice %arg6[%mul3A_37, %dma_wait3A_61] : memref<20000x128xf32, #tpu.memory_space<hbm>> -> memref<8x128xf32, #tpu.memory_space<hbm>>
        tpu.wait_dma2 semaphore(%run_scoped3A : memref<!tpu.dma_semaphore, #tpu.memory_space<semaphore_mem>>) src(%arg11 : memref<8x128xf32, #tpu.memory_space<vmem>>) dst(%dma_wait3A_62 : memref<8x128xf32, #tpu.memory_space<hbm>>)
        tpu.yield
      }) : () -> ()
    }
    %while3A_31 = arith.constant 1 : i32
    scf.for %while3A_32 = %while3A_29 to %while3A_25 step %while3A_31  : i32 {
      %mul3A_33 = arith.constant 32 : i32
      %mul3A_34 = arith.muli %while3A_32, %mul3A_33 : i32
      %add3A_35 = arith.addi %add3A, %mul3A_34 : i32
      %mul3A_36 = arith.constant 8 : i32
      %mul3A_37 = arith.muli %add3A_35, %mul3A_36 : i32
      %mul3A_38 = arith.constant 16 : i32
      %mul3A_39 = arith.muli %mul3A_37, %mul3A_38 : i32
      "tpu.region"() ({
        %run_scoped3A = tpu.sem_alloc : memref<!tpu.dma_semaphore, #tpu.memory_space<semaphore_mem>>
        %dma_start3A_55 = tpu.memref_slice %arg4[%mul3A_39] : memref<320000xi32, #tpu.memory_space<hbm>> -> memref<128xi32, #tpu.memory_space<hbm>>
        %dma_start3A_56 = tpu.memref_slice %arg4[%mul3A_39] : memref<320000xi32, #tpu.memory_space<hbm>> -> memref<128xi32, #tpu.memory_space<hbm>>
        tpu.enqueue_dma source(%dma_start3A_56 : memref<128xi32, #tpu.memory_space<hbm>>) target(%arg7 : memref<128xi32, #tpu.memory_space<vmem>>) target_semaphore(%run_scoped3A : memref<!tpu.dma_semaphore, #tpu.memory_space<semaphore_mem>>)
        %dma_wait3A_57 = tpu.memref_slice %arg4[%mul3A_39] : memref<320000xi32, #tpu.memory_space<hbm>> -> memref<128xi32, #tpu.memory_space<hbm>>
        %dma_wait3A_58 = tpu.memref_slice %arg4[%mul3A_39] : memref<320000xi32, #tpu.memory_space<hbm>> -> memref<128xi32, #tpu.memory_space<hbm>>
        tpu.wait_dma2 semaphore(%run_scoped3A : memref<!tpu.dma_semaphore, #tpu.memory_space<semaphore_mem>>) src(%dma_wait3A_58 : memref<128xi32, #tpu.memory_space<hbm>>) dst(%arg7 : memref<128xi32, #tpu.memory_space<vmem>>)
        tpu.yield
      }) : () -> ()
      "tpu.region"() ({
        %run_scoped3A = tpu.sem_alloc : memref<!tpu.dma_semaphore, #tpu.memory_space<semaphore_mem>>
        %dma_start3A_55 = tpu.memref_slice %arg5[%mul3A_39] : memref<320000xi32, #tpu.memory_space<hbm>> -> memref<128xi32, #tpu.memory_space<hbm>>
        %dma_start3A_56 = tpu.memref_slice %arg5[%mul3A_39] : memref<320000xi32, #tpu.memory_space<hbm>> -> memref<128xi32, #tpu.memory_space<hbm>>
        tpu.enqueue_dma source(%dma_start3A_56 : memref<128xi32, #tpu.memory_space<hbm>>) target(%arg8 : memref<128xi32, #tpu.memory_space<vmem>>) target_semaphore(%run_scoped3A : memref<!tpu.dma_semaphore, #tpu.memory_space<semaphore_mem>>)
        %dma_wait3A_57 = tpu.memref_slice %arg5[%mul3A_39] : memref<320000xi32, #tpu.memory_space<hbm>> -> memref<128xi32, #tpu.memory_space<hbm>>
        %dma_wait3A_58 = tpu.memref_slice %arg5[%mul3A_39] : memref<320000xi32, #tpu.memory_space<hbm>> -> memref<128xi32, #tpu.memory_space<hbm>>
        tpu.wait_dma2 semaphore(%run_scoped3A : memref<!tpu.dma_semaphore, #tpu.memory_space<semaphore_mem>>) src(%dma_wait3A_58 : memref<128xi32, #tpu.memory_space<hbm>>) dst(%arg8 : memref<128xi32, #tpu.memory_space<vmem>>)
        tpu.yield
      }) : () -> ()
      %dma_start3A = arith.constant 0 : i32
      %dma_start3A_40 = arith.constant 0 : i32
      %dma_start3A_41 = tpu.memref_slice %arg2[%dma_start3A, %dma_start3A_40] : memref<20000x128xf32, #tpu.memory_space<hbm>> -> memref<20000x128xf32, #tpu.memory_space<hbm>>
      tpu.enqueue_indirect_dma source(%dma_start3A_41 : memref<20000x128xf32, #tpu.memory_space<hbm>>) target(%arg9 : memref<128x128xf32, #tpu.memory_space<vmem>>) offsets(%arg7 : memref<128xi32, #tpu.memory_space<vmem>>) semaphore(%arg12 : memref<!tpu.dma_semaphore, #tpu.memory_space<semaphore_mem>>)
      %dma_start3A_42 = arith.constant 0 : i32
      %dma_start3A_43 = arith.constant 0 : i32
      %dma_start3A_44 = tpu.memref_slice %arg3[%dma_start3A_42, %dma_start3A_43] : memref<20000x128xf32, #tpu.memory_space<hbm>> -> memref<20000x128xf32, #tpu.memory_space<hbm>>
      tpu.enqueue_indirect_dma source(%dma_start3A_44 : memref<20000x128xf32, #tpu.memory_space<hbm>>) target(%arg10 : memref<128x128xf32, #tpu.memory_space<vmem>>) offsets(%arg8 : memref<128xi32, #tpu.memory_space<vmem>>) semaphore(%arg13 : memref<!tpu.dma_semaphore, #tpu.memory_space<semaphore_mem>>)
      %dma_wait3A = arith.constant 0 : i32
      %dma_wait3A_45 = arith.constant 0 : i32
      %dma_wait3A_46 = tpu.memref_slice %arg2[%dma_wait3A, %dma_wait3A_45] : memref<20000x128xf32, #tpu.memory_space<hbm>> -> memref<20000x128xf32, #tpu.memory_space<hbm>>
      tpu.wait_indirect_dma semaphore(%arg12 : memref<!tpu.dma_semaphore, #tpu.memory_space<semaphore_mem>>) src(%dma_wait3A_46 : memref<20000x128xf32, #tpu.memory_space<hbm>>) dst(%arg9 : memref<128x128xf32, #tpu.memory_space<vmem>>)
      %dma_wait3A_47 = arith.constant 0 : i32
      %dma_wait3A_48 = arith.constant 0 : i32
      %dma_wait3A_49 = tpu.memref_slice %arg3[%dma_wait3A_47, %dma_wait3A_48] : memref<20000x128xf32, #tpu.memory_space<hbm>> -> memref<20000x128xf32, #tpu.memory_space<hbm>>
      tpu.wait_indirect_dma semaphore(%arg13 : memref<!tpu.dma_semaphore, #tpu.memory_space<semaphore_mem>>) src(%dma_wait3A_49 : memref<20000x128xf32, #tpu.memory_space<hbm>>) dst(%arg10 : memref<128x128xf32, #tpu.memory_space<vmem>>)
      %scan3A = arith.constant 0 : i32
      %scan3A_50 = arith.constant 0 : i32
      %scan3A_51 = arith.constant 8 : i32
      %scan3A_52 = arith.addi %scan3A_50, %scan3A_51 : i32
      %scan3A_53 = arith.constant 1 : i32
      scf.for %scan3A_55 = %scan3A_50 to %scan3A_52 step %scan3A_53  : i32 {
        %scan3A_56 = arith.constant 0 : i32
        %scan3A_57 = arith.constant 8 : i32
        %scan3A_58 = arith.addi %scan3A_56, %scan3A_57 : i32
        %scan3A_59 = arith.constant 1 : i32
        scf.for %scan3A_61 = %scan3A_56 to %scan3A_58 step %scan3A_59  : i32 {
          %mul3A_62 = arith.constant 16 : i32
          %mul3A_63 = arith.muli %scan3A_61, %mul3A_62 : i32
          %broadcast_in_dim3A = arith.constant 0.000000e+00 : f32
          %broadcast_in_dim3A_64 = vector.broadcast %broadcast_in_dim3A : f32 to vector<16xf32>
          %mul3A_65 = arith.constant 16 : i32
          %mul3A_66 = arith.muli %scan3A_55, %mul3A_65 : i32
          %add3A_67 = arith.constant 0 : i32
          %add3A_68 = arith.addi %mul3A_66, %add3A_67 : i32
          %get3A = arith.index_cast %add3A_68 : i32 to index
          %get3A_69 = arith.index_cast %mul3A_63 : i32 to index
          %get3A_70 = tpu.vector_load %arg9[%get3A, %get3A_69] {strides = array<i32>} : memref<128x128xf32, #tpu.memory_space<vmem>>, vector<1x16xf32>,
          %get3A_71 = vector.shape_cast %get3A_70 : vector<1x16xf32> to vector<16xf32>
          %get3A_72 = arith.index_cast %add3A_68 : i32 to index
          %get3A_73 = arith.index_cast %mul3A_63 : i32 to index
          %get3A_74 = tpu.vector_load %arg10[%get3A_72, %get3A_73] {strides = array<i32>} : memref<128x128xf32, #tpu.memory_space<vmem>>, vector<1x16xf32>,
          %get3A_75 = vector.shape_cast %get3A_74 : vector<1x16xf32> to vector<16xf32>
          %add3A_76 = arith.addf %get3A_71, %get3A_75 : vector<16xf32>
          %max3A = arith.constant 0.000000e+00 : f32
          %max3A_77 = vector.broadcast %max3A : f32 to vector<16xf32>
          %max3A_78 = arith.maximumf %add3A_76, %max3A_77 : vector<16xf32>
          %add3A_79 = arith.addf %broadcast_in_dim3A_64, %max3A_78 : vector<16xf32>
          %mul3A_80 = arith.constant 16 : i32
          %mul3A_81 = arith.muli %scan3A_55, %mul3A_80 : i32
          %add3A_82 = arith.constant 1 : i32
          %add3A_83 = arith.addi %mul3A_81, %add3A_82 : i32
          %get3A_84 = arith.index_cast %add3A_83 : i32 to index
          %get3A_85 = arith.index_cast %mul3A_63 : i32 to index
          %get3A_86 = tpu.vector_load %arg9[%get3A_84, %get3A_85] {strides = array<i32>} : memref<128x128xf32, #tpu.memory_space<vmem>>, vector<1x16xf32>,
          %get3A_87 = vector.shape_cast %get3A_86 : vector<1x16xf32> to vector<16xf32>
          %get3A_88 = arith.index_cast %add3A_83 : i32 to index
          %get3A_89 = arith.index_cast %mul3A_63 : i32 to index
          %get3A_90 = tpu.vector_load %arg10[%get3A_88, %get3A_89] {strides = array<i32>} : memref<128x128xf32, #tpu.memory_space<vmem>>, vector<1x16xf32>,
          %get3A_91 = vector.shape_cast %get3A_90 : vector<1x16xf32> to vector<16xf32>
          %add3A_92 = arith.addf %get3A_87, %get3A_91 : vector<16xf32>
          %max3A_93 = arith.constant 0.000000e+00 : f32
          %max3A_94 = vector.broadcast %max3A_93 : f32 to vector<16xf32>
          %max3A_95 = arith.maximumf %add3A_92, %max3A_94 : vector<16xf32>
          %add3A_96 = arith.addf %add3A_79, %max3A_95 : vector<16xf32>
          %mul3A_97 = arith.constant 16 : i32
          %mul3A_98 = arith.muli %scan3A_55, %mul3A_97 : i32
          %add3A_99 = arith.constant 2 : i32
          %add3A_100 = arith.addi %mul3A_98, %add3A_99 : i32
          %get3A_101 = arith.index_cast %add3A_100 : i32 to index
          %get3A_102 = arith.index_cast %mul3A_63 : i32 to index
          %get3A_103 = tpu.vector_load %arg9[%get3A_101, %get3A_102] {strides = array<i32>} : memref<128x128xf32, #tpu.memory_space<vmem>>, vector<1x16xf32>,
          %get3A_104 = vector.shape_cast %get3A_103 : vector<1x16xf32> to vector<16xf32>
          %get3A_105 = arith.index_cast %add3A_100 : i32 to index
          %get3A_106 = arith.index_cast %mul3A_63 : i32 to index
          %get3A_107 = tpu.vector_load %arg10[%get3A_105, %get3A_106] {strides = array<i32>} : memref<128x128xf32, #tpu.memory_space<vmem>>, vector<1x16xf32>,
          %get3A_108 = vector.shape_cast %get3A_107 : vector<1x16xf32> to vector<16xf32>
          %add3A_109 = arith.addf %get3A_104, %get3A_108 : vector<16xf32>
          %max3A_110 = arith.constant 0.000000e+00 : f32
          %max3A_111 = vector.broadcast %max3A_110 : f32 to vector<16xf32>
          %max3A_112 = arith.maximumf %add3A_109, %max3A_111 : vector<16xf32>
          %add3A_113 = arith.addf %add3A_96, %max3A_112 : vector<16xf32>
          %mul3A_114 = arith.constant 16 : i32
          %mul3A_115 = arith.muli %scan3A_55, %mul3A_114 : i32
          %add3A_116 = arith.constant 3 : i32
          %add3A_117 = arith.addi %mul3A_115, %add3A_116 : i32
          %get3A_118 = arith.index_cast %add3A_117 : i32 to index
          %get3A_119 = arith.index_cast %mul3A_63 : i32 to index
          %get3A_120 = tpu.vector_load %arg9[%get3A_118, %get3A_119] {strides = array<i32>} : memref<128x128xf32, #tpu.memory_space<vmem>>, vector<1x16xf32>,
          %get3A_121 = vector.shape_cast %get3A_120 : vector<1x16xf32> to vector<16xf32>
          %get3A_122 = arith.index_cast %add3A_117 : i32 to index
          %get3A_123 = arith.index_cast %mul3A_63 : i32 to index
          %get3A_124 = tpu.vector_load %arg10[%get3A_122, %get3A_123] {strides = array<i32>} : memref<128x128xf32, #tpu.memory_space<vmem>>, vector<1x16xf32>,
          %get3A_125 = vector.shape_cast %get3A_124 : vector<1x16xf32> to vector<16xf32>
          %add3A_126 = arith.addf %get3A_121, %get3A_125 : vector<16xf32>
          %max3A_127 = arith.constant 0.000000e+00 : f32
          %max3A_128 = vector.broadcast %max3A_127 : f32 to vector<16xf32>
          %max3A_129 = arith.maximumf %add3A_126, %max3A_128 : vector<16xf32>
          %add3A_130 = arith.addf %add3A_113, %max3A_129 : vector<16xf32>
          %mul3A_131 = arith.constant 16 : i32
          %mul3A_132 = arith.muli %scan3A_55, %mul3A_131 : i32
          %add3A_133 = arith.constant 4 : i32
          %add3A_134 = arith.addi %mul3A_132, %add3A_133 : i32
          %get3A_135 = arith.index_cast %add3A_134 : i32 to index
          %get3A_136 = arith.index_cast %mul3A_63 : i32 to index
          %get3A_137 = tpu.vector_load %arg9[%get3A_135, %get3A_136] {strides = array<i32>} : memref<128x128xf32, #tpu.memory_space<vmem>>, vector<1x16xf32>,
          %get3A_138 = vector.shape_cast %get3A_137 : vector<1x16xf32> to vector<16xf32>
          %get3A_139 = arith.index_cast %add3A_134 : i32 to index
          %get3A_140 = arith.index_cast %mul3A_63 : i32 to index
          %get3A_141 = tpu.vector_load %arg10[%get3A_139, %get3A_140] {strides = array<i32>} : memref<128x128xf32, #tpu.memory_space<vmem>>, vector<1x16xf32>,
          %get3A_142 = vector.shape_cast %get3A_141 : vector<1x16xf32> to vector<16xf32>
          %add3A_143 = arith.addf %get3A_138, %get3A_142 : vector<16xf32>
          %max3A_144 = arith.constant 0.000000e+00 : f32
          %max3A_145 = vector.broadcast %max3A_144 : f32 to vector<16xf32>
          %max3A_146 = arith.maximumf %add3A_143, %max3A_145 : vector<16xf32>
          %add3A_147 = arith.addf %add3A_130, %max3A_146 : vector<16xf32>
          %mul3A_148 = arith.constant 16 : i32
          %mul3A_149 = arith.muli %scan3A_55, %mul3A_148 : i32
          %add3A_150 = arith.constant 5 : i32
          %add3A_151 = arith.addi %mul3A_149, %add3A_150 : i32
          %get3A_152 = arith.index_cast %add3A_151 : i32 to index
          %get3A_153 = arith.index_cast %mul3A_63 : i32 to index
          %get3A_154 = tpu.vector_load %arg9[%get3A_152, %get3A_153] {strides = array<i32>} : memref<128x128xf32, #tpu.memory_space<vmem>>, vector<1x16xf32>,
          %get3A_155 = vector.shape_cast %get3A_154 : vector<1x16xf32> to vector<16xf32>
          %get3A_156 = arith.index_cast %add3A_151 : i32 to index
          %get3A_157 = arith.index_cast %mul3A_63 : i32 to index
          %get3A_158 = tpu.vector_load %arg10[%get3A_156, %get3A_157] {strides = array<i32>} : memref<128x128xf32, #tpu.memory_space<vmem>>, vector<1x16xf32>,
          %get3A_159 = vector.shape_cast %get3A_158 : vector<1x16xf32> to vector<16xf32>
          %add3A_160 = arith.addf %get3A_155, %get3A_159 : vector<16xf32>
          %max3A_161 = arith.constant 0.000000e+00 : f32
          %max3A_162 = vector.broadcast %max3A_161 : f32 to vector<16xf32>
          %max3A_163 = arith.maximumf %add3A_160, %max3A_162 : vector<16xf32>
          %add3A_164 = arith.addf %add3A_147, %max3A_163 : vector<16xf32>
          %mul3A_165 = arith.constant 16 : i32
          %mul3A_166 = arith.muli %scan3A_55, %mul3A_165 : i32
          %add3A_167 = arith.constant 6 : i32
          %add3A_168 = arith.addi %mul3A_166, %add3A_167 : i32
          %get3A_169 = arith.index_cast %add3A_168 : i32 to index
          %get3A_170 = arith.index_cast %mul3A_63 : i32 to index
          %get3A_171 = tpu.vector_load %arg9[%get3A_169, %get3A_170] {strides = array<i32>} : memref<128x128xf32, #tpu.memory_space<vmem>>, vector<1x16xf32>,
          %get3A_172 = vector.shape_cast %get3A_171 : vector<1x16xf32> to vector<16xf32>
          %get3A_173 = arith.index_cast %add3A_168 : i32 to index
          %get3A_174 = arith.index_cast %mul3A_63 : i32 to index
          %get3A_175 = tpu.vector_load %arg10[%get3A_173, %get3A_174] {strides = array<i32>} : memref<128x128xf32, #tpu.memory_space<vmem>>, vector<1x16xf32>,
          %get3A_176 = vector.shape_cast %get3A_175 : vector<1x16xf32> to vector<16xf32>
          %add3A_177 = arith.addf %get3A_172, %get3A_176 : vector<16xf32>
          %max3A_178 = arith.constant 0.000000e+00 : f32
          %max3A_179 = vector.broadcast %max3A_178 : f32 to vector<16xf32>
          %max3A_180 = arith.maximumf %add3A_177, %max3A_179 : vector<16xf32>
          %add3A_181 = arith.addf %add3A_164, %max3A_180 : vector<16xf32>
          %mul3A_182 = arith.constant 16 : i32
          %mul3A_183 = arith.muli %scan3A_55, %mul3A_182 : i32
          %add3A_184 = arith.constant 7 : i32
          %add3A_185 = arith.addi %mul3A_183, %add3A_184 : i32
          %get3A_186 = arith.index_cast %add3A_185 : i32 to index
          %get3A_187 = arith.index_cast %mul3A_63 : i32 to index
          %get3A_188 = tpu.vector_load %arg9[%get3A_186, %get3A_187] {strides = array<i32>} : memref<128x128xf32, #tpu.memory_space<vmem>>, vector<1x16xf32>,
          %get3A_189 = vector.shape_cast %get3A_188 : vector<1x16xf32> to vector<16xf32>
          %get3A_190 = arith.index_cast %add3A_185 : i32 to index
          %get3A_191 = arith.index_cast %mul3A_63 : i32 to index
          %get3A_192 = tpu.vector_load %arg10[%get3A_190, %get3A_191] {strides = array<i32>} : memref<128x128xf32, #tpu.memory_space<vmem>>, vector<1x16xf32>,
          %get3A_193 = vector.shape_cast %get3A_192 : vector<1x16xf32> to vector<16xf32>
          %add3A_194 = arith.addf %get3A_189, %get3A_193 : vector<16xf32>
          %max3A_195 = arith.constant 0.000000e+00 : f32
          %max3A_196 = vector.broadcast %max3A_195 : f32 to vector<16xf32>
          %max3A_197 = arith.maximumf %add3A_194, %max3A_196 : vector<16xf32>
          %add3A_198 = arith.addf %add3A_181, %max3A_197 : vector<16xf32>
          %mul3A_199 = arith.constant 16 : i32
          %mul3A_200 = arith.muli %scan3A_55, %mul3A_199 : i32
          %add3A_201 = arith.constant 8 : i32
          %add3A_202 = arith.addi %mul3A_200, %add3A_201 : i32
          %get3A_203 = arith.index_cast %add3A_202 : i32 to index
          %get3A_204 = arith.index_cast %mul3A_63 : i32 to index
          %get3A_205 = tpu.vector_load %arg9[%get3A_203, %get3A_204] {strides = array<i32>} : memref<128x128xf32, #tpu.memory_space<vmem>>, vector<1x16xf32>,
          %get3A_206 = vector.shape_cast %get3A_205 : vector<1x16xf32> to vector<16xf32>
          %get3A_207 = arith.index_cast %add3A_202 : i32 to index
          %get3A_208 = arith.index_cast %mul3A_63 : i32 to index
          %get3A_209 = tpu.vector_load %arg10[%get3A_207, %get3A_208] {strides = array<i32>} : memref<128x128xf32, #tpu.memory_space<vmem>>, vector<1x16xf32>,
          %get3A_210 = vector.shape_cast %get3A_209 : vector<1x16xf32> to vector<16xf32>
          %add3A_211 = arith.addf %get3A_206, %get3A_210 : vector<16xf32>
          %max3A_212 = arith.constant 0.000000e+00 : f32
          %max3A_213 = vector.broadcast %max3A_212 : f32 to vector<16xf32>
          %max3A_214 = arith.maximumf %add3A_211, %max3A_213 : vector<16xf32>
          %add3A_215 = arith.addf %add3A_198, %max3A_214 : vector<16xf32>
          %mul3A_216 = arith.constant 16 : i32
          %mul3A_217 = arith.muli %scan3A_55, %mul3A_216 : i32
          %add3A_218 = arith.constant 9 : i32
          %add3A_219 = arith.addi %mul3A_217, %add3A_218 : i32
          %get3A_220 = arith.index_cast %add3A_219 : i32 to index
          %get3A_221 = arith.index_cast %mul3A_63 : i32 to index
          %get3A_222 = tpu.vector_load %arg9[%get3A_220, %get3A_221] {strides = array<i32>} : memref<128x128xf32, #tpu.memory_space<vmem>>, vector<1x16xf32>,
          %get3A_223 = vector.shape_cast %get3A_222 : vector<1x16xf32> to vector<16xf32>
          %get3A_224 = arith.index_cast %add3A_219 : i32 to index
          %get3A_225 = arith.index_cast %mul3A_63 : i32 to index
          %get3A_226 = tpu.vector_load %arg10[%get3A_224, %get3A_225] {strides = array<i32>} : memref<128x128xf32, #tpu.memory_space<vmem>>, vector<1x16xf32>,
          %get3A_227 = vector.shape_cast %get3A_226 : vector<1x16xf32> to vector<16xf32>
          %add3A_228 = arith.addf %get3A_223, %get3A_227 : vector<16xf32>
          %max3A_229 = arith.constant 0.000000e+00 : f32
          %max3A_230 = vector.broadcast %max3A_229 : f32 to vector<16xf32>
          %max3A_231 = arith.maximumf %add3A_228, %max3A_230 : vector<16xf32>
          %add3A_232 = arith.addf %add3A_215, %max3A_231 : vector<16xf32>
          %mul3A_233 = arith.constant 16 : i32
          %mul3A_234 = arith.muli %scan3A_55, %mul3A_233 : i32
          %add3A_235 = arith.constant 10 : i32
          %add3A_236 = arith.addi %mul3A_234, %add3A_235 : i32
          %get3A_237 = arith.index_cast %add3A_236 : i32 to index
          %get3A_238 = arith.index_cast %mul3A_63 : i32 to index
          %get3A_239 = tpu.vector_load %arg9[%get3A_237, %get3A_238] {strides = array<i32>} : memref<128x128xf32, #tpu.memory_space<vmem>>, vector<1x16xf32>,
          %get3A_240 = vector.shape_cast %get3A_239 : vector<1x16xf32> to vector<16xf32>
          %get3A_241 = arith.index_cast %add3A_236 : i32 to index
          %get3A_242 = arith.index_cast %mul3A_63 : i32 to index
          %get3A_243 = tpu.vector_load %arg10[%get3A_241, %get3A_242] {strides = array<i32>} : memref<128x128xf32, #tpu.memory_space<vmem>>, vector<1x16xf32>,
          %get3A_244 = vector.shape_cast %get3A_243 : vector<1x16xf32> to vector<16xf32>
          %add3A_245 = arith.addf %get3A_240, %get3A_244 : vector<16xf32>
          %max3A_246 = arith.constant 0.000000e+00 : f32
          %max3A_247 = vector.broadcast %max3A_246 : f32 to vector<16xf32>
          %max3A_248 = arith.maximumf %add3A_245, %max3A_247 : vector<16xf32>
          %add3A_249 = arith.addf %add3A_232, %max3A_248 : vector<16xf32>
          %mul3A_250 = arith.constant 16 : i32
          %mul3A_251 = arith.muli %scan3A_55, %mul3A_250 : i32
          %add3A_252 = arith.constant 11 : i32
          %add3A_253 = arith.addi %mul3A_251, %add3A_252 : i32
          %get3A_254 = arith.index_cast %add3A_253 : i32 to index
          %get3A_255 = arith.index_cast %mul3A_63 : i32 to index
          %get3A_256 = tpu.vector_load %arg9[%get3A_254, %get3A_255] {strides = array<i32>} : memref<128x128xf32, #tpu.memory_space<vmem>>, vector<1x16xf32>,
          %get3A_257 = vector.shape_cast %get3A_256 : vector<1x16xf32> to vector<16xf32>
          %get3A_258 = arith.index_cast %add3A_253 : i32 to index
          %get3A_259 = arith.index_cast %mul3A_63 : i32 to index
          %get3A_260 = tpu.vector_load %arg10[%get3A_258, %get3A_259] {strides = array<i32>} : memref<128x128xf32, #tpu.memory_space<vmem>>, vector<1x16xf32>,
          %get3A_261 = vector.shape_cast %get3A_260 : vector<1x16xf32> to vector<16xf32>
          %add3A_262 = arith.addf %get3A_257, %get3A_261 : vector<16xf32>
          %max3A_263 = arith.constant 0.000000e+00 : f32
          %max3A_264 = vector.broadcast %max3A_263 : f32 to vector<16xf32>
          %max3A_265 = arith.maximumf %add3A_262, %max3A_264 : vector<16xf32>
          %add3A_266 = arith.addf %add3A_249, %max3A_265 : vector<16xf32>
          %mul3A_267 = arith.constant 16 : i32
          %mul3A_268 = arith.muli %scan3A_55, %mul3A_267 : i32
          %add3A_269 = arith.constant 12 : i32
          %add3A_270 = arith.addi %mul3A_268, %add3A_269 : i32
          %get3A_271 = arith.index_cast %add3A_270 : i32 to index
          %get3A_272 = arith.index_cast %mul3A_63 : i32 to index
          %get3A_273 = tpu.vector_load %arg9[%get3A_271, %get3A_272] {strides = array<i32>} : memref<128x128xf32, #tpu.memory_space<vmem>>, vector<1x16xf32>,
          %get3A_274 = vector.shape_cast %get3A_273 : vector<1x16xf32> to vector<16xf32>
          %get3A_275 = arith.index_cast %add3A_270 : i32 to index
          %get3A_276 = arith.index_cast %mul3A_63 : i32 to index
          %get3A_277 = tpu.vector_load %arg10[%get3A_275, %get3A_276] {strides = array<i32>} : memref<128x128xf32, #tpu.memory_space<vmem>>, vector<1x16xf32>,
          %get3A_278 = vector.shape_cast %get3A_277 : vector<1x16xf32> to vector<16xf32>
          %add3A_279 = arith.addf %get3A_274, %get3A_278 : vector<16xf32>
          %max3A_280 = arith.constant 0.000000e+00 : f32
          %max3A_281 = vector.broadcast %max3A_280 : f32 to vector<16xf32>
          %max3A_282 = arith.maximumf %add3A_279, %max3A_281 : vector<16xf32>
          %add3A_283 = arith.addf %add3A_266, %max3A_282 : vector<16xf32>
          %mul3A_284 = arith.constant 16 : i32
          %mul3A_285 = arith.muli %scan3A_55, %mul3A_284 : i32
          %add3A_286 = arith.constant 13 : i32
          %add3A_287 = arith.addi %mul3A_285, %add3A_286 : i32
          %get3A_288 = arith.index_cast %add3A_287 : i32 to index
          %get3A_289 = arith.index_cast %mul3A_63 : i32 to index
          %get3A_290 = tpu.vector_load %arg9[%get3A_288, %get3A_289] {strides = array<i32>} : memref<128x128xf32, #tpu.memory_space<vmem>>, vector<1x16xf32>,
          %get3A_291 = vector.shape_cast %get3A_290 : vector<1x16xf32> to vector<16xf32>
          %get3A_292 = arith.index_cast %add3A_287 : i32 to index
          %get3A_293 = arith.index_cast %mul3A_63 : i32 to index
          %get3A_294 = tpu.vector_load %arg10[%get3A_292, %get3A_293] {strides = array<i32>} : memref<128x128xf32, #tpu.memory_space<vmem>>, vector<1x16xf32>,
          %get3A_295 = vector.shape_cast %get3A_294 : vector<1x16xf32> to vector<16xf32>
          %add3A_296 = arith.addf %get3A_291, %get3A_295 : vector<16xf32>
          %max3A_297 = arith.constant 0.000000e+00 : f32
          %max3A_298 = vector.broadcast %max3A_297 : f32 to vector<16xf32>
          %max3A_299 = arith.maximumf %add3A_296, %max3A_298 : vector<16xf32>
          %add3A_300 = arith.addf %add3A_283, %max3A_299 : vector<16xf32>
          %mul3A_301 = arith.constant 16 : i32
          %mul3A_302 = arith.muli %scan3A_55, %mul3A_301 : i32
          %add3A_303 = arith.constant 14 : i32
          %add3A_304 = arith.addi %mul3A_302, %add3A_303 : i32
          %get3A_305 = arith.index_cast %add3A_304 : i32 to index
          %get3A_306 = arith.index_cast %mul3A_63 : i32 to index
          %get3A_307 = tpu.vector_load %arg9[%get3A_305, %get3A_306] {strides = array<i32>} : memref<128x128xf32, #tpu.memory_space<vmem>>, vector<1x16xf32>,
          %get3A_308 = vector.shape_cast %get3A_307 : vector<1x16xf32> to vector<16xf32>
          %get3A_309 = arith.index_cast %add3A_304 : i32 to index
          %get3A_310 = arith.index_cast %mul3A_63 : i32 to index
          %get3A_311 = tpu.vector_load %arg10[%get3A_309, %get3A_310] {strides = array<i32>} : memref<128x128xf32, #tpu.memory_space<vmem>>, vector<1x16xf32>,
          %get3A_312 = vector.shape_cast %get3A_311 : vector<1x16xf32> to vector<16xf32>
          %add3A_313 = arith.addf %get3A_308, %get3A_312 : vector<16xf32>
          %max3A_314 = arith.constant 0.000000e+00 : f32
          %max3A_315 = vector.broadcast %max3A_314 : f32 to vector<16xf32>
          %max3A_316 = arith.maximumf %add3A_313, %max3A_315 : vector<16xf32>
          %add3A_317 = arith.addf %add3A_300, %max3A_316 : vector<16xf32>
          %mul3A_318 = arith.constant 16 : i32
          %mul3A_319 = arith.muli %scan3A_55, %mul3A_318 : i32
          %add3A_320 = arith.constant 15 : i32
          %add3A_321 = arith.addi %mul3A_319, %add3A_320 : i32
          %get3A_322 = arith.index_cast %add3A_321 : i32 to index
          %get3A_323 = arith.index_cast %mul3A_63 : i32 to index
          %get3A_324 = tpu.vector_load %arg9[%get3A_322, %get3A_323] {strides = array<i32>} : memref<128x128xf32, #tpu.memory_space<vmem>>, vector<1x16xf32>,
          %get3A_325 = vector.shape_cast %get3A_324 : vector<1x16xf32> to vector<16xf32>
          %get3A_326 = arith.index_cast %add3A_321 : i32 to index
          %get3A_327 = arith.index_cast %mul3A_63 : i32 to index
          %get3A_328 = tpu.vector_load %arg10[%get3A_326, %get3A_327] {strides = array<i32>} : memref<128x128xf32, #tpu.memory_space<vmem>>, vector<1x16xf32>,
          %get3A_329 = vector.shape_cast %get3A_328 : vector<1x16xf32> to vector<16xf32>
          %add3A_330 = arith.addf %get3A_325, %get3A_329 : vector<16xf32>
          %max3A_331 = arith.constant 0.000000e+00 : f32
          %max3A_332 = vector.broadcast %max3A_331 : f32 to vector<16xf32>
          %max3A_333 = arith.maximumf %add3A_330, %max3A_332 : vector<16xf32>
          %add3A_334 = arith.addf %add3A_317, %max3A_333 : vector<16xf32>
          %swap3A = arith.index_cast %scan3A_55 : i32 to index
          %swap3A_335 = arith.index_cast %mul3A_63 : i32 to index
          %swap3A_336 = tpu.vector_load %arg11[%swap3A, %swap3A_335] {strides = array<i32>} : memref<8x128xf32, #tpu.memory_space<vmem>>, vector<1x16xf32>,
          %swap3A_337 = vector.shape_cast %swap3A_336 : vector<1x16xf32> to vector<16xf32>
          %swap3A_338 = vector.shape_cast %add3A_334 : vector<16xf32> to vector<1x16xf32>
          tpu.vector_store %arg11[%swap3A, %swap3A_335], %swap3A_338 {strides = array<i32>} : memref<8x128xf32, #tpu.memory_space<vmem>>, vector<1x16xf32>,
        }
        %scan3A_60 = arith.constant 8 : i32
      }
      %scan3A_54 = arith.constant 8 : i32
      "tpu.region"() ({
        %run_scoped3A = tpu.sem_alloc : memref<!tpu.dma_semaphore, #tpu.memory_space<semaphore_mem>>
        %dma_start3A_55 = arith.constant 0 : i32
        %dma_start3A_56 = tpu.memref_slice %arg6[%mul3A_37, %dma_start3A_55] : memref<20000x128xf32, #tpu.memory_space<hbm>> -> memref<8x128xf32, #tpu.memory_space<hbm>>
        %dma_start3A_57 = arith.constant 0 : i32
        %dma_start3A_58 = tpu.memref_slice %arg6[%mul3A_37, %dma_start3A_57] : memref<20000x128xf32, #tpu.memory_space<hbm>> -> memref<8x128xf32, #tpu.memory_space<hbm>>
        tpu.enqueue_dma source(%arg11 : memref<8x128xf32, #tpu.memory_space<vmem>>) target(%dma_start3A_58 : memref<8x128xf32, #tpu.memory_space<hbm>>) target_semaphore(%run_scoped3A : memref<!tpu.dma_semaphore, #tpu.memory_space<semaphore_mem>>)
        %dma_wait3A_59 = arith.constant 0 : i32
        %dma_wait3A_60 = tpu.memref_slice %arg6[%mul3A_37, %dma_wait3A_59] : memref<20000x128xf32, #tpu.memory_space<hbm>> -> memref<8x128xf32, #tpu.memory_space<hbm>>
        %dma_wait3A_61 = arith.constant 0 : i32
        %dma_wait3A_62 = tpu.memref_slice %arg6[%mul3A_37, %dma_wait3A_61] : memref<20000x128xf32, #tpu.memory_space<hbm>> -> memref<8x128xf32, #tpu.memory_space<hbm>>
        tpu.wait_dma2 semaphore(%run_scoped3A : memref<!tpu.dma_semaphore, #tpu.memory_space<semaphore_mem>>) src(%arg11 : memref<8x128xf32, #tpu.memory_space<vmem>>) dst(%dma_wait3A_62 : memref<8x128xf32, #tpu.memory_space<hbm>>)
        tpu.yield
      }) : () -> ()
    }
    return
  }
}

module attributes {stable_mosaic.version = 14 : i64} {
  func.func @_emb_body(%arg0: i32, %arg1: memref<1000x1280xf32, #tpu.memory_space<vmem>>, %arg2: memref<1000x16xf32, #tpu.memory_space<vmem>>, %arg3: memref<1000x8xf32, #tpu.memory_space<vmem>>, %arg4: memref<1280x128xf32, #tpu.memory_space<vmem>>, %arg5: memref<1x128xf32, #tpu.memory_space<vmem>>, %arg6: memref<128x128xf32, #tpu.memory_space<vmem>>, %arg7: memref<1x128xf32, #tpu.memory_space<vmem>>, %arg8: memref<16x32xf32, #tpu.memory_space<vmem>>, %arg9: memref<1x32xf32, #tpu.memory_space<vmem>>, %arg10: memref<32x32xf32, #tpu.memory_space<vmem>>, %arg11: memref<1x32xf32, #tpu.memory_space<vmem>>, %arg12: memref<8x32xf32, #tpu.memory_space<vmem>>, %arg13: memref<1x32xf32, #tpu.memory_space<vmem>>, %arg14: memref<32x128xf32, #tpu.memory_space<vmem>>, %arg15: memref<1x128xf32, #tpu.memory_space<vmem>>, %arg16: memref<32x128xf32, #tpu.memory_space<vmem>>, %arg17: memref<1x128xf32, #tpu.memory_space<vmem>>, %arg18: memref<32x128xf32, #tpu.memory_space<vmem>>, %arg19: memref<1x128xf32, #tpu.memory_space<vmem>>, %arg20: memref<128x128xf32, #tpu.memory_space<vmem>>, %arg21: memref<1000x128xf32, #tpu.memory_space<vmem>>, %arg22: memref<1000x32xf32, #tpu.memory_space<vmem>>, %arg23: memref<1000x128xf32, #tpu.memory_space<vmem>>, %arg24: memref<1000x128xf32, #tpu.memory_space<vmem>>, %arg25: memref<1000x128xf32, #tpu.memory_space<vmem>>, %arg26: memref<1000x128xf32, #tpu.memory_space<vmem>>) attributes {dimension_semantics = [#tpu.dimension_semantics<arbitrary>], iteration_bounds = array<i64: 20>, scalar_prefetch = 0 : i64, scratch_operands = 0 : i64, tpu.core_type = #tpu.core_type<tc>, window_params = [{transform_indices = @transform_0, window_bounds = array<i64: 1000, 1280>}, {transform_indices = @transform_1, window_bounds = array<i64: 1000, 16>}, {transform_indices = @transform_2, window_bounds = array<i64: 1000, 8>}, {pipeline_mode = #tpu.pipeline_mode<synchronous>, transform_indices = @transform_3, window_bounds = array<i64: 1280, 128>}, {pipeline_mode = #tpu.pipeline_mode<synchronous>, transform_indices = @transform_4, window_bounds = array<i64: 1, 128>}, {pipeline_mode = #tpu.pipeline_mode<synchronous>, transform_indices = @transform_5, window_bounds = array<i64: 128, 128>}, {pipeline_mode = #tpu.pipeline_mode<synchronous>, transform_indices = @transform_6, window_bounds = array<i64: 1, 128>}, {pipeline_mode = #tpu.pipeline_mode<synchronous>, transform_indices = @transform_7, window_bounds = array<i64: 16, 32>}, {pipeline_mode = #tpu.pipeline_mode<synchronous>, transform_indices = @transform_8, window_bounds = array<i64: 1, 32>}, {pipeline_mode = #tpu.pipeline_mode<synchronous>, transform_indices = @transform_9, window_bounds = array<i64: 32, 32>}, {pipeline_mode = #tpu.pipeline_mode<synchronous>, transform_indices = @transform_10, window_bounds = array<i64: 1, 32>}, {pipeline_mode = #tpu.pipeline_mode<synchronous>, transform_indices = @transform_11, window_bounds = array<i64: 8, 32>}, {pipeline_mode = #tpu.pipeline_mode<synchronous>, transform_indices = @transform_12, window_bounds = array<i64: 1, 32>}, {pipeline_mode = #tpu.pipeline_mode<synchronous>, transform_indices = @transform_13, window_bounds = array<i64: 32, 128>}, {pipeline_mode = #tpu.pipeline_mode<synchronous>, transform_indices = @transform_14, window_bounds = array<i64: 1, 128>}, {pipeline_mode = #tpu.pipeline_mode<synchronous>, transform_indices = @transform_15, window_bounds = array<i64: 32, 128>}, {pipeline_mode = #tpu.pipeline_mode<synchronous>, transform_indices = @transform_16, window_bounds = array<i64: 1, 128>}, {pipeline_mode = #tpu.pipeline_mode<synchronous>, transform_indices = @transform_17, window_bounds = array<i64: 32, 128>}, {pipeline_mode = #tpu.pipeline_mode<synchronous>, transform_indices = @transform_18, window_bounds = array<i64: 1, 128>}, {pipeline_mode = #tpu.pipeline_mode<synchronous>, transform_indices = @transform_19, window_bounds = array<i64: 128, 128>}, {transform_indices = @transform_20, window_bounds = array<i64: 1000, 128>}, {transform_indices = @transform_21, window_bounds = array<i64: 1000, 32>}, {transform_indices = @transform_22, window_bounds = array<i64: 1000, 128>}, {transform_indices = @transform_23, window_bounds = array<i64: 1000, 128>}, {transform_indices = @transform_24, window_bounds = array<i64: 1000, 128>}, {transform_indices = @transform_25, window_bounds = array<i64: 1000, 128>}]} {
    %get3A = arith.constant 0 : index
    %get3A_0 = arith.constant 0 : index
    %get3A_1 = vector.load %arg1[%get3A, %get3A_0] : memref<1000x1280xf32, #tpu.memory_space<vmem>>, vector<1000x1280xf32>
    %get3A_2 = arith.constant 0 : index
    %get3A_3 = arith.constant 0 : index
    %get3A_4 = vector.load %arg4[%get3A_2, %get3A_3] : memref<1280x128xf32, #tpu.memory_space<vmem>>, vector<1280x128xf32>
    %dot_general3A = arith.constant dense<0.000000e+00> : vector<1000x128xf32>
    %dot_general3A_5 = tpu.matmul %get3A_1, %get3A_4, %dot_general3A {dimension_numbers = #tpu.dot_dimension_numbers<[1], [0], [0], [1], [0, 0, 1, 1], [], []>, transpose_lhs_hint = false} : vector<1000x1280xf32>, vector<1280x128xf32>, vector<1000x128xf32> -> vector<1000x128xf32>
    %get3A_6 = arith.constant 0 : index
    %get3A_7 = arith.constant 0 : index
    %get3A_8 = vector.load %arg5[%get3A_6, %get3A_7] : memref<1x128xf32, #tpu.memory_space<vmem>>, vector<1x128xf32>
    %add3A = vector.broadcast %get3A_8 : vector<1x128xf32> to vector<1000x128xf32>
    %add3A_9 = arith.addf %dot_general3A_5, %add3A : vector<1000x128xf32>
    %jit3A = arith.constant 1.000000e-01 : f32
    %ge3A = arith.constant 0.000000e+00 : f32
    %ge3A_10 = vector.broadcast %ge3A : f32 to vector<1000x128xf32>
    %ge3A_11 = arith.cmpf oge, %add3A_9, %ge3A_10 : vector<1000x128xf32>
    %mul3A = vector.broadcast %jit3A : f32 to vector<1000x128xf32>
    %mul3A_12 = arith.mulf %mul3A, %add3A_9 : vector<1000x128xf32>
    %select_n3A = arith.select %ge3A_11, %add3A_9, %mul3A_12 : vector<1000x128xi1>, vector<1000x128xf32>
    %get3A_13 = arith.constant 0 : index
    %get3A_14 = arith.constant 0 : index
    %get3A_15 = vector.load %arg6[%get3A_13, %get3A_14] : memref<128x128xf32, #tpu.memory_space<vmem>>, vector<128x128xf32>
    %dot_general3A_16 = arith.constant dense<0.000000e+00> : vector<1000x128xf32>
    %dot_general3A_17 = tpu.matmul %select_n3A, %get3A_15, %dot_general3A_16 {dimension_numbers = #tpu.dot_dimension_numbers<[1], [0], [0], [1], [0, 0, 1, 1], [], []>, transpose_lhs_hint = false} : vector<1000x128xf32>, vector<128x128xf32>, vector<1000x128xf32> -> vector<1000x128xf32>
    %get3A_18 = arith.constant 0 : index
    %get3A_19 = arith.constant 0 : index
    %get3A_20 = vector.load %arg7[%get3A_18, %get3A_19] : memref<1x128xf32, #tpu.memory_space<vmem>>, vector<1x128xf32>
    %add3A_21 = vector.broadcast %get3A_20 : vector<1x128xf32> to vector<1000x128xf32>
    %add3A_22 = arith.addf %dot_general3A_17, %add3A_21 : vector<1000x128xf32>
    %jit3A_23 = arith.constant 1.000000e-01 : f32
    %ge3A_24 = arith.constant 0.000000e+00 : f32
    %ge3A_25 = vector.broadcast %ge3A_24 : f32 to vector<1000x128xf32>
    %ge3A_26 = arith.cmpf oge, %add3A_22, %ge3A_25 : vector<1000x128xf32>
    %mul3A_27 = vector.broadcast %jit3A_23 : f32 to vector<1000x128xf32>
    %mul3A_28 = arith.mulf %mul3A_27, %add3A_22 : vector<1000x128xf32>
    %select_n3A_29 = arith.select %ge3A_26, %add3A_22, %mul3A_28 : vector<1000x128xi1>, vector<1000x128xf32>
    %swap3A = arith.constant 0 : index
    %swap3A_30 = arith.constant 0 : index
    %swap3A_31 = vector.load %arg21[%swap3A, %swap3A_30] : memref<1000x128xf32, #tpu.memory_space<vmem>>, vector<1000x128xf32>
    tpu.vector_store %arg21[%swap3A, %swap3A_30], %select_n3A_29 {strides = array<i32>} : memref<1000x128xf32, #tpu.memory_space<vmem>>, vector<1000x128xf32>,
    %get3A_32 = arith.constant 0 : index
    %get3A_33 = arith.constant 0 : index
    %get3A_34 = vector.load %arg20[%get3A_32, %get3A_33] : memref<128x128xf32, #tpu.memory_space<vmem>>, vector<128x128xf32>
    %dot_general3A_35 = arith.constant dense<0.000000e+00> : vector<1000x128xf32>
    %dot_general3A_36 = tpu.matmul %select_n3A_29, %get3A_34, %dot_general3A_35 {dimension_numbers = #tpu.dot_dimension_numbers<[1], [0], [0], [1], [0, 0, 1, 1], [], []>, transpose_lhs_hint = false} : vector<1000x128xf32>, vector<128x128xf32>, vector<1000x128xf32> -> vector<1000x128xf32>
    %swap3A_37 = arith.constant 0 : index
    %swap3A_38 = arith.constant 0 : index
    %swap3A_39 = vector.load %arg26[%swap3A_37, %swap3A_38] : memref<1000x128xf32, #tpu.memory_space<vmem>>, vector<1000x128xf32>
    tpu.vector_store %arg26[%swap3A_37, %swap3A_38], %dot_general3A_36 {strides = array<i32>} : memref<1000x128xf32, #tpu.memory_space<vmem>>, vector<1000x128xf32>,
    %get3A_40 = arith.constant 0 : index
    %get3A_41 = arith.constant 0 : index
    %get3A_42 = vector.load %arg2[%get3A_40, %get3A_41] : memref<1000x16xf32, #tpu.memory_space<vmem>>, vector<1000x16xf32>
    %get3A_43 = arith.constant 0 : index
    %get3A_44 = arith.constant 0 : index
    %get3A_45 = vector.load %arg8[%get3A_43, %get3A_44] : memref<16x32xf32, #tpu.memory_space<vmem>>, vector<16x32xf32>
    %dot_general3A_46 = arith.constant dense<0.000000e+00> : vector<1000x32xf32>
    %dot_general3A_47 = tpu.matmul %get3A_42, %get3A_45, %dot_general3A_46 {dimension_numbers = #tpu.dot_dimension_numbers<[1], [0], [0], [1], [0, 0, 1, 1], [], []>, transpose_lhs_hint = false} : vector<1000x16xf32>, vector<16x32xf32>, vector<1000x32xf32> -> vector<1000x32xf32>
    %get3A_48 = arith.constant 0 : index
    %get3A_49 = arith.constant 0 : index
    %get3A_50 = vector.load %arg9[%get3A_48, %get3A_49] : memref<1x32xf32, #tpu.memory_space<vmem>>, vector<1x32xf32>
    %add3A_51 = vector.broadcast %get3A_50 : vector<1x32xf32> to vector<1000x32xf32>
    %add3A_52 = arith.addf %dot_general3A_47, %add3A_51 : vector<1000x32xf32>
    %jit3A_53 = arith.constant 1.000000e-01 : f32
    %ge3A_54 = arith.constant 0.000000e+00 : f32
    %ge3A_55 = vector.broadcast %ge3A_54 : f32 to vector<1000x32xf32>
    %ge3A_56 = arith.cmpf oge, %add3A_52, %ge3A_55 : vector<1000x32xf32>
    %mul3A_57 = vector.broadcast %jit3A_53 : f32 to vector<1000x32xf32>
    %mul3A_58 = arith.mulf %mul3A_57, %add3A_52 : vector<1000x32xf32>
    %select_n3A_59 = arith.select %ge3A_56, %add3A_52, %mul3A_58 : vector<1000x32xi1>, vector<1000x32xf32>
    %get3A_60 = arith.constant 0 : index
    %get3A_61 = arith.constant 0 : index
    %get3A_62 = vector.load %arg10[%get3A_60, %get3A_61] : memref<32x32xf32, #tpu.memory_space<vmem>>, vector<32x32xf32>
    %dot_general3A_63 = arith.constant dense<0.000000e+00> : vector<1000x32xf32>
    %dot_general3A_64 = tpu.matmul %select_n3A_59, %get3A_62, %dot_general3A_63 {dimension_numbers = #tpu.dot_dimension_numbers<[1], [0], [0], [1], [0, 0, 1, 1], [], []>, transpose_lhs_hint = false} : vector<1000x32xf32>, vector<32x32xf32>, vector<1000x32xf32> -> vector<1000x32xf32>
    %get3A_65 = arith.constant 0 : index
    %get3A_66 = arith.constant 0 : index
    %get3A_67 = vector.load %arg11[%get3A_65, %get3A_66] : memref<1x32xf32, #tpu.memory_space<vmem>>, vector<1x32xf32>
    %add3A_68 = vector.broadcast %get3A_67 : vector<1x32xf32> to vector<1000x32xf32>
    %add3A_69 = arith.addf %dot_general3A_64, %add3A_68 : vector<1000x32xf32>
    %swap3A_70 = arith.constant 0 : index
    %swap3A_71 = arith.constant 0 : index
    %swap3A_72 = vector.load %arg22[%swap3A_70, %swap3A_71] : memref<1000x32xf32, #tpu.memory_space<vmem>>, vector<1000x32xf32>
    tpu.vector_store %arg22[%swap3A_70, %swap3A_71], %add3A_69 {strides = array<i32>} : memref<1000x32xf32, #tpu.memory_space<vmem>>, vector<1000x32xf32>,
    %get3A_73 = arith.constant 0 : index
    %get3A_74 = arith.constant 0 : index
    %get3A_75 = vector.load %arg3[%get3A_73, %get3A_74] : memref<1000x8xf32, #tpu.memory_space<vmem>>, vector<1000x8xf32>
    %get3A_76 = arith.constant 0 : index
    %get3A_77 = arith.constant 0 : index
    %get3A_78 = vector.load %arg12[%get3A_76, %get3A_77] : memref<8x32xf32, #tpu.memory_space<vmem>>, vector<8x32xf32>
    %dot_general3A_79 = arith.constant dense<0.000000e+00> : vector<1000x32xf32>
    %dot_general3A_80 = tpu.matmul %get3A_75, %get3A_78, %dot_general3A_79 {dimension_numbers = #tpu.dot_dimension_numbers<[1], [0], [0], [1], [0, 0, 1, 1], [], []>, transpose_lhs_hint = false} : vector<1000x8xf32>, vector<8x32xf32>, vector<1000x32xf32> -> vector<1000x32xf32>
    %get3A_81 = arith.constant 0 : index
    %get3A_82 = arith.constant 0 : index
    %get3A_83 = vector.load %arg13[%get3A_81, %get3A_82] : memref<1x32xf32, #tpu.memory_space<vmem>>, vector<1x32xf32>
    %add3A_84 = vector.broadcast %get3A_83 : vector<1x32xf32> to vector<1000x32xf32>
    %add3A_85 = arith.addf %dot_general3A_80, %add3A_84 : vector<1000x32xf32>
    %get3A_86 = arith.constant 0 : index
    %get3A_87 = arith.constant 0 : index
    %get3A_88 = vector.load %arg14[%get3A_86, %get3A_87] : memref<32x128xf32, #tpu.memory_space<vmem>>, vector<32x128xf32>
    %dot_general3A_89 = arith.constant dense<0.000000e+00> : vector<1000x128xf32>
    %dot_general3A_90 = tpu.matmul %add3A_85, %get3A_88, %dot_general3A_89 {dimension_numbers = #tpu.dot_dimension_numbers<[1], [0], [0], [1], [0, 0, 1, 1], [], []>, transpose_lhs_hint = false} : vector<1000x32xf32>, vector<32x128xf32>, vector<1000x128xf32> -> vector<1000x128xf32>
    %get3A_91 = arith.constant 0 : index
    %get3A_92 = arith.constant 0 : index
    %get3A_93 = vector.load %arg15[%get3A_91, %get3A_92] : memref<1x128xf32, #tpu.memory_space<vmem>>, vector<1x128xf32>
    %add3A_94 = vector.broadcast %get3A_93 : vector<1x128xf32> to vector<1000x128xf32>
    %add3A_95 = arith.addf %dot_general3A_90, %add3A_94 : vector<1000x128xf32>
    %swap3A_96 = arith.constant 0 : index
    %swap3A_97 = arith.constant 0 : index
    %swap3A_98 = vector.load %arg23[%swap3A_96, %swap3A_97] : memref<1000x128xf32, #tpu.memory_space<vmem>>, vector<1000x128xf32>
    tpu.vector_store %arg23[%swap3A_96, %swap3A_97], %add3A_95 {strides = array<i32>} : memref<1000x128xf32, #tpu.memory_space<vmem>>, vector<1000x128xf32>,
    %get3A_99 = arith.constant 0 : index
    %get3A_100 = arith.constant 0 : index
    %get3A_101 = vector.load %arg16[%get3A_99, %get3A_100] : memref<32x128xf32, #tpu.memory_space<vmem>>, vector<32x128xf32>
    %dot_general3A_102 = arith.constant dense<0.000000e+00> : vector<1000x128xf32>
    %dot_general3A_103 = tpu.matmul %add3A_85, %get3A_101, %dot_general3A_102 {dimension_numbers = #tpu.dot_dimension_numbers<[1], [0], [0], [1], [0, 0, 1, 1], [], []>, transpose_lhs_hint = false} : vector<1000x32xf32>, vector<32x128xf32>, vector<1000x128xf32> -> vector<1000x128xf32>
    %get3A_104 = arith.constant 0 : index
    %get3A_105 = arith.constant 0 : index
    %get3A_106 = vector.load %arg17[%get3A_104, %get3A_105] : memref<1x128xf32, #tpu.memory_space<vmem>>, vector<1x128xf32>
    %add3A_107 = vector.broadcast %get3A_106 : vector<1x128xf32> to vector<1000x128xf32>
    %add3A_108 = arith.addf %dot_general3A_103, %add3A_107 : vector<1000x128xf32>
    %swap3A_109 = arith.constant 0 : index
    %swap3A_110 = arith.constant 0 : index
    %swap3A_111 = vector.load %arg24[%swap3A_109, %swap3A_110] : memref<1000x128xf32, #tpu.memory_space<vmem>>, vector<1000x128xf32>
    tpu.vector_store %arg24[%swap3A_109, %swap3A_110], %add3A_108 {strides = array<i32>} : memref<1000x128xf32, #tpu.memory_space<vmem>>, vector<1000x128xf32>,
    %get3A_112 = arith.constant 0 : index
    %get3A_113 = arith.constant 0 : index
    %get3A_114 = vector.load %arg18[%get3A_112, %get3A_113] : memref<32x128xf32, #tpu.memory_space<vmem>>, vector<32x128xf32>
    %dot_general3A_115 = arith.constant dense<0.000000e+00> : vector<1000x128xf32>
    %dot_general3A_116 = tpu.matmul %add3A_85, %get3A_114, %dot_general3A_115 {dimension_numbers = #tpu.dot_dimension_numbers<[1], [0], [0], [1], [0, 0, 1, 1], [], []>, transpose_lhs_hint = false} : vector<1000x32xf32>, vector<32x128xf32>, vector<1000x128xf32> -> vector<1000x128xf32>
    %get3A_117 = arith.constant 0 : index
    %get3A_118 = arith.constant 0 : index
    %get3A_119 = vector.load %arg19[%get3A_117, %get3A_118] : memref<1x128xf32, #tpu.memory_space<vmem>>, vector<1x128xf32>
    %add3A_120 = vector.broadcast %get3A_119 : vector<1x128xf32> to vector<1000x128xf32>
    %add3A_121 = arith.addf %dot_general3A_116, %add3A_120 : vector<1000x128xf32>
    %swap3A_122 = arith.constant 0 : index
    %swap3A_123 = arith.constant 0 : index
    %swap3A_124 = vector.load %arg25[%swap3A_122, %swap3A_123] : memref<1000x128xf32, #tpu.memory_space<vmem>>, vector<1000x128xf32>
    tpu.vector_store %arg25[%swap3A_122, %swap3A_123], %add3A_121 {strides = array<i32>} : memref<1000x128xf32, #tpu.memory_space<vmem>>, vector<1000x128xf32>,
    return
  }
  func.func @transform_0(%arg0: i32) -> (i32, i32) {
    %c0_i32 = arith.constant 0 : i32
    %c0_i32_0 = arith.constant 0 : i32
    return %arg0, %c0_i32 : i32, i32
  }
  func.func @transform_1(%arg0: i32) -> (i32, i32) {
    %c0_i32 = arith.constant 0 : i32
    %c0_i32_0 = arith.constant 0 : i32
    return %arg0, %c0_i32 : i32, i32
  }
  func.func @transform_2(%arg0: i32) -> (i32, i32) {
    %c0_i32 = arith.constant 0 : i32
    %c0_i32_0 = arith.constant 0 : i32
    return %arg0, %c0_i32 : i32, i32
  }
  func.func @transform_3(%arg0: i32) -> (i32, i32) {
    %c0_i32 = arith.constant 0 : i32
    %c0_i32_0 = arith.constant 0 : i32
    %c0_i32_1 = arith.constant 0 : i32
    return %c0_i32, %c0_i32_0 : i32, i32
  }
  func.func @transform_4(%arg0: i32) -> (i32, i32) {
    %c0_i32 = arith.constant 0 : i32
    %c0_i32_0 = arith.constant 0 : i32
    %c0_i32_1 = arith.constant 0 : i32
    return %c0_i32, %c0_i32_0 : i32, i32
  }
  func.func @transform_5(%arg0: i32) -> (i32, i32) {
    %c0_i32 = arith.constant 0 : i32
    %c0_i32_0 = arith.constant 0 : i32
    %c0_i32_1 = arith.constant 0 : i32
    return %c0_i32, %c0_i32_0 : i32, i32
  }
  func.func @transform_6(%arg0: i32) -> (i32, i32) {
    %c0_i32 = arith.constant 0 : i32
    %c0_i32_0 = arith.constant 0 : i32
    %c0_i32_1 = arith.constant 0 : i32
    return %c0_i32, %c0_i32_0 : i32, i32
  }
  func.func @transform_7(%arg0: i32) -> (i32, i32) {
    %c0_i32 = arith.constant 0 : i32
    %c0_i32_0 = arith.constant 0 : i32
    %c0_i32_1 = arith.constant 0 : i32
    return %c0_i32, %c0_i32_0 : i32, i32
  }
  func.func @transform_8(%arg0: i32) -> (i32, i32) {
    %c0_i32 = arith.constant 0 : i32
    %c0_i32_0 = arith.constant 0 : i32
    %c0_i32_1 = arith.constant 0 : i32
    return %c0_i32, %c0_i32_0 : i32, i32
  }
  func.func @transform_9(%arg0: i32) -> (i32, i32) {
    %c0_i32 = arith.constant 0 : i32
    %c0_i32_0 = arith.constant 0 : i32
    %c0_i32_1 = arith.constant 0 : i32
    return %c0_i32, %c0_i32_0 : i32, i32
  }
  func.func @transform_10(%arg0: i32) -> (i32, i32) {
    %c0_i32 = arith.constant 0 : i32
    %c0_i32_0 = arith.constant 0 : i32
    %c0_i32_1 = arith.constant 0 : i32
    return %c0_i32, %c0_i32_0 : i32, i32
  }
  func.func @transform_11(%arg0: i32) -> (i32, i32) {
    %c0_i32 = arith.constant 0 : i32
    %c0_i32_0 = arith.constant 0 : i32
    %c0_i32_1 = arith.constant 0 : i32
    return %c0_i32, %c0_i32_0 : i32, i32
  }
  func.func @transform_12(%arg0: i32) -> (i32, i32) {
    %c0_i32 = arith.constant 0 : i32
    %c0_i32_0 = arith.constant 0 : i32
    %c0_i32_1 = arith.constant 0 : i32
    return %c0_i32, %c0_i32_0 : i32, i32
  }
  func.func @transform_13(%arg0: i32) -> (i32, i32) {
    %c0_i32 = arith.constant 0 : i32
    %c0_i32_0 = arith.constant 0 : i32
    %c0_i32_1 = arith.constant 0 : i32
    return %c0_i32, %c0_i32_0 : i32, i32
  }
  func.func @transform_14(%arg0: i32) -> (i32, i32) {
    %c0_i32 = arith.constant 0 : i32
    %c0_i32_0 = arith.constant 0 : i32
    %c0_i32_1 = arith.constant 0 : i32
    return %c0_i32, %c0_i32_0 : i32, i32
  }
  func.func @transform_15(%arg0: i32) -> (i32, i32) {
    %c0_i32 = arith.constant 0 : i32
    %c0_i32_0 = arith.constant 0 : i32
    %c0_i32_1 = arith.constant 0 : i32
    return %c0_i32, %c0_i32_0 : i32, i32
  }
  func.func @transform_16(%arg0: i32) -> (i32, i32) {
    %c0_i32 = arith.constant 0 : i32
    %c0_i32_0 = arith.constant 0 : i32
    %c0_i32_1 = arith.constant 0 : i32
    return %c0_i32, %c0_i32_0 : i32, i32
  }
  func.func @transform_17(%arg0: i32) -> (i32, i32) {
    %c0_i32 = arith.constant 0 : i32
    %c0_i32_0 = arith.constant 0 : i32
    %c0_i32_1 = arith.constant 0 : i32
    return %c0_i32, %c0_i32_0 : i32, i32
  }
  func.func @transform_18(%arg0: i32) -> (i32, i32) {
    %c0_i32 = arith.constant 0 : i32
    %c0_i32_0 = arith.constant 0 : i32
    %c0_i32_1 = arith.constant 0 : i32
    return %c0_i32, %c0_i32_0 : i32, i32
  }
  func.func @transform_19(%arg0: i32) -> (i32, i32) {
    %c0_i32 = arith.constant 0 : i32
    %c0_i32_0 = arith.constant 0 : i32
    %c0_i32_1 = arith.constant 0 : i32
    return %c0_i32, %c0_i32_0 : i32, i32
  }
  func.func @transform_20(%arg0: i32) -> (i32, i32) {
    %c0_i32 = arith.constant 0 : i32
    %c0_i32_0 = arith.constant 0 : i32
    return %arg0, %c0_i32 : i32, i32
  }
  func.func @transform_21(%arg0: i32) -> (i32, i32) {
    %c0_i32 = arith.constant 0 : i32
    %c0_i32_0 = arith.constant 0 : i32
    return %arg0, %c0_i32 : i32, i32
  }
  func.func @transform_22(%arg0: i32) -> (i32, i32) {
    %c0_i32 = arith.constant 0 : i32
    %c0_i32_0 = arith.constant 0 : i32
    return %arg0, %c0_i32 : i32, i32
  }
  func.func @transform_23(%arg0: i32) -> (i32, i32) {
    %c0_i32 = arith.constant 0 : i32
    %c0_i32_0 = arith.constant 0 : i32
    return %arg0, %c0_i32 : i32, i32
  }
  func.func @transform_24(%arg0: i32) -> (i32, i32) {
    %c0_i32 = arith.constant 0 : i32
    %c0_i32_0 = arith.constant 0 : i32
    return %arg0, %c0_i32 : i32, i32
  }
  func.func @transform_25(%arg0: i32) -> (i32, i32) {
    %c0_i32 = arith.constant 0 : i32
    %c0_i32_0 = arith.constant 0 : i32
    return %arg0, %c0_i32 : i32, i32
  }
}

module attributes {stable_mosaic.version = 14 : i64} {
  func.func @_upd_body(%arg0: i32, %arg1: memref<1000x128xf32, #tpu.memory_space<vmem>>, %arg2: memref<1000x128xf32, #tpu.memory_space<vmem>>, %arg3: memref<128x128xf32, #tpu.memory_space<vmem>>, %arg4: memref<128x128xf32, #tpu.memory_space<vmem>>, %arg5: memref<1x128xf32, #tpu.memory_space<vmem>>, %arg6: memref<128x128xf32, #tpu.memory_space<vmem>>, %arg7: memref<1000x128xf32, #tpu.memory_space<vmem>>, %arg8: memref<1000x128xf32, #tpu.memory_space<vmem>>) attributes {dimension_semantics = [#tpu.dimension_semantics<arbitrary>], iteration_bounds = array<i64: 20>, scalar_prefetch = 0 : i64, scratch_operands = 0 : i64, tpu.core_type = #tpu.core_type<tc>, window_params = [{transform_indices = @transform_0, window_bounds = array<i64: 1000, 128>}, {transform_indices = @transform_1, window_bounds = array<i64: 1000, 128>}, {pipeline_mode = #tpu.pipeline_mode<synchronous>, transform_indices = @transform_2, window_bounds = array<i64: 128, 128>}, {pipeline_mode = #tpu.pipeline_mode<synchronous>, transform_indices = @transform_3, window_bounds = array<i64: 128, 128>}, {pipeline_mode = #tpu.pipeline_mode<synchronous>, transform_indices = @transform_4, window_bounds = array<i64: 1, 128>}, {pipeline_mode = #tpu.pipeline_mode<synchronous>, transform_indices = @transform_5, window_bounds = array<i64: 128, 128>}, {transform_indices = @transform_6, window_bounds = array<i64: 1000, 128>}, {transform_indices = @transform_7, window_bounds = array<i64: 1000, 128>}]} {
    %get3A = arith.constant 0 : index
    %get3A_0 = arith.constant 0 : index
    %get3A_1 = vector.load %arg1[%get3A, %get3A_0] : memref<1000x128xf32, #tpu.memory_space<vmem>>, vector<1000x128xf32>
    %get3A_2 = arith.constant 0 : index
    %get3A_3 = arith.constant 0 : index
    %get3A_4 = vector.load %arg2[%get3A_2, %get3A_3] : memref<1000x128xf32, #tpu.memory_space<vmem>>, vector<1000x128xf32>
    %max3A = arith.constant 0.000000e+00 : f32
    %max3A_5 = vector.broadcast %max3A : f32 to vector<1000x128xf32>
    %max3A_6 = arith.maximumf %get3A_4, %max3A_5 : vector<1000x128xf32>
    %get3A_7 = arith.constant 0 : index
    %get3A_8 = arith.constant 0 : index
    %get3A_9 = vector.load %arg3[%get3A_7, %get3A_8] : memref<128x128xf32, #tpu.memory_space<vmem>>, vector<128x128xf32>
    %dot_general3A = arith.constant dense<0.000000e+00> : vector<1000x128xf32>
    %dot_general3A_10 = tpu.matmul %get3A_1, %get3A_9, %dot_general3A {dimension_numbers = #tpu.dot_dimension_numbers<[1], [0], [0], [1], [0, 0, 1, 1], [], []>, transpose_lhs_hint = false} : vector<1000x128xf32>, vector<128x128xf32>, vector<1000x128xf32> -> vector<1000x128xf32>
    %get3A_11 = arith.constant 0 : index
    %get3A_12 = arith.constant 0 : index
    %get3A_13 = vector.load %arg4[%get3A_11, %get3A_12] : memref<128x128xf32, #tpu.memory_space<vmem>>, vector<128x128xf32>
    %dot_general3A_14 = arith.constant dense<0.000000e+00> : vector<1000x128xf32>
    %dot_general3A_15 = tpu.matmul %max3A_6, %get3A_13, %dot_general3A_14 {dimension_numbers = #tpu.dot_dimension_numbers<[1], [0], [0], [1], [0, 0, 1, 1], [], []>, transpose_lhs_hint = false} : vector<1000x128xf32>, vector<128x128xf32>, vector<1000x128xf32> -> vector<1000x128xf32>
    %add3A = arith.addf %dot_general3A_10, %dot_general3A_15 : vector<1000x128xf32>
    %get3A_16 = arith.constant 0 : index
    %get3A_17 = arith.constant 0 : index
    %get3A_18 = vector.load %arg5[%get3A_16, %get3A_17] : memref<1x128xf32, #tpu.memory_space<vmem>>, vector<1x128xf32>
    %add3A_19 = vector.broadcast %get3A_18 : vector<1x128xf32> to vector<1000x128xf32>
    %add3A_20 = arith.addf %add3A, %add3A_19 : vector<1000x128xf32>
    %max3A_21 = arith.constant 0.000000e+00 : f32
    %max3A_22 = vector.broadcast %max3A_21 : f32 to vector<1000x128xf32>
    %max3A_23 = arith.maximumf %add3A_20, %max3A_22 : vector<1000x128xf32>
    %add3A_24 = arith.addf %get3A_1, %max3A_23 : vector<1000x128xf32>
    %swap3A = arith.constant 0 : index
    %swap3A_25 = arith.constant 0 : index
    %swap3A_26 = vector.load %arg7[%swap3A, %swap3A_25] : memref<1000x128xf32, #tpu.memory_space<vmem>>, vector<1000x128xf32>
    tpu.vector_store %arg7[%swap3A, %swap3A_25], %add3A_24 {strides = array<i32>} : memref<1000x128xf32, #tpu.memory_space<vmem>>, vector<1000x128xf32>,
    %get3A_27 = arith.constant 0 : index
    %get3A_28 = arith.constant 0 : index
    %get3A_29 = vector.load %arg6[%get3A_27, %get3A_28] : memref<128x128xf32, #tpu.memory_space<vmem>>, vector<128x128xf32>
    %dot_general3A_30 = arith.constant dense<0.000000e+00> : vector<1000x128xf32>
    %dot_general3A_31 = tpu.matmul %add3A_24, %get3A_29, %dot_general3A_30 {dimension_numbers = #tpu.dot_dimension_numbers<[1], [0], [0], [1], [0, 0, 1, 1], [], []>, transpose_lhs_hint = false} : vector<1000x128xf32>, vector<128x128xf32>, vector<1000x128xf32> -> vector<1000x128xf32>
    %swap3A_32 = arith.constant 0 : index
    %swap3A_33 = arith.constant 0 : index
    %swap3A_34 = vector.load %arg8[%swap3A_32, %swap3A_33] : memref<1000x128xf32, #tpu.memory_space<vmem>>, vector<1000x128xf32>
    tpu.vector_store %arg8[%swap3A_32, %swap3A_33], %dot_general3A_31 {strides = array<i32>} : memref<1000x128xf32, #tpu.memory_space<vmem>>, vector<1000x128xf32>,
    return
  }
  func.func @transform_0(%arg0: i32) -> (i32, i32) {
    %c0_i32 = arith.constant 0 : i32
    %c0_i32_0 = arith.constant 0 : i32
    return %arg0, %c0_i32 : i32, i32
  }
  func.func @transform_1(%arg0: i32) -> (i32, i32) {
    %c0_i32 = arith.constant 0 : i32
    %c0_i32_0 = arith.constant 0 : i32
    return %arg0, %c0_i32 : i32, i32
  }
  func.func @transform_2(%arg0: i32) -> (i32, i32) {
    %c0_i32 = arith.constant 0 : i32
    %c0_i32_0 = arith.constant 0 : i32
    %c0_i32_1 = arith.constant 0 : i32
    return %c0_i32, %c0_i32_0 : i32, i32
  }
  func.func @transform_3(%arg0: i32) -> (i32, i32) {
    %c0_i32 = arith.constant 0 : i32
    %c0_i32_0 = arith.constant 0 : i32
    %c0_i32_1 = arith.constant 0 : i32
    return %c0_i32, %c0_i32_0 : i32, i32
  }
  func.func @transform_4(%arg0: i32) -> (i32, i32) {
    %c0_i32 = arith.constant 0 : i32
    %c0_i32_0 = arith.constant 0 : i32
    %c0_i32_1 = arith.constant 0 : i32
    return %c0_i32, %c0_i32_0 : i32, i32
  }
  func.func @transform_5(%arg0: i32) -> (i32, i32) {
    %c0_i32 = arith.constant 0 : i32
    %c0_i32_0 = arith.constant 0 : i32
    %c0_i32_1 = arith.constant 0 : i32
    return %c0_i32, %c0_i32_0 : i32, i32
  }
  func.func @transform_6(%arg0: i32) -> (i32, i32) {
    %c0_i32 = arith.constant 0 : i32
    %c0_i32_0 = arith.constant 0 : i32
    return %arg0, %c0_i32 : i32, i32
  }
  func.func @transform_7(%arg0: i32) -> (i32, i32) {
    %c0_i32 = arith.constant 0 : i32
    %c0_i32_0 = arith.constant 0 : i32
    return %arg0, %c0_i32 : i32, i32
  }
}

module attributes {stable_mosaic.version = 14 : i64} {
  func.func @_fin_body(%arg0: i32, %arg1: memref<1000x128xf32, #tpu.memory_space<vmem>>, %arg2: memref<1000x128xf32, #tpu.memory_space<vmem>>, %arg3: memref<1000x128xf32, #tpu.memory_space<vmem>>, %arg4: memref<1000x32xf32, #tpu.memory_space<vmem>>, %arg5: memref<128x128xf32, #tpu.memory_space<vmem>>, %arg6: memref<128x128xf32, #tpu.memory_space<vmem>>, %arg7: memref<1x128xf32, #tpu.memory_space<vmem>>, %arg8: memref<128x128xf32, #tpu.memory_space<vmem>>, %arg9: memref<32x128xf32, #tpu.memory_space<vmem>>, %arg10: memref<1x128xf32, #tpu.memory_space<vmem>>, %arg11: memref<128x128xf32, #tpu.memory_space<vmem>>, %arg12: memref<1x128xf32, #tpu.memory_space<vmem>>, %arg13: memref<1000x128xf32, #tpu.memory_space<vmem>>) attributes {dimension_semantics = [#tpu.dimension_semantics<arbitrary>], iteration_bounds = array<i64: 20>, scalar_prefetch = 0 : i64, scratch_operands = 0 : i64, tpu.core_type = #tpu.core_type<tc>, window_params = [{transform_indices = @transform_0, window_bounds = array<i64: 1000, 128>}, {transform_indices = @transform_1, window_bounds = array<i64: 1000, 128>}, {transform_indices = @transform_2, window_bounds = array<i64: 1000, 128>}, {transform_indices = @transform_3, window_bounds = array<i64: 1000, 32>}, {pipeline_mode = #tpu.pipeline_mode<synchronous>, transform_indices = @transform_4, window_bounds = array<i64: 128, 128>}, {pipeline_mode = #tpu.pipeline_mode<synchronous>, transform_indices = @transform_5, window_bounds = array<i64: 128, 128>}, {pipeline_mode = #tpu.pipeline_mode<synchronous>, transform_indices = @transform_6, window_bounds = array<i64: 1, 128>}, {pipeline_mode = #tpu.pipeline_mode<synchronous>, transform_indices = @transform_7, window_bounds = array<i64: 128, 128>}, {pipeline_mode = #tpu.pipeline_mode<synchronous>, transform_indices = @transform_8, window_bounds = array<i64: 32, 128>}, {pipeline_mode = #tpu.pipeline_mode<synchronous>, transform_indices = @transform_9, window_bounds = array<i64: 1, 128>}, {pipeline_mode = #tpu.pipeline_mode<synchronous>, transform_indices = @transform_10, window_bounds = array<i64: 128, 128>}, {pipeline_mode = #tpu.pipeline_mode<synchronous>, transform_indices = @transform_11, window_bounds = array<i64: 1, 128>}, {transform_indices = @transform_12, window_bounds = array<i64: 1000, 128>}]} {
    %get3A = arith.constant 0 : index
    %get3A_0 = arith.constant 0 : index
    %get3A_1 = vector.load %arg1[%get3A, %get3A_0] : memref<1000x128xf32, #tpu.memory_space<vmem>>, vector<1000x128xf32>
    %get3A_2 = arith.constant 0 : index
    %get3A_3 = arith.constant 0 : index
    %get3A_4 = vector.load %arg2[%get3A_2, %get3A_3] : memref<1000x128xf32, #tpu.memory_space<vmem>>, vector<1000x128xf32>
    %max3A = arith.constant 0.000000e+00 : f32
    %max3A_5 = vector.broadcast %max3A : f32 to vector<1000x128xf32>
    %max3A_6 = arith.maximumf %get3A_4, %max3A_5 : vector<1000x128xf32>
    %get3A_7 = arith.constant 0 : index
    %get3A_8 = arith.constant 0 : index
    %get3A_9 = vector.load %arg5[%get3A_7, %get3A_8] : memref<128x128xf32, #tpu.memory_space<vmem>>, vector<128x128xf32>
    %dot_general3A = arith.constant dense<0.000000e+00> : vector<1000x128xf32>
    %dot_general3A_10 = tpu.matmul %get3A_1, %get3A_9, %dot_general3A {dimension_numbers = #tpu.dot_dimension_numbers<[1], [0], [0], [1], [0, 0, 1, 1], [], []>, transpose_lhs_hint = false} : vector<1000x128xf32>, vector<128x128xf32>, vector<1000x128xf32> -> vector<1000x128xf32>
    %get3A_11 = arith.constant 0 : index
    %get3A_12 = arith.constant 0 : index
    %get3A_13 = vector.load %arg6[%get3A_11, %get3A_12] : memref<128x128xf32, #tpu.memory_space<vmem>>, vector<128x128xf32>
    %dot_general3A_14 = arith.constant dense<0.000000e+00> : vector<1000x128xf32>
    %dot_general3A_15 = tpu.matmul %max3A_6, %get3A_13, %dot_general3A_14 {dimension_numbers = #tpu.dot_dimension_numbers<[1], [0], [0], [1], [0, 0, 1, 1], [], []>, transpose_lhs_hint = false} : vector<1000x128xf32>, vector<128x128xf32>, vector<1000x128xf32> -> vector<1000x128xf32>
    %add3A = arith.addf %dot_general3A_10, %dot_general3A_15 : vector<1000x128xf32>
    %get3A_16 = arith.constant 0 : index
    %get3A_17 = arith.constant 0 : index
    %get3A_18 = vector.load %arg7[%get3A_16, %get3A_17] : memref<1x128xf32, #tpu.memory_space<vmem>>, vector<1x128xf32>
    %add3A_19 = vector.broadcast %get3A_18 : vector<1x128xf32> to vector<1000x128xf32>
    %add3A_20 = arith.addf %add3A, %add3A_19 : vector<1000x128xf32>
    %max3A_21 = arith.constant 0.000000e+00 : f32
    %max3A_22 = vector.broadcast %max3A_21 : f32 to vector<1000x128xf32>
    %max3A_23 = arith.maximumf %add3A_20, %max3A_22 : vector<1000x128xf32>
    %add3A_24 = arith.addf %get3A_1, %max3A_23 : vector<1000x128xf32>
    %get3A_25 = arith.constant 0 : index
    %get3A_26 = arith.constant 0 : index
    %get3A_27 = vector.load %arg3[%get3A_25, %get3A_26] : memref<1000x128xf32, #tpu.memory_space<vmem>>, vector<1000x128xf32>
    %add3A_28 = arith.addf %add3A_24, %get3A_27 : vector<1000x128xf32>
    %get3A_29 = arith.constant 0 : index
    %get3A_30 = arith.constant 0 : index
    %get3A_31 = vector.load %arg8[%get3A_29, %get3A_30] : memref<128x128xf32, #tpu.memory_space<vmem>>, vector<128x128xf32>
    %dot_general3A_32 = arith.constant dense<0.000000e+00> : vector<1000x128xf32>
    %dot_general3A_33 = tpu.matmul %add3A_28, %get3A_31, %dot_general3A_32 {dimension_numbers = #tpu.dot_dimension_numbers<[1], [0], [0], [1], [0, 0, 1, 1], [], []>, transpose_lhs_hint = false} : vector<1000x128xf32>, vector<128x128xf32>, vector<1000x128xf32> -> vector<1000x128xf32>
    %get3A_34 = arith.constant 0 : index
    %get3A_35 = arith.constant 0 : index
    %get3A_36 = vector.load %arg4[%get3A_34, %get3A_35] : memref<1000x32xf32, #tpu.memory_space<vmem>>, vector<1000x32xf32>
    %get3A_37 = arith.constant 0 : index
    %get3A_38 = arith.constant 0 : index
    %get3A_39 = vector.load %arg9[%get3A_37, %get3A_38] : memref<32x128xf32, #tpu.memory_space<vmem>>, vector<32x128xf32>
    %dot_general3A_40 = arith.constant dense<0.000000e+00> : vector<1000x128xf32>
    %dot_general3A_41 = tpu.matmul %get3A_36, %get3A_39, %dot_general3A_40 {dimension_numbers = #tpu.dot_dimension_numbers<[1], [0], [0], [1], [0, 0, 1, 1], [], []>, transpose_lhs_hint = false} : vector<1000x32xf32>, vector<32x128xf32>, vector<1000x128xf32> -> vector<1000x128xf32>
    %add3A_42 = arith.addf %dot_general3A_33, %dot_general3A_41 : vector<1000x128xf32>
    %get3A_43 = arith.constant 0 : index
    %get3A_44 = arith.constant 0 : index
    %get3A_45 = vector.load %arg10[%get3A_43, %get3A_44] : memref<1x128xf32, #tpu.memory_space<vmem>>, vector<1x128xf32>
    %add3A_46 = vector.broadcast %get3A_45 : vector<1x128xf32> to vector<1000x128xf32>
    %add3A_47 = arith.addf %add3A_42, %add3A_46 : vector<1000x128xf32>
    %jit3A = arith.constant 1.000000e-01 : f32
    %ge3A = arith.constant 0.000000e+00 : f32
    %ge3A_48 = vector.broadcast %ge3A : f32 to vector<1000x128xf32>
    %ge3A_49 = arith.cmpf oge, %add3A_47, %ge3A_48 : vector<1000x128xf32>
    %mul3A = vector.broadcast %jit3A : f32 to vector<1000x128xf32>
    %mul3A_50 = arith.mulf %mul3A, %add3A_47 : vector<1000x128xf32>
    %select_n3A = arith.select %ge3A_49, %add3A_47, %mul3A_50 : vector<1000x128xi1>, vector<1000x128xf32>
    %get3A_51 = arith.constant 0 : index
    %get3A_52 = arith.constant 0 : index
    %get3A_53 = vector.load %arg11[%get3A_51, %get3A_52] : memref<128x128xf32, #tpu.memory_space<vmem>>, vector<128x128xf32>
    %dot_general3A_54 = arith.constant dense<0.000000e+00> : vector<1000x128xf32>
    %dot_general3A_55 = tpu.matmul %select_n3A, %get3A_53, %dot_general3A_54 {dimension_numbers = #tpu.dot_dimension_numbers<[1], [0], [0], [1], [0, 0, 1, 1], [], []>, transpose_lhs_hint = false} : vector<1000x128xf32>, vector<128x128xf32>, vector<1000x128xf32> -> vector<1000x128xf32>
    %get3A_56 = arith.constant 0 : index
    %get3A_57 = arith.constant 0 : index
    %get3A_58 = vector.load %arg12[%get3A_56, %get3A_57] : memref<1x128xf32, #tpu.memory_space<vmem>>, vector<1x128xf32>
    %add3A_59 = vector.broadcast %get3A_58 : vector<1x128xf32> to vector<1000x128xf32>
    %add3A_60 = arith.addf %dot_general3A_55, %add3A_59 : vector<1000x128xf32>
    %jit3A_61 = arith.constant 1.000000e-01 : f32
    %ge3A_62 = arith.constant 0.000000e+00 : f32
    %ge3A_63 = vector.broadcast %ge3A_62 : f32 to vector<1000x128xf32>
    %ge3A_64 = arith.cmpf oge, %add3A_60, %ge3A_63 : vector<1000x128xf32>
    %mul3A_65 = vector.broadcast %jit3A_61 : f32 to vector<1000x128xf32>
    %mul3A_66 = arith.mulf %mul3A_65, %add3A_60 : vector<1000x128xf32>
    %select_n3A_67 = arith.select %ge3A_64, %add3A_60, %mul3A_66 : vector<1000x128xi1>, vector<1000x128xf32>
    %swap3A = arith.constant 0 : index
    %swap3A_68 = arith.constant 0 : index
    %swap3A_69 = vector.load %arg13[%swap3A, %swap3A_68] : memref<1000x128xf32, #tpu.memory_space<vmem>>, vector<1000x128xf32>
    tpu.vector_store %arg13[%swap3A, %swap3A_68], %select_n3A_67 {strides = array<i32>} : memref<1000x128xf32, #tpu.memory_space<vmem>>, vector<1000x128xf32>,
    return
  }
  func.func @transform_0(%arg0: i32) -> (i32, i32) {
    %c0_i32 = arith.constant 0 : i32
    %c0_i32_0 = arith.constant 0 : i32
    return %arg0, %c0_i32 : i32, i32
  }
  func.func @transform_1(%arg0: i32) -> (i32, i32) {
    %c0_i32 = arith.constant 0 : i32
    %c0_i32_0 = arith.constant 0 : i32
    return %arg0, %c0_i32 : i32, i32
  }
  func.func @transform_2(%arg0: i32) -> (i32, i32) {
    %c0_i32 = arith.constant 0 : i32
    %c0_i32_0 = arith.constant 0 : i32
    return %arg0, %c0_i32 : i32, i32
  }
  func.func @transform_3(%arg0: i32) -> (i32, i32) {
    %c0_i32 = arith.constant 0 : i32
    %c0_i32_0 = arith.constant 0 : i32
    return %arg0, %c0_i32 : i32, i32
  }
  func.func @transform_4(%arg0: i32) -> (i32, i32) {
    %c0_i32 = arith.constant 0 : i32
    %c0_i32_0 = arith.constant 0 : i32
    %c0_i32_1 = arith.constant 0 : i32
    return %c0_i32, %c0_i32_0 : i32, i32
  }
  func.func @transform_5(%arg0: i32) -> (i32, i32) {
    %c0_i32 = arith.constant 0 : i32
    %c0_i32_0 = arith.constant 0 : i32
    %c0_i32_1 = arith.constant 0 : i32
    return %c0_i32, %c0_i32_0 : i32, i32
  }
  func.func @transform_6(%arg0: i32) -> (i32, i32) {
    %c0_i32 = arith.constant 0 : i32
    %c0_i32_0 = arith.constant 0 : i32
    %c0_i32_1 = arith.constant 0 : i32
    return %c0_i32, %c0_i32_0 : i32, i32
  }
  func.func @transform_7(%arg0: i32) -> (i32, i32) {
    %c0_i32 = arith.constant 0 : i32
    %c0_i32_0 = arith.constant 0 : i32
    %c0_i32_1 = arith.constant 0 : i32
    return %c0_i32, %c0_i32_0 : i32, i32
  }
  func.func @transform_8(%arg0: i32) -> (i32, i32) {
    %c0_i32 = arith.constant 0 : i32
    %c0_i32_0 = arith.constant 0 : i32
    %c0_i32_1 = arith.constant 0 : i32
    return %c0_i32, %c0_i32_0 : i32, i32
  }
  func.func @transform_9(%arg0: i32) -> (i32, i32) {
    %c0_i32 = arith.constant 0 : i32
    %c0_i32_0 = arith.constant 0 : i32
    %c0_i32_1 = arith.constant 0 : i32
    return %c0_i32, %c0_i32_0 : i32, i32
  }
  func.func @transform_10(%arg0: i32) -> (i32, i32) {
    %c0_i32 = arith.constant 0 : i32
    %c0_i32_0 = arith.constant 0 : i32
    %c0_i32_1 = arith.constant 0 : i32
    return %c0_i32, %c0_i32_0 : i32, i32
  }
  func.func @transform_11(%arg0: i32) -> (i32, i32) {
    %c0_i32 = arith.constant 0 : i32
    %c0_i32_0 = arith.constant 0 : i32
    %c0_i32_1 = arith.constant 0 : i32
    return %c0_i32, %c0_i32_0 : i32, i32
  }
  func.func @transform_12(%arg0: i32) -> (i32, i32) {
    %c0_i32 = arith.constant 0 : i32
    %c0_i32_0 = arith.constant 0 : i32
    return %arg0, %c0_i32 : i32, i32
  }
}

</mosaic_0001>

<sc_bundles>
// kernel: kernel.12.cloned.1.call-start
scs
__scs_entry_jumppad:
0x0: {  	(pc) =	sbr.rel $0x88, $3  }
0x1: {  	(tag) =	ssettag $0x0;
	lr =	simm.s32 $0x1  }
0x2: {  	[smem:$0x3F8A] =	sst lr;
	_ =	strace $0xD0000000  }
0x3: {  	_ = 	snop  }
0x4: {  	_ = 	snop  }
0x5: {  	_ = 	snop  }
0x6: {  	_ = 	snop  }
0x7: {  	_ = 	snop  }
__scs_overlays_trampoline_lowered:
0x8: {  	[smem:$0x3F99] =	sst s0  }
0x9: {  	[smem:$0x3F9A] =	sst s1  }
0xa: {  	[smem:$0x3F9B] =	sst s2  }
0xb: {  	[smem:$0x3F9C] =	sst s3  }
0xc: {  	[smem:$0x3F9D] =	sst s4  }
0xd: {  	[smem:$0x3F9E] =	sst s5  }
0xe: {  	[smem:$0x3F9F] =	sst s6  }
0xf: {  	[smem:$0x3FA0] =	sst s7  }
0x10: {  	[smem:$0x3FA1] =	sst s8  }
0x11: {  	[smem:$0x3FA2] =	sst s9;
	s0 =	simm.s32 @!p0 $0x0  }
0x12: {  	s1 =	sld [smem:$0x3F88];
	s0 =	simm.s32 @p0 $0x1  }
0x13: {  	[smem:$0x3FA3] =	sst s0;
	s0 =	simm.s32 @!p1 $0x0  }
0x14: {  	s2 =	sld [smem:$0x3F87];
	s0 =	simm.s32 @p1 $0x1  }
0x15: {  	[smem:$0x3FA4] =	sst s0;
	s0 =	simm.s32 @!p2 $0x0  }
0x16: {  	s3 =	sld [smem:$0x3FDB];
	s0 =	simm.s32 @p2 $0x1  }
0x17: {  	s4 =	simm.s32 $0x1BF5;
	[smem:$0x3FA6] =	sst s0  }
0x18: {  	s0 =	sld [smem:$0x3F89];
	_ =	swait.ge [sflag:s4], $0x0  }
0x19: {  	s7 =	sld [smem:$0x3F8A]  }
0x1a: {  	s8 =	sadd.s32 $0xFFFFE003, lr  }
0x1b: {  	s9 =	sadd.s32 $0xFFFFFEF7, lr;
	s5 =	simm.s32 $0xFFFFFFFF;
	p2 =	slt.u32 s8, $0xFFFFF086  }
0x1c: {  	p1 =	slt.u32 s9, $0xF7A;
	s5 =	simm.s32 @!p2 $0x0  }
0x1d: {  	s5 =	simm.s32 @p1 $0x1;
	p0 =	seq.s32 s7, s2  }
0x1e: {  	s7 =	smul.u32 @!p0 $0xF7A, s2;
	p2 =	seq.s32 @!p0 s5, $0x0  }
0x1f: {  	s9 =	smul.u32 $0xF7A, s1;
	s8 =	simm.s32 @!p0 $0x1BF5;
	p2 =	por !p2, p0  }
0x20: {  	[sflag:s8] =	ssyncset.s32 @!p0 $0xFFFFF086;
	s6 =	sadd.s32 @!p0 s3, s7;
	s7 =	simm.s32 @!p0 $0x108  }
0x21: {  	s3 =	sadd.s32 s3, s9;
	s6 =	sadd.s32 @!p0 $0x88, s6;
	s7 =	simm.s32 @p2 $0x1082  }
0x22: {  	[simem:s7], [sflag:s8] =	dma.local @!p0 [hbm:s6], $0xF7A  }
0x23: {  	s9 =	sor.u32 $0xD0000000, s2;
	s6 =	simm.s32 $0x108;
	_ =	swait.ge @!p0 [sflag:s8], $0x0  }
0x24: {  	s3 =	sadd.s32 $0x88, s3;
	s6 =	simm.s32 @!p1 $0x1082;
	[sflag:s4] =	ssyncset.s32 $0xFFFFF086  }
0x25: {  	[simem:s6], [sflag:s4] =	dma.local [hbm:s3], $0xF7A  }
0x26: {  	[smem:$0x3F8A] =	sst s1;
	(tag) =	ssettag s2;
	_ =	strace s9  }
0x27: {  	s1 =	sld [smem:$0x3F9A]  }
0x28: {  	s2 =	sld [smem:$0x3F9B]  }
0x29: {  	s4 =	sld [smem:$0x3F9D]  }
0x2a: {  	p0 =	seq.s32 s5, $0x0;
	s5 =	sld [smem:$0x3F9E]  }
0x2b: {  	s6 =	sld [smem:$0x3F9F]  }
0x2c: {  	s7 =	sld [smem:$0x3FA0]  }
0x2d: {  	s3 =	simm.s32 $0x108;
	s8 =	sld [smem:$0x3FA1]  }
0x2e: {  	s3 =	simm.s32 @!p0 $0x1082;
	s9 =	sld [smem:$0x3FA2]  }
0x2f: {  	lr =	sadd.s32 s0, s3;
	s0 =	sld [smem:$0x3F99]  }
0x30: {  	s3 =	sld [smem:$0x3F9C]  }
0x31: {  	[smem:$0x3FA5] =	sst s10  }
0x32: {  	s10 =	sld [smem:$0x3FA3];
	_ =	sdelay $0x3  }
0x33: {  	p0 =	seq.s32 s10, $0x1;
	s10 =	sld [smem:$0x3FA5];
	_ =	sdelay $0x3  }
0x34: {  	[smem:$0x3FA5] =	sst s10  }
0x35: {  	s10 =	sld [smem:$0x3FA4];
	_ =	sdelay $0x3  }
0x36: {  	p1 =	seq.s32 s10, $0x1;
	s10 =	sld [smem:$0x3FA5];
	_ =	sdelay $0x3  }
0x37: {  	[smem:$0x3FA5] =	sst s10  }
0x38: {  	s10 =	sld [smem:$0x3FA6]  }
0x39: {  	_ = 	snop;
	(pc) =	sbr.ind lr, $3  }
0x3a: {  	_ = 	snop  }
0x3b: {  	_ = 	snop  }
0x3c: {  	p2 =	seq.s32 s10, $0x1;
	s10 =	sld [smem:$0x3FA5]  }
0x3d: {  	_ =	shalt  }
0x3e: {  	_ =	shalt  }
0x3f: {  	_ =	shalt  }
0x40: {  	_ =	shalt  }
0x41: {  	_ =	shalt  }
0x42: {  	_ =	shalt  }
0x43: {  	_ =	shalt  }
0x44: {  	_ =	shalt  }
0x45: {  	_ =	shalt  }
0x46: {  	_ =	shalt  }
0x47: {  	_ =	shalt  }
0x48: {  	_ =	shalt  }
0x49: {  	_ =	shalt  }
0x4a: {  	_ =	shalt  }
0x4b: {  	_ =	shalt  }
0x4c: {  	_ =	shalt  }
0x4d: {  	_ =	shalt  }
0x4e: {  	_ =	shalt  }
0x4f: {  	_ =	shalt  }
0x50: {  	_ =	shalt  }
0x51: {  	_ =	shalt  }
0x52: {  	_ =	shalt  }
0x53: {  	_ =	shalt  }
0x54: {  	_ =	shalt  }
0x55: {  	_ =	shalt  }
0x56: {  	_ =	shalt  }
0x57: {  	_ =	shalt  }
0x58: {  	_ =	shalt  }
0x59: {  	_ =	shalt  }
0x5a: {  	_ =	shalt  }
0x5b: {  	_ =	shalt  }
0x5c: {  	_ =	shalt  }
0x5d: {  	_ =	shalt  }
0x5e: {  	_ =	shalt  }
0x5f: {  	_ =	shalt  }
0x60: {  	_ =	shalt  }
0x61: {  	_ =	shalt  }
0x62: {  	_ =	shalt  }
0x63: {  	_ =	shalt  }
0x64: {  	_ =	shalt  }
0x65: {  	_ =	shalt  }
0x66: {  	_ =	shalt  }
0x67: {  	_ =	shalt  }
0x68: {  	_ =	shalt  }
0x69: {  	_ =	shalt  }
0x6a: {  	_ =	shalt  }
0x6b: {  	_ =	shalt  }
0x6c: {  	_ =	shalt  }
0x6d: {  	_ =	shalt  }
0x6e: {  	_ =	shalt  }
0x6f: {  	_ =	shalt  }
0x70: {  	_ =	shalt  }
0x71: {  	_ =	shalt  }
0x72: {  	_ =	shalt  }
0x73: {  	_ =	shalt  }
0x74: {  	_ =	shalt  }
0x75: {  	_ =	shalt  }
0x76: {  	_ =	shalt  }
0x77: {  	_ =	shalt  }
0x78: {  	_ =	shalt  }
0x79: {  	_ =	shalt  }
0x7a: {  	_ =	shalt  }
0x7b: {  	_ =	shalt  }
0x7c: {  	_ =	shalt  }
0x7d: {  	_ =	shalt  }
0x7e: {  	_ =	shalt  }
0x7f: {  	_ =	shalt  }
0x80: {  	_ =	shalt  }
0x81: {  	_ =	shalt  }
0x82: {  	_ =	shalt  }
0x83: {  	_ =	shalt  }
0x84: {  	_ =	shalt  }
0x85: {  	_ =	shalt  }
0x86: {  	_ =	shalt  }
0x87: {  	_ =	shalt  }
.Lfunc_end0:
.L_simem_size_0:
called_computation.1_lowered:
.L_overlay_start_0:
0x88: {  	s2 =	sld [smem:$0x3FD9]  }
0x89: {  	s3 =	sld [smem:$0x3FFE];
	_ =	sdelay $0x1  }
0x8a: {  	s1 =	srdreg.scid  }
0x8b: {  	s0 =	sand.u32 $0x1, s1  }
0x8c: {  	s16 =	sshll.u32 s0, $0xA;
	s2 =	sadd.s32 s3, s2  }
0x8d: {  	s2 =	sadd.s32 s2, s16  }
0x8e: {  	[smem:$0x3FB1] =	sst s2  }
0x8f: {  	_ = 	snop  }
0x90: {  	(tm) =	ssettm $0x1  }
0x91: {  	s17 =	sld [smem:$0x3FFB];
	_ =	sdelay $0x3  }
0x92: {  	_ =	strace s17  }
0x93: {  	s2 =	sld [smem:$0x3FFC];
	_ =	sdelay $0x3  }
0x94: {  	_ =	strace s2  }
0x95: {  	s2 =	sld [smem:$0x3FFD];
	_ =	sdelay $0x3  }
0x96: {  	_ =	strace s2  }
0x97: {  	_ =	strace $0x8FFFFFFF  }
0x98: {  	s18 =	sld [smem:$0x3FDB];
	_ =	sdelay $0x1  }
0x99: {  	s19 =	simm.s32 $_scs_section_size  }
0x9a: {  	s4 =	simm.s32 $_size__tile_overlayer_lowered;
	s5 =	simm.s32 $_tile_overlayer_lowered  }
0x9b: {  	s22 =	simm.s32 $0x1BFF;
	s21 =	sshll.u32 s5, $0x1;
	s2 =	sadd.s32 s19, s18  }
0x9c: {  	s6 =	simm.s32 $0x0;
	s20 =	sshll.u32 s4, $0x1;
	s4 =	sadd.s32 s21, s2  }
0x9d: {  	[timem:s6], [sflag:s22] =	dma.local [hbm:s4], s20  }
0x9e: {  	_ =	swait.ge [sflag:s22], s20  }
0x9f: {  	s3 =	ssub.s32 $0x0, s20;
	[sflag:s22] =	ssyncset.done $0x0  }
0xa0: {  	[sflag:s22] =	ssyncadd.s32 s3;
	_ =	sdelay $0x1  }
0xa1: {  	s23 =	simm.s32 $0x1B8B  }
0xa2: {  	_ =	swait.ge [sflag:s23], $0x1  }
0xa3: {  	[sflag:s23] =	ssyncset.done $0x0  }
0xa4: {  	s25 =	simm.s32 $0x1B8E;
	s24 =	sld [smem:$0x3FFE];
	[sflag:s23] =	ssyncadd.s32 $0xFFFFFFFF  }
0xa5: {  	s26 =	simm.s32 $execute0_lowered;
	[smem:$0x3FD2] =	sst s25  }
0xa6: {  	s4 =	sshll.u32 s26, $0x1;
	_ =	strace $0x80000049;
	[dreg:$0x1] =	wrdreg $0xFFFFFFFF  }
0xa7: {  	s28 =	simm.s32 $_size_execute0_lowered;
	s2 =	sadd.s32 s2, s4;
	[dreg:$0x0] =	wrdreg $0x0  }
0xa8: {  	s4 =	sshll.u32 s28, $0x1;
	[dreg:$0x2] =	wrdreg s2  }
0xa9: {  	[dreg:$0x3] =	wrdreg s4  }
0xaa: {  	[dreg:$0x4] =	wrdreg $0xC0  }
0xab: {  	_ =	task [dreg:s6], $0x5FFFF  }
0xac: {  	[dreg:$0x1] =	wrdreg $0xFFFFFFFF  }
0xad: {  	[dreg:$0x0] =	wrdreg $0x60  }
0xae: {  	[dreg:$0x2] =	wrdreg s24  }
0xaf: {  	[dreg:$0x3] =	wrdreg $0x9  }
0xb0: {  	_ =	task.clear_ibuf [dreg:s6], $0x4FFFF;
	_ =	strace $0x90000049  }
0xb1: {  	s29 =	simm.s32 $0x9;
	_ =	strace $0x8000004B  }
0xb2: {  	_ =	swait.ge [sflag:s29], $0x1  }
0xb3: {  	[sflag:s29] =	ssyncadd.s32 $0xFFFFFFFF  }
0xb4: {  	_ =	strace $0x9000004B  }
0xb5: {  	_ =	sfence  }
0xb6: {  	s30 =	sld [smem:$0x0];
	_ =	sdelay $0x2  }
0xb7: {  	s31 =	sshll.u32 s1, $0xD;
	s1 =	sshrl.u32 s1, $0x2  }
0xb8: {  	s3 =	sand.u32 $0x4000, s31;
	s1 =	sadd.s32 s1, s30  }
0xb9: {  	s0 =	sor.u32 s3, s0;
	s1 =	sshll.u32 s1, $0x11  }
0xba: {  	s0 =	sor.u32 s1, s0  }
0xbb: {  	s0 =	sadd.s32 $0x8F2B, s0  }
0xbc: {  	[sflag:s0] =	ssyncadd.remote.s32 $0x1  }
0xbd: {  	_ =	sfence.sel $0xFFFF  }
0xbe: {  	[dreg:$0x0] =	wrdreg $0xFFFFFFFF;
	(pc) =	sbr.abs _section_cstart, $3  }
0xbf: {  	[dreg:$0x1] =	wrdreg $0xFFFFFFFF  }
0xc0: {  	_ =	task.clear_ibuf [dreg:s6], $0x2FFFF;
	_ =	strace $0x9FFFFFFF  }
0xc1: {  	(tm) =	ssettm $0x7FFFFFFF  }
tec
execute0_lowered:
.L_overlay_start_1:
0x0: {  	(tag) =	ssettag $0x1  }
0x1: {  	s8 =	rddreg [dreg:$0x0]  }
0x2: {  	s0 =	rddreg [dreg:$0x1]  }
0x3: {  	s1 =	simm.s32 $0x0;
	s5 =	srdreg.scid;
	s2 =	stileid.u32  }
0x4: {  	s12 =	simm.s32 $0x80;
	s13 =	simm.s32 $0x100;
	s14 =	simm.s32 $0x4100  }
0x5: {  	s15 =	simm.s32 $0x1;
	s16 =	simm.s32 $0x2;
	s17 =	simm.s32 $0x8100  }
0x6: {  	s18 =	simm.s32 $0x0;
	[smem:$0x7FF] =	sst s1;
	s3 =	sadd.s32 $0x67E00, s8  }
0x7: {  	s4 =	sadd.s32 $0x104200, s8;
	s6 =	sand.u32 $0x1, s5;
	s7 =	sshll.u32 s2, $0x1  }
0x8: {  	s5 =	sadd.s32 $0x54200, s8;
	_ =	strace $0x8000004A;
	s9 =	ssub.s32 $0x2, s6  }
0x9: {  	s6 =	sor.u32 s7, s6;
	s7 =	sadd.s32 $0x5E000, s8;
	s10 =	sshrl.u32 s9, $0x1  }
0xa: {  	s8 =	sadd.s32 $0xB6000, s8;
	s11 =	ssub.s32 $0x9E3, s6;
	s10 =	ssub.s32 s9, s10  }
0xb: {  	s9 =	sshrl.u32 s11, $0x5;
	s11 =	simm.s32 $0x3;
	s10 =	smax.u32 s10, $0x1  }
.LBB2_1:
0xc: {  	s19 =	simm.s32 $0x0  }
.LBB2_2:
0xd: {  	s20 =	sshll.u32 s19, $0x5  }
0xe: {  	s20 =	sor.u32 s6, s20  }
0xf: {  	s21 =	sshll.u32 s20, $0x4  }
0x10: {  	s22 =	sand.u32 $0x1FFFFFF0, s21  }
0x11: {  	s21 =	simm.s32 $0x0;
	s23 =	sadd.s32 s5, s22  }
0x12: {  	[tilespmem:s21], [sflag:$0x3] =	stream.linear.gather [hbm4b:s23+s21], $0x80, $0x38;
	[tilespmem:$0x8500] =	vst v63  }
0x13: {  	_ =	swait.ge [sflag:s11], $0x80  }
0x14: {  	[sflag:s11] =	ssyncset.done $0x0  }
0x15: {  	s22 =	sadd.s32 s7, s22;
	[sflag:s11] =	ssyncadd.s32 $0xFFFFFF80  }
0x16: {  	[tilespmem:s12], [sflag:$0x3] =	stream.linear.gather [hbm4b:s22+s21], $0x80, $0x38;
	[tilespmem:$0x8500] =	vst v63  }
0x17: {  	_ =	swait.ge [sflag:s11], $0x80  }
0x18: {  	[sflag:s11] =	ssyncset.done $0x0  }
0x19: {  	[sflag:s11] =	ssyncadd.s32 $0xFFFFFF80  }
0x1a: {  	[tilespmem:s13], [sflag:$0x1] =	stream.indirect.gather [hbm4b:s3+s12], $0x80, s21, s12, $0xb8;
	[tilespmem:$0x8500] =	vst v63  }
0x1b: {  	_ = 	snop  }
0x1c: {  	[tilespmem:s14], [sflag:$0x2] =	stream.indirect.gather [hbm4b:s4+s12], $0x80, s12, s12, $0xb8;
	[tilespmem:$0x8500] =	vst v63  }
0x1d: {  	_ =	swait.ge [sflag:s15], $0x4000  }
0x1e: {  	[sflag:s15] =	ssyncset.done $0x0  }
0x1f: {  	[sflag:s15] =	ssyncadd.s32 $0xFFFFC000  }
0x20: {  	_ =	swait.ge [sflag:s16], $0x4000  }
0x21: {  	s24 =	simm.s32 $0x4500;
	[sflag:s16] =	ssyncset.done $0x0  }
0x22: {  	s23 =	simm.s32 $0x500;
	s22 =	simm.s32 $0x8100;
	[sflag:s16] =	ssyncadd.s32 $0xFFFFC000  }
.LBB2_3:
0x23: {  	v1 =	vmov s24  }
0x24: {  	v2 =	vmov s23;
	_ =	sdelay $0x2  }
0x25: {  	s25 =	simm.s32 $0x0  }
0x26: {  	v0 =	vmov s22;
	s26 =	simm.s32 $0x40;
	v3 =	vld.idx.msk [tilespmem:v1+s25+$0xFFFFFC00 ss:$0x1], $0xffff  }
.LBB2_4:
0x27: {  	p0 =	sne.s32 s26, $0x1C0;
	v4 =	vld.idx.msk [tilespmem:v2+s25+$0xFFFFFC00 ss:$0x1], $0xffff  }
0x28: {  	v5 =	vld.idx.msk [tilespmem:v2+s25+$0xFFFFFC80 ss:$0x1], $0xffff  }
0x29: {  	v6 =	vld.idx.msk [tilespmem:v1+s25+$0xFFFFFC80 ss:$0x1], $0xffff  }
0x2a: {  	v7 =	vld.idx.msk [tilespmem:v2+s25+$0xFFFFFD00 ss:$0x1], $0xffff  }
0x2b: {  	v8 =	vld.idx.msk [tilespmem:v1+s25+$0xFFFFFD00 ss:$0x1], $0xffff  }
0x2c: {  	v9 =	vld.idx.msk [tilespmem:v2+s25+$0xFFFFFD80 ss:$0x1], $0xffff  }
0x2d: {  	v3 =	vadd.f32 v3, v4;
	v4 =	vld.idx.msk [tilespmem:v1+s25+$0xFFFFFD80 ss:$0x1], $0xffff  }
0x2e: {  	v10 =	vld.idx.msk [tilespmem:v2+s25+$0xFFFFFE00 ss:$0x1], $0xffff  }
0x2f: {  	v3 =	vmax.f32 v3, $0.0e+00;
	v5 =	vadd.f32 v6, v5;
	v6 =	vld.idx.msk [tilespmem:v1+s25+$0xFFFFFE00 ss:$0x1], $0xffff  }
0x30: {  	v3 =	vadd.f32 $0.0e+00, v3;
	v11 =	vld.idx.msk [tilespmem:v2+s25+$0xFFFFFE80 ss:$0x1], $0xffff  }
0x31: {  	v5 =	vmax.f32 v5, $0.0e+00;
	v7 =	vadd.f32 v8, v7;
	v8 =	vld.idx.msk [tilespmem:v1+s25+$0xFFFFFE80 ss:$0x1], $0xffff  }
0x32: {  	v3 =	vadd.f32 v5, v3;
	v5 =	vld.idx.msk [tilespmem:v2+s25+$0xFFFFFF00 ss:$0x1], $0xffff  }
0x33: {  	v7 =	vmax.f32 v7, $0.0e+00;
	v4 =	vadd.f32 v4, v9;
	v9 =	vld.idx.msk [tilespmem:v1+s25+$0xFFFFFF00 ss:$0x1], $0xffff  }
0x34: {  	v3 =	vadd.f32 v7, v3;
	v7 =	vld.idx.msk [tilespmem:v2+s25+$0xFFFFFF80 ss:$0x1], $0xffff  }
0x35: {  	v4 =	vmax.f32 v4, $0.0e+00;
	v6 =	vadd.f32 v6, v10;
	v10 =	vld.idx.msk [tilespmem:v1+s25+$0xFFFFFF80 ss:$0x1], $0xffff  }
0x36: {  	v3 =	vadd.f32 v4, v3;
	v4 =	vld.idx.msk [tilespmem:v2+s25+$0x0 ss:$0x1], $0xffff  }
0x37: {  	v6 =	vmax.f32 v6, $0.0e+00;
	v8 =	vadd.f32 v8, v11;
	v11 =	vld.idx.msk [tilespmem:v1+s25+$0x0 ss:$0x1], $0xffff  }
0x38: {  	v3 =	vadd.f32 v6, v3;
	v6 =	vld.idx.msk [tilespmem:v2+s25+$0x80 ss:$0x1], $0xffff  }
0x39: {  	v8 =	vmax.f32 v8, $0.0e+00;
	v5 =	vadd.f32 v9, v5;
	v9 =	vld.idx.msk [tilespmem:v1+s25+$0x80 ss:$0x1], $0xffff  }
0x3a: {  	v3 =	vadd.f32 v8, v3;
	v8 =	vld.idx.msk [tilespmem:v2+s25+$0x100 ss:$0x1], $0xffff  }
0x3b: {  	v5 =	vmax.f32 v5, $0.0e+00;
	v7 =	vadd.f32 v10, v7;
	v10 =	vld.idx.msk [tilespmem:v1+s25+$0x100 ss:$0x1], $0xffff  }
0x3c: {  	v3 =	vadd.f32 v5, v3;
	v5 =	vld.idx.msk [tilespmem:v2+s25+$0x180 ss:$0x1], $0xffff  }
0x3d: {  	v7 =	vmax.f32 v7, $0.0e+00;
	v4 =	vadd.f32 v11, v4;
	v11 =	vld.idx.msk [tilespmem:v1+s25+$0x180 ss:$0x1], $0xffff  }
0x3e: {  	v3 =	vadd.f32 v7, v3;
	v7 =	vld.idx.msk [tilespmem:v2+s25+$0x200 ss:$0x1], $0xffff  }
0x3f: {  	v4 =	vmax.f32 v4, $0.0e+00;
	v6 =	vadd.f32 v9, v6;
	v9 =	vld.idx.msk [tilespmem:v1+s25+$0x200 ss:$0x1], $0xffff  }
0x40: {  	v3 =	vadd.f32 v4, v3;
	v4 =	vld.idx.msk [tilespmem:v2+s25+$0x280 ss:$0x1], $0xffff  }
0x41: {  	v6 =	vmax.f32 v6, $0.0e+00;
	v8 =	vadd.f32 v10, v8;
	v10 =	vld.idx.msk [tilespmem:v1+s25+$0x280 ss:$0x1], $0xffff  }
0x42: {  	v3 =	vadd.f32 v6, v3;
	v6 =	vld.idx.msk [tilespmem:v2+s25+$0x300 ss:$0x1], $0xffff  }
0x43: {  	v8 =	vmax.f32 v8, $0.0e+00;
	v5 =	vadd.f32 v11, v5;
	v11 =	vld.idx.msk [tilespmem:v1+s25+$0x300 ss:$0x1], $0xffff  }
0x44: {  	v3 =	vadd.f32 v8, v3;
	v8 =	vld.idx.msk [tilespmem:v2+s25+$0x380 ss:$0x1], $0xffff  }
0x45: {  	v5 =	vmax.f32 v5, $0.0e+00;
	v7 =	vadd.f32 v9, v7;
	v9 =	vld.idx.msk [tilespmem:v1+s25+$0x380 ss:$0x1], $0xffff  }
0x46: {  	v3 =	vadd.f32 v5, v3  }
0x47: {  	v5 =	vmax.f32 v7, $0.0e+00;
	v4 =	vadd.f32 v10, v4  }
0x48: {  	v3 =	vadd.f32 v5, v3  }
0x49: {  	v4 =	vmax.f32 v4, $0.0e+00;
	v5 =	vadd.f32 v11, v6  }
0x4a: {  	v3 =	vadd.f32 v4, v3  }
0x4b: {  	v4 =	vmax.f32 v5, $0.0e+00;
	v5 =	vadd.f32 v9, v8  }
0x4c: {  	v3 =	vadd.f32 v4, v3  }
.Ltmp0:
0x4d: {  	v4 =	vmax.f32 v5, $0.0e+00;
	(pc) =	sbr.rel @p0 .LBB2_4-.Ltmp0, $3  }
0x4e: {  	v3 =	vadd.f32 v4, v3;
	_ =	sdelay $0x1  }
0x4f: {  	[tilespmem:v0+s25+$0x0 ss:$0x1] =	vst.idx.msk $0xffff, v3;
	s25 =	sshra.s32 s26, $0x2  }
0x50: {  	s26 =	sadd.s32 $0x40, s26;
	v3 =	vld.idx.msk [tilespmem:v1+s25+$0xFFFFFC00 ss:$0x1], $0xffff  }
0x51: {  	_ =	sdelay $0x3  }
0x52: {  	v4 =	vld.idx.msk [tilespmem:v2+s25+$0xFFFFFC00 ss:$0x1], $0xffff  }
0x53: {  	v5 =	vld.idx.msk [tilespmem:v2+s25+$0xFFFFFC80 ss:$0x1], $0xffff  }
0x54: {  	v6 =	vld.idx.msk [tilespmem:v1+s25+$0xFFFFFC80 ss:$0x1], $0xffff  }
0x55: {  	v7 =	vld.idx.msk [tilespmem:v2+s25+$0xFFFFFD00 ss:$0x1], $0xffff  }
0x56: {  	v8 =	vld.idx.msk [tilespmem:v1+s25+$0xFFFFFD00 ss:$0x1], $0xffff  }
0x57: {  	v9 =	vld.idx.msk [tilespmem:v2+s25+$0xFFFFFD80 ss:$0x1], $0xffff;
	v3 =	vadd.f32 v3, v4  }
0x58: {  	v37 =	vld.idx.msk [tilespmem:v1+s25+$0xFFFFFD80 ss:$0x1], $0xffff  }
0x59: {  	v10 =	vld.idx.msk [tilespmem:v2+s25+$0xFFFFFE00 ss:$0x1], $0xffff;
	v5 =	vadd.f32 v6, v5;
	v3 =	vmax.f32 v3, $0.0e+00  }
0x5a: {  	v38 =	vld.idx.msk [tilespmem:v1+s25+$0xFFFFFE00 ss:$0x1], $0xffff;
	v3 =	vadd.f32 $0.0e+00, v3  }
0x5b: {  	v11 =	vld.idx.msk [tilespmem:v2+s25+$0xFFFFFE80 ss:$0x1], $0xffff;
	v7 =	vadd.f32 v8, v7;
	v5 =	vmax.f32 v5, $0.0e+00  }
0x5c: {  	v39 =	vld.idx.msk [tilespmem:v1+s25+$0xFFFFFE80 ss:$0x1], $0xffff;
	v3 =	vadd.f32 v5, v3  }
0x5d: {  	v40 =	vld.idx.msk [tilespmem:v2+s25+$0xFFFFFF00 ss:$0x1], $0xffff;
	v4 =	vadd.f32 v37, v9;
	v7 =	vmax.f32 v7, $0.0e+00  }
0x5e: {  	v41 =	vld.idx.msk [tilespmem:v1+s25+$0xFFFFFF00 ss:$0x1], $0xffff;
	v3 =	vadd.f32 v7, v3  }
0x5f: {  	v42 =	vld.idx.msk [tilespmem:v2+s25+$0xFFFFFF80 ss:$0x1], $0xffff;
	v6 =	vadd.f32 v38, v10;
	v4 =	vmax.f32 v4, $0.0e+00  }
0x60: {  	v43 =	vld.idx.msk [tilespmem:v1+s25+$0xFFFFFF80 ss:$0x1], $0xffff;
	v3 =	vadd.f32 v4, v3  }
0x61: {  	v44 =	vld.idx.msk [tilespmem:v2+s25+$0x0 ss:$0x1], $0xffff;
	v8 =	vadd.f32 v39, v11;
	v6 =	vmax.f32 v6, $0.0e+00  }
0x62: {  	v45 =	vld.idx.msk [tilespmem:v1+s25+$0x0 ss:$0x1], $0xffff;
	v3 =	vadd.f32 v6, v3  }
0x63: {  	v46 =	vld.idx.msk [tilespmem:v2+s25+$0x80 ss:$0x1], $0xffff;
	v8 =	vmax.f32 v8, $0.0e+00;
	v5 =	vadd.f32 v41, v40  }
0x64: {  	v47 =	vld.idx.msk [tilespmem:v1+s25+$0x80 ss:$0x1], $0xffff;
	v3 =	vadd.f32 v8, v3  }
0x65: {  	v48 =	vld.idx.msk [tilespmem:v2+s25+$0x100 ss:$0x1], $0xffff;
	v5 =	vmax.f32 v5, $0.0e+00;
	v7 =	vadd.f32 v43, v42  }
0x66: {  	v49 =	vld.idx.msk [tilespmem:v1+s25+$0x100 ss:$0x1], $0xffff;
	v3 =	vadd.f32 v5, v3  }
0x67: {  	v50 =	vld.idx.msk [tilespmem:v2+s25+$0x180 ss:$0x1], $0xffff;
	v7 =	vmax.f32 v7, $0.0e+00;
	v4 =	vadd.f32 v45, v44  }
0x68: {  	v51 =	vld.idx.msk [tilespmem:v1+s25+$0x180 ss:$0x1], $0xffff;
	v3 =	vadd.f32 v7, v3  }
0x69: {  	v52 =	vld.idx.msk [tilespmem:v2+s25+$0x200 ss:$0x1], $0xffff;
	v4 =	vmax.f32 v4, $0.0e+00;
	v6 =	vadd.f32 v47, v46  }
0x6a: {  	v53 =	vld.idx.msk [tilespmem:v1+s25+$0x200 ss:$0x1], $0xffff;
	v3 =	vadd.f32 v4, v3  }
0x6b: {  	v54 =	vld.idx.msk [tilespmem:v2+s25+$0x280 ss:$0x1], $0xffff;
	v6 =	vmax.f32 v6, $0.0e+00;
	v8 =	vadd.f32 v49, v48  }
0x6c: {  	v55 =	vld.idx.msk [tilespmem:v1+s25+$0x280 ss:$0x1], $0xffff;
	v3 =	vadd.f32 v6, v3  }
0x6d: {  	v56 =	vld.idx.msk [tilespmem:v2+s25+$0x300 ss:$0x1], $0xffff;
	v8 =	vmax.f32 v8, $0.0e+00;
	v5 =	vadd.f32 v51, v50  }
0x6e: {  	v57 =	vld.idx.msk [tilespmem:v1+s25+$0x300 ss:$0x1], $0xffff;
	v3 =	vadd.f32 v8, v3  }
0x6f: {  	v58 =	vld.idx.msk [tilespmem:v2+s25+$0x380 ss:$0x1], $0xffff;
	v5 =	vmax.f32 v5, $0.0e+00;
	v7 =	vadd.f32 v53, v52  }
0x70: {  	v59 =	vld.idx.msk [tilespmem:v1+s25+$0x380 ss:$0x1], $0xffff;
	v3 =	vadd.f32 v5, v3  }
0x71: {  	v60 =	vmax.f32 v7, $0.0e+00;
	v4 =	vadd.f32 v55, v54  }
0x72: {  	v3 =	vadd.f32 v60, v3  }
0x73: {  	v61 =	vadd.f32 v57, v56;
	v4 =	vmax.f32 v4, $0.0e+00  }
0x74: {  	s21 =	sadd.s32 $0x1, s21;
	v3 =	vadd.f32 v4, v3  }
0x75: {  	p0 =	sne.s32 s21, $0x8;
	v1 =	vadd.f32 v59, v58;
	v62 =	vmax.f32 v61, $0.0e+00  }
.Ltmp1:
0x76: {  	v63 =	vadd.f32 v62, v3;
	(pc) =	sbr.rel @p0 .LBB2_3-.Ltmp1, $3  }
0x77: {  	v1 =	vmax.f32 v1, $0.0e+00  }
0x78: {  	v1 =	vadd.f32 v1, v63;
	_ =	sdelay $0x1  }
0x79: {  	s22 =	sadd.s32 $0x80, s22;
	s23 =	sadd.s32 $0x800, s23;
	s24 =	sadd.s32 $0x800, s24;
	[tilespmem:v0+s25+$0x0 ss:$0x1] =	vst.idx.msk $0xffff, v1  }
0x7a: {  	s20 =	sshll.u32 s20, $0x7;
	s19 =	sadd.s32 $0x1, s19  }
0x7b: {  	s20 =	sand.u32 $0x1FFFFF80, s20;
	p0 =	sne.s32 s19, s9  }
.Ltmp2:
0x7c: {  	s20 =	sadd.s32 s8, s20;
	(pc) =	sbr.rel @p0 .LBB2_2-.Ltmp2, $4  }
0x7d: {  	[hbm4b:s20+s1] =	stream.linear.scatter [tilespmem:s17], [sflag:$0x3], $0x400, $0x38;
	[tilespmem:$0x8500] =	vst v63  }
0x7e: {  	_ =	swait.ge [sflag:s11], $0x400  }
0x7f: {  	[sflag:s11] =	ssyncset.done $0x0  }
0x80: {  	[sflag:s11] =	ssyncadd.s32 $0xFFFFFC00  }
0x81: {  	s18 =	sadd.s32 $0x1, s18  }
0x82: {  	p0 =	sne.s32 s18, s10  }
.Ltmp3:
0x83: {  	_ = 	snop;
	(pc) =	sbr.rel @p0 .LBB2_1-.Ltmp3, $1  }
0x84: {  	_ =	sdelay $0x3  }
0x85: {  	_ =	sfence.sel $0x180000  }
0x86: {  	[bflag:$0x0] =	sbarrier.arrive $0xFFFF  }
0x87: {  	p0 =	sne.s32 s2, $0x0;
	_ =	strace $0x9000004A  }
0x88: {  	s0 =	sadd.s32 @!p0 $0x100000, s0;
	[bflag:$0x2] =	sbarrier.arrive $0xFFFF  }
0x89: {  	[sflag:s0] =	ssyncadd.tile.s32 @!p0 $0x1;
	_ =	shalt  }
.Lfunc_end2:
_tile_overlayer_lowered:
.L_overlay_start_2:
0x8a: {  	(tag) =	ssettag $0x2  }
0x8b: {  	s0 =	rddreg [dreg:$0x0];
	s2 =	stileid.u32  }
0x8c: {  	s1 =	rddreg [dreg:$0x1];
	p0 =	sne.s32 s2, $0x0  }
0x8d: {  	s3 =	rddreg [dreg:$0x2];
	[bflag:$0x3] =	sbarrier.arrive $0xFFFF;
	s2 =	simm.s32 @!p0 $0x1C03  }
0x8e: {  	[timem:s3], [sflag:s2] =	dma.local @!p0 [hbm:s0], s1  }
0x8f: {  	s0 =	simm.s32 @!p0 $0x3  }
0x90: {  	_ =	swait.ge @!p0 [sflag:s0], s1  }
0x91: {  	s1 =	ssub.s32 @!p0 $0x0, s1;
	[sflag:s0] =	ssyncset.done @!p0 $0x0  }
0x92: {  	[sflag:s0] =	ssyncadd.s32 @!p0 s1  }
0x93: {  	[bflag:$0x3] =	sbarrier.arrive $0xFFFF  }
0x94: {  	_ =	shalt  }

// kernel: kernel.15.cloned.1.call-start
scs
__scs_entry_jumppad:
0x0: {  	(pc) =	sbr.rel $0x88, $3  }
0x1: {  	(tag) =	ssettag $0x0;
	lr =	simm.s32 $0x1  }
0x2: {  	[smem:$0x3F8A] =	sst lr;
	_ =	strace $0xD0000000  }
0x3: {  	_ = 	snop  }
0x4: {  	_ = 	snop  }
0x5: {  	_ = 	snop  }
0x6: {  	_ = 	snop  }
0x7: {  	_ = 	snop  }
__scs_overlays_trampoline_lowered:
0x8: {  	[smem:$0x3F99] =	sst s0  }
0x9: {  	[smem:$0x3F9A] =	sst s1  }
0xa: {  	[smem:$0x3F9B] =	sst s2  }
0xb: {  	[smem:$0x3F9C] =	sst s3  }
0xc: {  	[smem:$0x3F9D] =	sst s4  }
0xd: {  	[smem:$0x3F9E] =	sst s5  }
0xe: {  	[smem:$0x3F9F] =	sst s6  }
0xf: {  	[smem:$0x3FA0] =	sst s7  }
0x10: {  	[smem:$0x3FA1] =	sst s8  }
0x11: {  	[smem:$0x3FA2] =	sst s9;
	s0 =	simm.s32 @!p0 $0x0  }
0x12: {  	s1 =	sld [smem:$0x3F88];
	s0 =	simm.s32 @p0 $0x1  }
0x13: {  	[smem:$0x3FA3] =	sst s0;
	s0 =	simm.s32 @!p1 $0x0  }
0x14: {  	s2 =	sld [smem:$0x3F87];
	s0 =	simm.s32 @p1 $0x1  }
0x15: {  	[smem:$0x3FA4] =	sst s0;
	s0 =	simm.s32 @!p2 $0x0  }
0x16: {  	s3 =	sld [smem:$0x3FDB];
	s0 =	simm.s32 @p2 $0x1  }
0x17: {  	s4 =	simm.s32 $0x1BF5;
	[smem:$0x3FA6] =	sst s0  }
0x18: {  	s0 =	sld [smem:$0x3F89];
	_ =	swait.ge [sflag:s4], $0x0  }
0x19: {  	s7 =	sld [smem:$0x3F8A]  }
0x1a: {  	s8 =	sadd.s32 $0xFFFFE003, lr  }
0x1b: {  	s9 =	sadd.s32 $0xFFFFFEF7, lr;
	s5 =	simm.s32 $0xFFFFFFFF;
	p2 =	slt.u32 s8, $0xFFFFF086  }
0x1c: {  	p1 =	slt.u32 s9, $0xF7A;
	s5 =	simm.s32 @!p2 $0x0  }
0x1d: {  	s5 =	simm.s32 @p1 $0x1;
	p0 =	seq.s32 s7, s2  }
0x1e: {  	s7 =	smul.u32 @!p0 $0xF7A, s2;
	p2 =	seq.s32 @!p0 s5, $0x0  }
0x1f: {  	s9 =	smul.u32 $0xF7A, s1;
	s8 =	simm.s32 @!p0 $0x1BF5;
	p2 =	por !p2, p0  }
0x20: {  	[sflag:s8] =	ssyncset.s32 @!p0 $0xFFFFF086;
	s6 =	sadd.s32 @!p0 s3, s7;
	s7 =	simm.s32 @!p0 $0x108  }
0x21: {  	s3 =	sadd.s32 s3, s9;
	s6 =	sadd.s32 @!p0 $0x88, s6;
	s7 =	simm.s32 @p2 $0x1082  }
0x22: {  	[simem:s7], [sflag:s8] =	dma.local @!p0 [hbm:s6], $0xF7A  }
0x23: {  	s9 =	sor.u32 $0xD0000000, s2;
	s6 =	simm.s32 $0x108;
	_ =	swait.ge @!p0 [sflag:s8], $0x0  }
0x24: {  	s3 =	sadd.s32 $0x88, s3;
	s6 =	simm.s32 @!p1 $0x1082;
	[sflag:s4] =	ssyncset.s32 $0xFFFFF086  }
0x25: {  	[simem:s6], [sflag:s4] =	dma.local [hbm:s3], $0xF7A  }
0x26: {  	[smem:$0x3F8A] =	sst s1;
	(tag) =	ssettag s2;
	_ =	strace s9  }
0x27: {  	s1 =	sld [smem:$0x3F9A]  }
0x28: {  	s2 =	sld [smem:$0x3F9B]  }
0x29: {  	s4 =	sld [smem:$0x3F9D]  }
0x2a: {  	p0 =	seq.s32 s5, $0x0;
	s5 =	sld [smem:$0x3F9E]  }
0x2b: {  	s6 =	sld [smem:$0x3F9F]  }
0x2c: {  	s7 =	sld [smem:$0x3FA0]  }
0x2d: {  	s3 =	simm.s32 $0x108;
	s8 =	sld [smem:$0x3FA1]  }
0x2e: {  	s3 =	simm.s32 @!p0 $0x1082;
	s9 =	sld [smem:$0x3FA2]  }
0x2f: {  	lr =	sadd.s32 s0, s3;
	s0 =	sld [smem:$0x3F99]  }
0x30: {  	s3 =	sld [smem:$0x3F9C]  }
0x31: {  	[smem:$0x3FA5] =	sst s10  }
0x32: {  	s10 =	sld [smem:$0x3FA3];
	_ =	sdelay $0x3  }
0x33: {  	p0 =	seq.s32 s10, $0x1;
	s10 =	sld [smem:$0x3FA5];
	_ =	sdelay $0x3  }
0x34: {  	[smem:$0x3FA5] =	sst s10  }
0x35: {  	s10 =	sld [smem:$0x3FA4];
	_ =	sdelay $0x3  }
0x36: {  	p1 =	seq.s32 s10, $0x1;
	s10 =	sld [smem:$0x3FA5];
	_ =	sdelay $0x3  }
0x37: {  	[smem:$0x3FA5] =	sst s10  }
0x38: {  	s10 =	sld [smem:$0x3FA6]  }
0x39: {  	_ = 	snop;
	(pc) =	sbr.ind lr, $3  }
0x3a: {  	_ = 	snop  }
0x3b: {  	_ = 	snop  }
0x3c: {  	p2 =	seq.s32 s10, $0x1;
	s10 =	sld [smem:$0x3FA5]  }
0x3d: {  	_ =	shalt  }
0x3e: {  	_ =	shalt  }
0x3f: {  	_ =	shalt  }
0x40: {  	_ =	shalt  }
0x41: {  	_ =	shalt  }
0x42: {  	_ =	shalt  }
0x43: {  	_ =	shalt  }
0x44: {  	_ =	shalt  }
0x45: {  	_ =	shalt  }
0x46: {  	_ =	shalt  }
0x47: {  	_ =	shalt  }
0x48: {  	_ =	shalt  }
0x49: {  	_ =	shalt  }
0x4a: {  	_ =	shalt  }
0x4b: {  	_ =	shalt  }
0x4c: {  	_ =	shalt  }
0x4d: {  	_ =	shalt  }
0x4e: {  	_ =	shalt  }
0x4f: {  	_ =	shalt  }
0x50: {  	_ =	shalt  }
0x51: {  	_ =	shalt  }
0x52: {  	_ =	shalt  }
0x53: {  	_ =	shalt  }
0x54: {  	_ =	shalt  }
0x55: {  	_ =	shalt  }
0x56: {  	_ =	shalt  }
0x57: {  	_ =	shalt  }
0x58: {  	_ =	shalt  }
0x59: {  	_ =	shalt  }
0x5a: {  	_ =	shalt  }
0x5b: {  	_ =	shalt  }
0x5c: {  	_ =	shalt  }
0x5d: {  	_ =	shalt  }
0x5e: {  	_ =	shalt  }
0x5f: {  	_ =	shalt  }
0x60: {  	_ =	shalt  }
0x61: {  	_ =	shalt  }
0x62: {  	_ =	shalt  }
0x63: {  	_ =	shalt  }
0x64: {  	_ =	shalt  }
0x65: {  	_ =	shalt  }
0x66: {  	_ =	shalt  }
0x67: {  	_ =	shalt  }
0x68: {  	_ =	shalt  }
0x69: {  	_ =	shalt  }
0x6a: {  	_ =	shalt  }
0x6b: {  	_ =	shalt  }
0x6c: {  	_ =	shalt  }
0x6d: {  	_ =	shalt  }
0x6e: {  	_ =	shalt  }
0x6f: {  	_ =	shalt  }
0x70: {  	_ =	shalt  }
0x71: {  	_ =	shalt  }
0x72: {  	_ =	shalt  }
0x73: {  	_ =	shalt  }
0x74: {  	_ =	shalt  }
0x75: {  	_ =	shalt  }
0x76: {  	_ =	shalt  }
0x77: {  	_ =	shalt  }
0x78: {  	_ =	shalt  }
0x79: {  	_ =	shalt  }
0x7a: {  	_ =	shalt  }
0x7b: {  	_ =	shalt  }
0x7c: {  	_ =	shalt  }
0x7d: {  	_ =	shalt  }
0x7e: {  	_ =	shalt  }
0x7f: {  	_ =	shalt  }
0x80: {  	_ =	shalt  }
0x81: {  	_ =	shalt  }
0x82: {  	_ =	shalt  }
0x83: {  	_ =	shalt  }
0x84: {  	_ =	shalt  }
0x85: {  	_ =	shalt  }
0x86: {  	_ =	shalt  }
0x87: {  	_ =	shalt  }
.Lfunc_end0:
.L_simem_size_0:
called_computation.2_lowered:
.L_overlay_start_0:
0x88: {  	s2 =	sld [smem:$0x3FD9]  }
0x89: {  	s3 =	sld [smem:$0x3FFE];
	_ =	sdelay $0x1  }
0x8a: {  	s1 =	srdreg.scid  }
0x8b: {  	s0 =	sand.u32 $0x1, s1  }
0x8c: {  	s17 =	sshll.u32 s0, $0xA;
	s2 =	sadd.s32 s3, s2  }
0x8d: {  	s2 =	sadd.s32 s2, s17  }
0x8e: {  	[smem:$0x3FB1] =	sst s2  }
0x8f: {  	_ = 	snop  }
0x90: {  	s2 =	sld [smem:$0x3FD0];
	(tm) =	ssettm $0x1  }
0x91: {  	s18 =	sld [smem:$0x3FFB];
	_ =	sdelay $0x3  }
0x92: {  	_ =	strace s18  }
0x93: {  	s3 =	sld [smem:$0x3FFC];
	_ =	sdelay $0x3  }
0x94: {  	_ =	strace s3  }
0x95: {  	s3 =	sld [smem:$0x3FFD];
	_ =	sdelay $0x3  }
0x96: {  	_ =	strace s3  }
0x97: {  	_ =	strace $0x8FFFFFFF  }
0x98: {  	s19 =	sld [smem:$0x3FDB];
	_ =	sdelay $0x1  }
0x99: {  	s4 =	simm.s32 $_scs_section_size  }
0x9a: {  	s5 =	simm.s32 $_size__tile_overlayer_lowered;
	s6 =	simm.s32 $_tile_overlayer_lowered  }
0x9b: {  	s22 =	simm.s32 $0x1BFF;
	s21 =	sshll.u32 s6, $0x1;
	s3 =	sadd.s32 s4, s19  }
0x9c: {  	s7 =	simm.s32 $0x0;
	s20 =	sshll.u32 s5, $0x1;
	s5 =	sadd.s32 s21, s3  }
0x9d: {  	[timem:s7], [sflag:s22] =	dma.local [hbm:s5], s20  }
0x9e: {  	_ =	swait.ge [sflag:s22], s20  }
0x9f: {  	s4 =	ssub.s32 $0x0, s20;
	[sflag:s22] =	ssyncset.done $0x0  }
0xa0: {  	[sflag:s22] =	ssyncadd.s32 s4;
	_ =	sdelay $0x1  }
0xa1: {  	s23 =	simm.s32 $0x1B8B  }
0xa2: {  	_ =	swait.ge [sflag:s23], $0x1  }
0xa3: {  	[sflag:s23] =	ssyncset.done $0x0  }
0xa4: {  	s25 =	simm.s32 $0x1B8E;
	s24 =	sld [smem:$0x3FFE];
	[sflag:s23] =	ssyncadd.s32 $0xFFFFFFFF  }
0xa5: {  	s26 =	simm.s32 $execute0_lowered;
	[smem:$0x3FD2] =	sst s25  }
0xa6: {  	s5 =	sshll.u32 s26, $0x1;
	_ =	strace $0x8000004C;
	[dreg:$0x1] =	wrdreg $0xFFFFFFFF  }
0xa7: {  	s28 =	simm.s32 $_size_execute0_lowered;
	s3 =	sadd.s32 s3, s5;
	[dreg:$0x0] =	wrdreg $0x0  }
0xa8: {  	s5 =	sshll.u32 s28, $0x1;
	[dreg:$0x2] =	wrdreg s3  }
0xa9: {  	[dreg:$0x3] =	wrdreg s5  }
0xaa: {  	[dreg:$0x4] =	wrdreg $0xC0  }
0xab: {  	_ =	task [dreg:s7], $0x5FFFF  }
0xac: {  	[dreg:$0x1] =	wrdreg $0xFFFFFFFF  }
0xad: {  	[dreg:$0x0] =	wrdreg $0x60  }
0xae: {  	[dreg:$0x2] =	wrdreg s2  }
0xaf: {  	[dreg:$0x3] =	wrdreg s24  }
0xb0: {  	[dreg:$0x4] =	wrdreg $0x9  }
0xb1: {  	_ =	task.clear_ibuf [dreg:s7], $0x5FFFF;
	_ =	strace $0x9000004C  }
0xb2: {  	s29 =	simm.s32 $0x9;
	_ =	strace $0x8000004E  }
0xb3: {  	_ =	swait.ge [sflag:s29], $0x1  }
0xb4: {  	[sflag:s29] =	ssyncadd.s32 $0xFFFFFFFF  }
0xb5: {  	_ =	strace $0x9000004E  }
0xb6: {  	_ =	sfence  }
0xb7: {  	s30 =	sld [smem:$0x0];
	_ =	sdelay $0x2  }
0xb8: {  	s31 =	sshll.u32 s1, $0xD;
	s1 =	sshrl.u32 s1, $0x2  }
0xb9: {  	s3 =	sand.u32 $0x4000, s31;
	s1 =	sadd.s32 s1, s30  }
0xba: {  	s0 =	sor.u32 s3, s0;
	s1 =	sshll.u32 s1, $0x11  }
0xbb: {  	s0 =	sor.u32 s1, s0  }
0xbc: {  	s0 =	sadd.s32 $0x8F2B, s0  }
0xbd: {  	[sflag:s0] =	ssyncadd.remote.s32 $0x1  }
0xbe: {  	_ =	sfence.sel $0xFFFF  }
0xbf: {  	[dreg:$0x0] =	wrdreg $0xFFFFFFFF;
	(pc) =	sbr.abs _section_cstart, $3  }
0xc0: {  	[dreg:$0x1] =	wrdreg $0xFFFFFFFF  }
0xc1: {  	_ =	task.clear_ibuf [dreg:s7], $0x2FFFF;
	_ =	strace $0x9FFFFFFF  }
0xc2: {  	(tm) =	ssettm $0x7FFFFFFF  }
0xc3: {  	_ =	shalt  }
tec
execute0_lowered:
.L_overlay_start_1:
0x0: {  	(tag) =	ssettag $0x1  }
0x1: {  	s1 =	rddreg [dreg:$0x0]  }
0x2: {  	s8 =	rddreg [dreg:$0x1]  }
0x3: {  	s0 =	rddreg [dreg:$0x2];
	s3 =	simm.s32 $0x0;
	s5 =	srdreg.scid  }
0x4: {  	s2 =	stileid.u32;
	s12 =	simm.s32 $0x80;
	s13 =	simm.s32 $0x100  }
0x5: {  	s14 =	simm.s32 $0x4100;
	s15 =	simm.s32 $0x1;
	s16 =	simm.s32 $0x2  }
0x6: {  	s17 =	simm.s32 $0x8100;
	s18 =	simm.s32 $0x0;
	[smem:$0x7FF] =	sst s3  }
0x7: {  	s4 =	sadd.s32 $0x152400, s8;
	s6 =	sand.u32 $0x1, s5;
	s7 =	sshll.u32 s2, $0x1  }
0x8: {  	s5 =	sadd.s32 $0x54200, s8;
	_ =	strace $0x8000004D;
	s9 =	ssub.s32 $0x2, s6  }
0x9: {  	s6 =	sor.u32 s7, s6;
	s7 =	sadd.s32 $0x5E000, s8;
	s10 =	sshrl.u32 s9, $0x1  }
0xa: {  	s8 =	sadd.s32 $0x67E00, s8;
	s11 =	ssub.s32 $0x9E3, s6;
	s10 =	ssub.s32 s9, s10  }
0xb: {  	s9 =	sshrl.u32 s11, $0x5;
	s11 =	simm.s32 $0x3;
	s10 =	smax.u32 s10, $0x1  }
.LBB2_1:
0xc: {  	s19 =	simm.s32 $0x0  }
.LBB2_2:
0xd: {  	s20 =	sshll.u32 s19, $0x5  }
0xe: {  	s20 =	sor.u32 s6, s20  }
0xf: {  	s21 =	sshll.u32 s20, $0x4  }
0x10: {  	s22 =	sand.u32 $0x1FFFFFF0, s21  }
0x11: {  	s21 =	simm.s32 $0x0;
	s23 =	sadd.s32 s5, s22  }
0x12: {  	[tilespmem:s21], [sflag:$0x3] =	stream.linear.gather [hbm4b:s23+s21], $0x80, $0x38;
	[tilespmem:$0x8500] =	vst v63  }
0x13: {  	_ =	swait.ge [sflag:s11], $0x80  }
0x14: {  	[sflag:s11] =	ssyncset.done $0x0  }
0x15: {  	s22 =	sadd.s32 s7, s22;
	[sflag:s11] =	ssyncadd.s32 $0xFFFFFF80  }
0x16: {  	[tilespmem:s12], [sflag:$0x3] =	stream.linear.gather [hbm4b:s22+s21], $0x80, $0x38;
	[tilespmem:$0x8500] =	vst v63  }
0x17: {  	_ =	swait.ge [sflag:s11], $0x80  }
0x18: {  	[sflag:s11] =	ssyncset.done $0x0  }
0x19: {  	[sflag:s11] =	ssyncadd.s32 $0xFFFFFF80  }
0x1a: {  	[tilespmem:s13], [sflag:$0x1] =	stream.indirect.gather [hbm4b:s1+s12], $0x80, s21, s12, $0xb8;
	[tilespmem:$0x8500] =	vst v63  }
0x1b: {  	_ = 	snop  }
0x1c: {  	[tilespmem:s14], [sflag:$0x2] =	stream.indirect.gather [hbm4b:s4+s12], $0x80, s12, s12, $0xb8;
	[tilespmem:$0x8500] =	vst v63  }
0x1d: {  	_ =	swait.ge [sflag:s15], $0x4000  }
0x1e: {  	[sflag:s15] =	ssyncset.done $0x0  }
0x1f: {  	[sflag:s15] =	ssyncadd.s32 $0xFFFFC000  }
0x20: {  	_ =	swait.ge [sflag:s16], $0x4000  }
0x21: {  	s24 =	simm.s32 $0x4500;
	[sflag:s16] =	ssyncset.done $0x0  }
0x22: {  	s23 =	simm.s32 $0x500;
	s22 =	simm.s32 $0x8100;
	[sflag:s16] =	ssyncadd.s32 $0xFFFFC000  }
.LBB2_3:
0x23: {  	v1 =	vmov s24  }
0x24: {  	v2 =	vmov s23;
	_ =	sdelay $0x2  }
0x25: {  	s25 =	simm.s32 $0x0  }
0x26: {  	v0 =	vmov s22;
	s26 =	simm.s32 $0x40;
	v3 =	vld.idx.msk [tilespmem:v1+s25+$0xFFFFFC00 ss:$0x1], $0xffff  }
.LBB2_4:
0x27: {  	p0 =	sne.s32 s26, $0x1C0;
	v4 =	vld.idx.msk [tilespmem:v2+s25+$0xFFFFFC00 ss:$0x1], $0xffff  }
0x28: {  	v5 =	vld.idx.msk [tilespmem:v2+s25+$0xFFFFFC80 ss:$0x1], $0xffff  }
0x29: {  	v6 =	vld.idx.msk [tilespmem:v1+s25+$0xFFFFFC80 ss:$0x1], $0xffff  }
0x2a: {  	v7 =	vld.idx.msk [tilespmem:v2+s25+$0xFFFFFD00 ss:$0x1], $0xffff  }
0x2b: {  	v8 =	vld.idx.msk [tilespmem:v1+s25+$0xFFFFFD00 ss:$0x1], $0xffff  }
0x2c: {  	v9 =	vld.idx.msk [tilespmem:v2+s25+$0xFFFFFD80 ss:$0x1], $0xffff  }
0x2d: {  	v3 =	vadd.f32 v3, v4;
	v4 =	vld.idx.msk [tilespmem:v1+s25+$0xFFFFFD80 ss:$0x1], $0xffff  }
0x2e: {  	v10 =	vld.idx.msk [tilespmem:v2+s25+$0xFFFFFE00 ss:$0x1], $0xffff  }
0x2f: {  	v3 =	vmax.f32 v3, $0.0e+00;
	v5 =	vadd.f32 v6, v5;
	v6 =	vld.idx.msk [tilespmem:v1+s25+$0xFFFFFE00 ss:$0x1], $0xffff  }
0x30: {  	v3 =	vadd.f32 $0.0e+00, v3;
	v11 =	vld.idx.msk [tilespmem:v2+s25+$0xFFFFFE80 ss:$0x1], $0xffff  }
0x31: {  	v5 =	vmax.f32 v5, $0.0e+00;
	v7 =	vadd.f32 v8, v7;
	v8 =	vld.idx.msk [tilespmem:v1+s25+$0xFFFFFE80 ss:$0x1], $0xffff  }
0x32: {  	v3 =	vadd.f32 v5, v3;
	v5 =	vld.idx.msk [tilespmem:v2+s25+$0xFFFFFF00 ss:$0x1], $0xffff  }
0x33: {  	v7 =	vmax.f32 v7, $0.0e+00;
	v4 =	vadd.f32 v4, v9;
	v9 =	vld.idx.msk [tilespmem:v1+s25+$0xFFFFFF00 ss:$0x1], $0xffff  }
0x34: {  	v3 =	vadd.f32 v7, v3;
	v7 =	vld.idx.msk [tilespmem:v2+s25+$0xFFFFFF80 ss:$0x1], $0xffff  }
0x35: {  	v4 =	vmax.f32 v4, $0.0e+00;
	v6 =	vadd.f32 v6, v10;
	v10 =	vld.idx.msk [tilespmem:v1+s25+$0xFFFFFF80 ss:$0x1], $0xffff  }
0x36: {  	v3 =	vadd.f32 v4, v3;
	v4 =	vld.idx.msk [tilespmem:v2+s25+$0x0 ss:$0x1], $0xffff  }
0x37: {  	v6 =	vmax.f32 v6, $0.0e+00;
	v8 =	vadd.f32 v8, v11;
	v11 =	vld.idx.msk [tilespmem:v1+s25+$0x0 ss:$0x1], $0xffff  }
0x38: {  	v3 =	vadd.f32 v6, v3;
	v6 =	vld.idx.msk [tilespmem:v2+s25+$0x80 ss:$0x1], $0xffff  }
0x39: {  	v8 =	vmax.f32 v8, $0.0e+00;
	v5 =	vadd.f32 v9, v5;
	v9 =	vld.idx.msk [tilespmem:v1+s25+$0x80 ss:$0x1], $0xffff  }
0x3a: {  	v3 =	vadd.f32 v8, v3;
	v8 =	vld.idx.msk [tilespmem:v2+s25+$0x100 ss:$0x1], $0xffff  }
0x3b: {  	v5 =	vmax.f32 v5, $0.0e+00;
	v7 =	vadd.f32 v10, v7;
	v10 =	vld.idx.msk [tilespmem:v1+s25+$0x100 ss:$0x1], $0xffff  }
0x3c: {  	v3 =	vadd.f32 v5, v3;
	v5 =	vld.idx.msk [tilespmem:v2+s25+$0x180 ss:$0x1], $0xffff  }
0x3d: {  	v7 =	vmax.f32 v7, $0.0e+00;
	v4 =	vadd.f32 v11, v4;
	v11 =	vld.idx.msk [tilespmem:v1+s25+$0x180 ss:$0x1], $0xffff  }
0x3e: {  	v3 =	vadd.f32 v7, v3;
	v7 =	vld.idx.msk [tilespmem:v2+s25+$0x200 ss:$0x1], $0xffff  }
0x3f: {  	v4 =	vmax.f32 v4, $0.0e+00;
	v6 =	vadd.f32 v9, v6;
	v9 =	vld.idx.msk [tilespmem:v1+s25+$0x200 ss:$0x1], $0xffff  }
0x40: {  	v3 =	vadd.f32 v4, v3;
	v4 =	vld.idx.msk [tilespmem:v2+s25+$0x280 ss:$0x1], $0xffff  }
0x41: {  	v6 =	vmax.f32 v6, $0.0e+00;
	v8 =	vadd.f32 v10, v8;
	v10 =	vld.idx.msk [tilespmem:v1+s25+$0x280 ss:$0x1], $0xffff  }
0x42: {  	v3 =	vadd.f32 v6, v3;
	v6 =	vld.idx.msk [tilespmem:v2+s25+$0x300 ss:$0x1], $0xffff  }
0x43: {  	v8 =	vmax.f32 v8, $0.0e+00;
	v5 =	vadd.f32 v11, v5;
	v11 =	vld.idx.msk [tilespmem:v1+s25+$0x300 ss:$0x1], $0xffff  }
0x44: {  	v3 =	vadd.f32 v8, v3;
	v8 =	vld.idx.msk [tilespmem:v2+s25+$0x380 ss:$0x1], $0xffff  }
0x45: {  	v5 =	vmax.f32 v5, $0.0e+00;
	v7 =	vadd.f32 v9, v7;
	v9 =	vld.idx.msk [tilespmem:v1+s25+$0x380 ss:$0x1], $0xffff  }
0x46: {  	v3 =	vadd.f32 v5, v3  }
0x47: {  	v5 =	vmax.f32 v7, $0.0e+00;
	v4 =	vadd.f32 v10, v4  }
0x48: {  	v3 =	vadd.f32 v5, v3  }
0x49: {  	v4 =	vmax.f32 v4, $0.0e+00;
	v5 =	vadd.f32 v11, v6  }
0x4a: {  	v3 =	vadd.f32 v4, v3  }
0x4b: {  	v4 =	vmax.f32 v5, $0.0e+00;
	v5 =	vadd.f32 v9, v8  }
0x4c: {  	v3 =	vadd.f32 v4, v3  }
.Ltmp0:
0x4d: {  	v4 =	vmax.f32 v5, $0.0e+00;
	(pc) =	sbr.rel @p0 .LBB2_4-.Ltmp0, $3  }
0x4e: {  	v3 =	vadd.f32 v4, v3;
	_ =	sdelay $0x1  }
0x4f: {  	[tilespmem:v0+s25+$0x0 ss:$0x1] =	vst.idx.msk $0xffff, v3;
	s25 =	sshra.s32 s26, $0x2  }
0x50: {  	s26 =	sadd.s32 $0x40, s26;
	v3 =	vld.idx.msk [tilespmem:v1+s25+$0xFFFFFC00 ss:$0x1], $0xffff  }
0x51: {  	_ =	sdelay $0x3  }
0x52: {  	v4 =	vld.idx.msk [tilespmem:v2+s25+$0xFFFFFC00 ss:$0x1], $0xffff  }
0x53: {  	v5 =	vld.idx.msk [tilespmem:v2+s25+$0xFFFFFC80 ss:$0x1], $0xffff  }
0x54: {  	v6 =	vld.idx.msk [tilespmem:v1+s25+$0xFFFFFC80 ss:$0x1], $0xffff  }
0x55: {  	v7 =	vld.idx.msk [tilespmem:v2+s25+$0xFFFFFD00 ss:$0x1], $0xffff  }
0x56: {  	v8 =	vld.idx.msk [tilespmem:v1+s25+$0xFFFFFD00 ss:$0x1], $0xffff  }
0x57: {  	v9 =	vld.idx.msk [tilespmem:v2+s25+$0xFFFFFD80 ss:$0x1], $0xffff;
	v3 =	vadd.f32 v3, v4  }
0x58: {  	v37 =	vld.idx.msk [tilespmem:v1+s25+$0xFFFFFD80 ss:$0x1], $0xffff  }
0x59: {  	v10 =	vld.idx.msk [tilespmem:v2+s25+$0xFFFFFE00 ss:$0x1], $0xffff;
	v5 =	vadd.f32 v6, v5;
	v3 =	vmax.f32 v3, $0.0e+00  }
0x5a: {  	v38 =	vld.idx.msk [tilespmem:v1+s25+$0xFFFFFE00 ss:$0x1], $0xffff;
	v3 =	vadd.f32 $0.0e+00, v3  }
0x5b: {  	v11 =	vld.idx.msk [tilespmem:v2+s25+$0xFFFFFE80 ss:$0x1], $0xffff;
	v7 =	vadd.f32 v8, v7;
	v5 =	vmax.f32 v5, $0.0e+00  }
0x5c: {  	v39 =	vld.idx.msk [tilespmem:v1+s25+$0xFFFFFE80 ss:$0x1], $0xffff;
	v3 =	vadd.f32 v5, v3  }
0x5d: {  	v40 =	vld.idx.msk [tilespmem:v2+s25+$0xFFFFFF00 ss:$0x1], $0xffff;
	v4 =	vadd.f32 v37, v9;
	v7 =	vmax.f32 v7, $0.0e+00  }
0x5e: {  	v41 =	vld.idx.msk [tilespmem:v1+s25+$0xFFFFFF00 ss:$0x1], $0xffff;
	v3 =	vadd.f32 v7, v3  }
0x5f: {  	v42 =	vld.idx.msk [tilespmem:v2+s25+$0xFFFFFF80 ss:$0x1], $0xffff;
	v6 =	vadd.f32 v38, v10;
	v4 =	vmax.f32 v4, $0.0e+00  }
0x60: {  	v43 =	vld.idx.msk [tilespmem:v1+s25+$0xFFFFFF80 ss:$0x1], $0xffff;
	v3 =	vadd.f32 v4, v3  }
0x61: {  	v44 =	vld.idx.msk [tilespmem:v2+s25+$0x0 ss:$0x1], $0xffff;
	v8 =	vadd.f32 v39, v11;
	v6 =	vmax.f32 v6, $0.0e+00  }
0x62: {  	v45 =	vld.idx.msk [tilespmem:v1+s25+$0x0 ss:$0x1], $0xffff;
	v3 =	vadd.f32 v6, v3  }
0x63: {  	v46 =	vld.idx.msk [tilespmem:v2+s25+$0x80 ss:$0x1], $0xffff;
	v8 =	vmax.f32 v8, $0.0e+00;
	v5 =	vadd.f32 v41, v40  }
0x64: {  	v47 =	vld.idx.msk [tilespmem:v1+s25+$0x80 ss:$0x1], $0xffff;
	v3 =	vadd.f32 v8, v3  }
0x65: {  	v48 =	vld.idx.msk [tilespmem:v2+s25+$0x100 ss:$0x1], $0xffff;
	v5 =	vmax.f32 v5, $0.0e+00;
	v7 =	vadd.f32 v43, v42  }
0x66: {  	v49 =	vld.idx.msk [tilespmem:v1+s25+$0x100 ss:$0x1], $0xffff;
	v3 =	vadd.f32 v5, v3  }
0x67: {  	v50 =	vld.idx.msk [tilespmem:v2+s25+$0x180 ss:$0x1], $0xffff;
	v7 =	vmax.f32 v7, $0.0e+00;
	v4 =	vadd.f32 v45, v44  }
0x68: {  	v51 =	vld.idx.msk [tilespmem:v1+s25+$0x180 ss:$0x1], $0xffff;
	v3 =	vadd.f32 v7, v3  }
0x69: {  	v52 =	vld.idx.msk [tilespmem:v2+s25+$0x200 ss:$0x1], $0xffff;
	v4 =	vmax.f32 v4, $0.0e+00;
	v6 =	vadd.f32 v47, v46  }
0x6a: {  	v53 =	vld.idx.msk [tilespmem:v1+s25+$0x200 ss:$0x1], $0xffff;
	v3 =	vadd.f32 v4, v3  }
0x6b: {  	v54 =	vld.idx.msk [tilespmem:v2+s25+$0x280 ss:$0x1], $0xffff;
	v6 =	vmax.f32 v6, $0.0e+00;
	v8 =	vadd.f32 v49, v48  }
0x6c: {  	v55 =	vld.idx.msk [tilespmem:v1+s25+$0x280 ss:$0x1], $0xffff;
	v3 =	vadd.f32 v6, v3  }
0x6d: {  	v56 =	vld.idx.msk [tilespmem:v2+s25+$0x300 ss:$0x1], $0xffff;
	v8 =	vmax.f32 v8, $0.0e+00;
	v5 =	vadd.f32 v51, v50  }
0x6e: {  	v57 =	vld.idx.msk [tilespmem:v1+s25+$0x300 ss:$0x1], $0xffff;
	v3 =	vadd.f32 v8, v3  }
0x6f: {  	v58 =	vld.idx.msk [tilespmem:v2+s25+$0x380 ss:$0x1], $0xffff;
	v5 =	vmax.f32 v5, $0.0e+00;
	v7 =	vadd.f32 v53, v52  }
0x70: {  	v59 =	vld.idx.msk [tilespmem:v1+s25+$0x380 ss:$0x1], $0xffff;
	v3 =	vadd.f32 v5, v3  }
0x71: {  	v60 =	vmax.f32 v7, $0.0e+00;
	v4 =	vadd.f32 v55, v54  }
0x72: {  	v3 =	vadd.f32 v60, v3  }
0x73: {  	v61 =	vadd.f32 v57, v56;
	v4 =	vmax.f32 v4, $0.0e+00  }
0x74: {  	s21 =	sadd.s32 $0x1, s21;
	v3 =	vadd.f32 v4, v3  }
0x75: {  	p0 =	sne.s32 s21, $0x8;
	v1 =	vadd.f32 v59, v58;
	v62 =	vmax.f32 v61, $0.0e+00  }
.Ltmp1:
0x76: {  	v63 =	vadd.f32 v62, v3;
	(pc) =	sbr.rel @p0 .LBB2_3-.Ltmp1, $3  }
0x77: {  	v1 =	vmax.f32 v1, $0.0e+00  }
0x78: {  	v1 =	vadd.f32 v1, v63;
	_ =	sdelay $0x1  }
0x79: {  	s22 =	sadd.s32 $0x80, s22;
	s23 =	sadd.s32 $0x800, s23;
	s24 =	sadd.s32 $0x800, s24;
	[tilespmem:v0+s25+$0x0 ss:$0x1] =	vst.idx.msk $0xffff, v1  }
0x7a: {  	s20 =	sshll.u32 s20, $0x7;
	s19 =	sadd.s32 $0x1, s19  }
0x7b: {  	s20 =	sand.u32 $0x1FFFFF80, s20;
	p0 =	sne.s32 s19, s9  }
.Ltmp2:
0x7c: {  	s20 =	sadd.s32 s8, s20;
	(pc) =	sbr.rel @p0 .LBB2_2-.Ltmp2, $4  }
0x7d: {  	[hbm4b:s20+s3] =	stream.linear.scatter [tilespmem:s17], [sflag:$0x3], $0x400, $0x38;
	[tilespmem:$0x8500] =	vst v63  }
0x7e: {  	_ =	swait.ge [sflag:s11], $0x400  }
0x7f: {  	[sflag:s11] =	ssyncset.done $0x0  }
0x80: {  	[sflag:s11] =	ssyncadd.s32 $0xFFFFFC00  }
0x81: {  	s18 =	sadd.s32 $0x1, s18  }
0x82: {  	p0 =	sne.s32 s18, s10  }
.Ltmp3:
0x83: {  	_ = 	snop;
	(pc) =	sbr.rel @p0 .LBB2_1-.Ltmp3, $1  }
0x84: {  	_ =	sdelay $0x3  }
0x85: {  	_ =	sfence.sel $0x180000  }
0x86: {  	[bflag:$0x0] =	sbarrier.arrive $0xFFFF  }
0x87: {  	p0 =	sne.s32 s2, $0x0;
	_ =	strace $0x9000004D  }
0x88: {  	s0 =	sadd.s32 @!p0 $0x100000, s0;
	[bflag:$0x2] =	sbarrier.arrive $0xFFFF  }
0x89: {  	[sflag:s0] =	ssyncadd.tile.s32 @!p0 $0x1;
	_ =	shalt  }
.Lfunc_end2:
_tile_overlayer_lowered:
.L_overlay_start_2:
0x8a: {  	(tag) =	ssettag $0x2  }
0x8b: {  	s0 =	rddreg [dreg:$0x0];
	s2 =	stileid.u32  }
0x8c: {  	s1 =	rddreg [dreg:$0x1];
	p0 =	sne.s32 s2, $0x0  }
0x8d: {  	s3 =	rddreg [dreg:$0x2];
	[bflag:$0x3] =	sbarrier.arrive $0xFFFF;
	s2 =	simm.s32 @!p0 $0x1C03  }
0x8e: {  	[timem:s3], [sflag:s2] =	dma.local @!p0 [hbm:s0], s1  }
0x8f: {  	s0 =	simm.s32 @!p0 $0x3  }
0x90: {  	_ =	swait.ge @!p0 [sflag:s0], s1  }
0x91: {  	s1 =	ssub.s32 @!p0 $0x0, s1;
	[sflag:s0] =	ssyncset.done @!p0 $0x0  }
0x92: {  	[sflag:s0] =	ssyncadd.s32 @!p0 s1  }
0x93: {  	[bflag:$0x3] =	sbarrier.arrive $0xFFFF  }
0x94: {  	_ =	shalt  }

// kernel: kernel.9.cloned.1.call-start
scs
__scs_entry_jumppad:
0x0: {  	(pc) =	sbr.rel $0x88, $3  }
0x1: {  	(tag) =	ssettag $0x0;
	lr =	simm.s32 $0x1  }
0x2: {  	[smem:$0x3F8A] =	sst lr;
	_ =	strace $0xD0000000  }
0x3: {  	_ = 	snop  }
0x4: {  	_ = 	snop  }
0x5: {  	_ = 	snop  }
0x6: {  	_ = 	snop  }
0x7: {  	_ = 	snop  }
__scs_overlays_trampoline_lowered:
0x8: {  	[smem:$0x3F99] =	sst s0  }
0x9: {  	[smem:$0x3F9A] =	sst s1  }
0xa: {  	[smem:$0x3F9B] =	sst s2  }
0xb: {  	[smem:$0x3F9C] =	sst s3  }
0xc: {  	[smem:$0x3F9D] =	sst s4  }
0xd: {  	[smem:$0x3F9E] =	sst s5  }
0xe: {  	[smem:$0x3F9F] =	sst s6  }
0xf: {  	[smem:$0x3FA0] =	sst s7  }
0x10: {  	[smem:$0x3FA1] =	sst s8  }
0x11: {  	[smem:$0x3FA2] =	sst s9;
	s0 =	simm.s32 @!p0 $0x0  }
0x12: {  	s1 =	sld [smem:$0x3F88];
	s0 =	simm.s32 @p0 $0x1  }
0x13: {  	[smem:$0x3FA3] =	sst s0;
	s0 =	simm.s32 @!p1 $0x0  }
0x14: {  	s2 =	sld [smem:$0x3F87];
	s0 =	simm.s32 @p1 $0x1  }
0x15: {  	[smem:$0x3FA4] =	sst s0;
	s0 =	simm.s32 @!p2 $0x0  }
0x16: {  	s3 =	sld [smem:$0x3FDB];
	s0 =	simm.s32 @p2 $0x1  }
0x17: {  	s4 =	simm.s32 $0x1BF5;
	[smem:$0x3FA6] =	sst s0  }
0x18: {  	s0 =	sld [smem:$0x3F89];
	_ =	swait.ge [sflag:s4], $0x0  }
0x19: {  	s7 =	sld [smem:$0x3F8A]  }
0x1a: {  	s8 =	sadd.s32 $0xFFFFE003, lr  }
0x1b: {  	s9 =	sadd.s32 $0xFFFFFEF7, lr;
	s5 =	simm.s32 $0xFFFFFFFF;
	p2 =	slt.u32 s8, $0xFFFFF086  }
0x1c: {  	p1 =	slt.u32 s9, $0xF7A;
	s5 =	simm.s32 @!p2 $0x0  }
0x1d: {  	s5 =	simm.s32 @p1 $0x1;
	p0 =	seq.s32 s7, s2  }
0x1e: {  	s7 =	smul.u32 @!p0 $0xF7A, s2;
	p2 =	seq.s32 @!p0 s5, $0x0  }
0x1f: {  	s9 =	smul.u32 $0xF7A, s1;
	s8 =	simm.s32 @!p0 $0x1BF5;
	p2 =	por !p2, p0  }
0x20: {  	[sflag:s8] =	ssyncset.s32 @!p0 $0xFFFFF086;
	s6 =	sadd.s32 @!p0 s3, s7;
	s7 =	simm.s32 @!p0 $0x108  }
0x21: {  	s3 =	sadd.s32 s3, s9;
	s6 =	sadd.s32 @!p0 $0x88, s6;
	s7 =	simm.s32 @p2 $0x1082  }
0x22: {  	[simem:s7], [sflag:s8] =	dma.local @!p0 [hbm:s6], $0xF7A  }
0x23: {  	s9 =	sor.u32 $0xD0000000, s2;
	s6 =	simm.s32 $0x108;
	_ =	swait.ge @!p0 [sflag:s8], $0x0  }
0x24: {  	s3 =	sadd.s32 $0x88, s3;
	s6 =	simm.s32 @!p1 $0x1082;
	[sflag:s4] =	ssyncset.s32 $0xFFFFF086  }
0x25: {  	[simem:s6], [sflag:s4] =	dma.local [hbm:s3], $0xF7A  }
0x26: {  	[smem:$0x3F8A] =	sst s1;
	(tag) =	ssettag s2;
	_ =	strace s9  }
0x27: {  	s1 =	sld [smem:$0x3F9A]  }
0x28: {  	s2 =	sld [smem:$0x3F9B]  }
0x29: {  	s4 =	sld [smem:$0x3F9D]  }
0x2a: {  	p0 =	seq.s32 s5, $0x0;
	s5 =	sld [smem:$0x3F9E]  }
0x2b: {  	s6 =	sld [smem:$0x3F9F]  }
0x2c: {  	s7 =	sld [smem:$0x3FA0]  }
0x2d: {  	s3 =	simm.s32 $0x108;
	s8 =	sld [smem:$0x3FA1]  }
0x2e: {  	s3 =	simm.s32 @!p0 $0x1082;
	s9 =	sld [smem:$0x3FA2]  }
0x2f: {  	lr =	sadd.s32 s0, s3;
	s0 =	sld [smem:$0x3F99]  }
0x30: {  	s3 =	sld [smem:$0x3F9C]  }
0x31: {  	[smem:$0x3FA5] =	sst s10  }
0x32: {  	s10 =	sld [smem:$0x3FA3];
	_ =	sdelay $0x3  }
0x33: {  	p0 =	seq.s32 s10, $0x1;
	s10 =	sld [smem:$0x3FA5];
	_ =	sdelay $0x3  }
0x34: {  	[smem:$0x3FA5] =	sst s10  }
0x35: {  	s10 =	sld [smem:$0x3FA4];
	_ =	sdelay $0x3  }
0x36: {  	p1 =	seq.s32 s10, $0x1;
	s10 =	sld [smem:$0x3FA5];
	_ =	sdelay $0x3  }
0x37: {  	[smem:$0x3FA5] =	sst s10  }
0x38: {  	s10 =	sld [smem:$0x3FA6]  }
0x39: {  	_ = 	snop;
	(pc) =	sbr.ind lr, $3  }
0x3a: {  	_ = 	snop  }
0x3b: {  	_ = 	snop  }
0x3c: {  	p2 =	seq.s32 s10, $0x1;
	s10 =	sld [smem:$0x3FA5]  }
0x3d: {  	_ =	shalt  }
0x3e: {  	_ =	shalt  }
0x3f: {  	_ =	shalt  }
0x40: {  	_ =	shalt  }
0x41: {  	_ =	shalt  }
0x42: {  	_ =	shalt  }
0x43: {  	_ =	shalt  }
0x44: {  	_ =	shalt  }
0x45: {  	_ =	shalt  }
0x46: {  	_ =	shalt  }
0x47: {  	_ =	shalt  }
0x48: {  	_ =	shalt  }
0x49: {  	_ =	shalt  }
0x4a: {  	_ =	shalt  }
0x4b: {  	_ =	shalt  }
0x4c: {  	_ =	shalt  }
0x4d: {  	_ =	shalt  }
0x4e: {  	_ =	shalt  }
0x4f: {  	_ =	shalt  }
0x50: {  	_ =	shalt  }
0x51: {  	_ =	shalt  }
0x52: {  	_ =	shalt  }
0x53: {  	_ =	shalt  }
0x54: {  	_ =	shalt  }
0x55: {  	_ =	shalt  }
0x56: {  	_ =	shalt  }
0x57: {  	_ =	shalt  }
0x58: {  	_ =	shalt  }
0x59: {  	_ =	shalt  }
0x5a: {  	_ =	shalt  }
0x5b: {  	_ =	shalt  }
0x5c: {  	_ =	shalt  }
0x5d: {  	_ =	shalt  }
0x5e: {  	_ =	shalt  }
0x5f: {  	_ =	shalt  }
0x60: {  	_ =	shalt  }
0x61: {  	_ =	shalt  }
0x62: {  	_ =	shalt  }
0x63: {  	_ =	shalt  }
0x64: {  	_ =	shalt  }
0x65: {  	_ =	shalt  }
0x66: {  	_ =	shalt  }
0x67: {  	_ =	shalt  }
0x68: {  	_ =	shalt  }
0x69: {  	_ =	shalt  }
0x6a: {  	_ =	shalt  }
0x6b: {  	_ =	shalt  }
0x6c: {  	_ =	shalt  }
0x6d: {  	_ =	shalt  }
0x6e: {  	_ =	shalt  }
0x6f: {  	_ =	shalt  }
0x70: {  	_ =	shalt  }
0x71: {  	_ =	shalt  }
0x72: {  	_ =	shalt  }
0x73: {  	_ =	shalt  }
0x74: {  	_ =	shalt  }
0x75: {  	_ =	shalt  }
0x76: {  	_ =	shalt  }
0x77: {  	_ =	shalt  }
0x78: {  	_ =	shalt  }
0x79: {  	_ =	shalt  }
0x7a: {  	_ =	shalt  }
0x7b: {  	_ =	shalt  }
0x7c: {  	_ =	shalt  }
0x7d: {  	_ =	shalt  }
0x7e: {  	_ =	shalt  }
0x7f: {  	_ =	shalt  }
0x80: {  	_ =	shalt  }
0x81: {  	_ =	shalt  }
0x82: {  	_ =	shalt  }
0x83: {  	_ =	shalt  }
0x84: {  	_ =	shalt  }
0x85: {  	_ =	shalt  }
0x86: {  	_ =	shalt  }
0x87: {  	_ =	shalt  }
.Lfunc_end0:
.L_simem_size_0:
called_computation_lowered:
.L_overlay_start_0:
0x88: {  	s2 =	sld [smem:$0x3FD9]  }
0x89: {  	s3 =	sld [smem:$0x3FFE];
	_ =	sdelay $0x1  }
0x8a: {  	s1 =	srdreg.scid  }
0x8b: {  	s0 =	sand.u32 $0x1, s1  }
0x8c: {  	s17 =	sshll.u32 s0, $0xA;
	s2 =	sadd.s32 s3, s2  }
0x8d: {  	s2 =	sadd.s32 s2, s17  }
0x8e: {  	[smem:$0x3FB1] =	sst s2  }
0x8f: {  	_ = 	snop  }
0x90: {  	s2 =	sld [smem:$0x3FD0];
	(tm) =	ssettm $0x1  }
0x91: {  	s18 =	sld [smem:$0x3FFB];
	_ =	sdelay $0x3  }
0x92: {  	_ =	strace s18  }
0x93: {  	s3 =	sld [smem:$0x3FFC];
	_ =	sdelay $0x3  }
0x94: {  	_ =	strace s3  }
0x95: {  	s3 =	sld [smem:$0x3FFD];
	_ =	sdelay $0x3  }
0x96: {  	_ =	strace s3  }
0x97: {  	_ =	strace $0x8FFFFFFF  }
0x98: {  	s19 =	sld [smem:$0x3FDB];
	_ =	sdelay $0x1  }
0x99: {  	s4 =	simm.s32 $_scs_section_size  }
0x9a: {  	s5 =	simm.s32 $_size__tile_overlayer_lowered;
	s6 =	simm.s32 $_tile_overlayer_lowered  }
0x9b: {  	s22 =	simm.s32 $0x1BFF;
	s21 =	sshll.u32 s6, $0x1;
	s3 =	sadd.s32 s4, s19  }
0x9c: {  	s7 =	simm.s32 $0x0;
	s20 =	sshll.u32 s5, $0x1;
	s5 =	sadd.s32 s21, s3  }
0x9d: {  	[timem:s7], [sflag:s22] =	dma.local [hbm:s5], s20  }
0x9e: {  	_ =	swait.ge [sflag:s22], s20  }
0x9f: {  	s4 =	ssub.s32 $0x0, s20;
	[sflag:s22] =	ssyncset.done $0x0  }
0xa0: {  	[sflag:s22] =	ssyncadd.s32 s4;
	_ =	sdelay $0x1  }
0xa1: {  	s23 =	simm.s32 $0x1B8B  }
0xa2: {  	_ =	swait.ge [sflag:s23], $0x1  }
0xa3: {  	[sflag:s23] =	ssyncset.done $0x0  }
0xa4: {  	s25 =	simm.s32 $0x1B8E;
	s24 =	sld [smem:$0x3FFE];
	[sflag:s23] =	ssyncadd.s32 $0xFFFFFFFF  }
0xa5: {  	s26 =	simm.s32 $execute0_lowered;
	[smem:$0x3FD2] =	sst s25  }
0xa6: {  	s5 =	sshll.u32 s26, $0x1;
	_ =	strace $0x80000046;
	[dreg:$0x1] =	wrdreg $0xFFFFFFFF  }
0xa7: {  	s28 =	simm.s32 $_size_execute0_lowered;
	s3 =	sadd.s32 s3, s5;
	[dreg:$0x0] =	wrdreg $0x0  }
0xa8: {  	s5 =	sshll.u32 s28, $0x1;
	[dreg:$0x2] =	wrdreg s3  }
0xa9: {  	[dreg:$0x3] =	wrdreg s5  }
0xaa: {  	[dreg:$0x4] =	wrdreg $0xC0  }
0xab: {  	_ =	task [dreg:s7], $0x5FFFF  }
0xac: {  	[dreg:$0x1] =	wrdreg $0xFFFFFFFF  }
0xad: {  	[dreg:$0x0] =	wrdreg $0x60  }
0xae: {  	[dreg:$0x2] =	wrdreg s24  }
0xaf: {  	[dreg:$0x3] =	wrdreg s2  }
0xb0: {  	[dreg:$0x4] =	wrdreg $0x9  }
0xb1: {  	_ =	task.clear_ibuf [dreg:s7], $0x5FFFF;
	_ =	strace $0x90000046  }
0xb2: {  	s29 =	simm.s32 $0x9;
	_ =	strace $0x80000048  }
0xb3: {  	_ =	swait.ge [sflag:s29], $0x1  }
0xb4: {  	[sflag:s29] =	ssyncadd.s32 $0xFFFFFFFF  }
0xb5: {  	_ =	strace $0x90000048  }
0xb6: {  	_ =	sfence  }
0xb7: {  	s30 =	sld [smem:$0x0];
	_ =	sdelay $0x2  }
0xb8: {  	s31 =	sshll.u32 s1, $0xD;
	s1 =	sshrl.u32 s1, $0x2  }
0xb9: {  	s3 =	sand.u32 $0x4000, s31;
	s1 =	sadd.s32 s1, s30  }
0xba: {  	s0 =	sor.u32 s3, s0;
	s1 =	sshll.u32 s1, $0x11  }
0xbb: {  	s0 =	sor.u32 s1, s0  }
0xbc: {  	s0 =	sadd.s32 $0x8F2B, s0  }
0xbd: {  	[sflag:s0] =	ssyncadd.remote.s32 $0x1  }
0xbe: {  	_ =	sfence.sel $0xFFFF  }
0xbf: {  	[dreg:$0x0] =	wrdreg $0xFFFFFFFF;
	(pc) =	sbr.abs _section_cstart, $3  }
0xc0: {  	[dreg:$0x1] =	wrdreg $0xFFFFFFFF  }
0xc1: {  	_ =	task.clear_ibuf [dreg:s7], $0x2FFFF;
	_ =	strace $0x9FFFFFFF  }
0xc2: {  	(tm) =	ssettm $0x7FFFFFFF  }
0xc3: {  	_ =	shalt  }
tec
execute0_lowered:
.L_overlay_start_1:
0x0: {  	(tag) =	ssettag $0x1  }
0x1: {  	s8 =	rddreg [dreg:$0x0]  }
0x2: {  	s1 =	rddreg [dreg:$0x1]  }
0x3: {  	s0 =	rddreg [dreg:$0x2];
	s3 =	simm.s32 $0x0;
	s5 =	srdreg.scid  }
0x4: {  	s2 =	stileid.u32;
	s12 =	simm.s32 $0x80;
	s13 =	simm.s32 $0x100  }
0x5: {  	s14 =	simm.s32 $0x4100;
	s15 =	simm.s32 $0x1;
	s16 =	simm.s32 $0x2  }
0x6: {  	s17 =	simm.s32 $0x8100;
	s18 =	simm.s32 $0x0;
	[smem:$0x7FF] =	sst s3  }
0x7: {  	s4 =	sadd.s32 $0xB6000, s8;
	s6 =	sand.u32 $0x1, s5;
	s7 =	sshll.u32 s2, $0x1  }
0x8: {  	s5 =	sadd.s32 $0x67E00, s8;
	_ =	strace $0x80000047;
	s9 =	ssub.s32 $0x2, s6  }
0x9: {  	s6 =	sor.u32 s7, s6;
	s7 =	sadd.s32 $0x54200, s8;
	s10 =	sshrl.u32 s9, $0x1  }
0xa: {  	s8 =	sadd.s32 $0x5E000, s8;
	s11 =	ssub.s32 $0x9E3, s6;
	s10 =	ssub.s32 s9, s10  }
0xb: {  	s9 =	sshrl.u32 s11, $0x5;
	s11 =	simm.s32 $0x3;
	s10 =	smax.u32 s10, $0x1  }
.LBB2_1:
0xc: {  	s19 =	simm.s32 $0x0  }
.LBB2_2:
0xd: {  	s20 =	sshll.u32 s19, $0x5  }
0xe: {  	s20 =	sor.u32 s6, s20  }
0xf: {  	s21 =	sshll.u32 s20, $0x4  }
0x10: {  	s22 =	sand.u32 $0x1FFFFFF0, s21  }
0x11: {  	s21 =	simm.s32 $0x0;
	s23 =	sadd.s32 s7, s22  }
0x12: {  	[tilespmem:s21], [sflag:$0x3] =	stream.linear.gather [hbm4b:s23+s21], $0x80, $0x38;
	[tilespmem:$0x8500] =	vst v63  }
0x13: {  	_ =	swait.ge [sflag:s11], $0x80  }
0x14: {  	[sflag:s11] =	ssyncset.done $0x0  }
0x15: {  	s22 =	sadd.s32 s8, s22;
	[sflag:s11] =	ssyncadd.s32 $0xFFFFFF80  }
0x16: {  	[tilespmem:s12], [sflag:$0x3] =	stream.linear.gather [hbm4b:s22+s21], $0x80, $0x38;
	[tilespmem:$0x8500] =	vst v63  }
0x17: {  	_ =	swait.ge [sflag:s11], $0x80  }
0x18: {  	[sflag:s11] =	ssyncset.done $0x0  }
0x19: {  	[sflag:s11] =	ssyncadd.s32 $0xFFFFFF80  }
0x1a: {  	[tilespmem:s13], [sflag:$0x1] =	stream.indirect.gather [hbm4b:s4+s12], $0x80, s21, s12, $0xb8;
	[tilespmem:$0x8500] =	vst v63  }
0x1b: {  	_ = 	snop  }
0x1c: {  	[tilespmem:s14], [sflag:$0x2] =	stream.indirect.gather [hbm4b:s5+s12], $0x80, s12, s12, $0xb8;
	[tilespmem:$0x8500] =	vst v63  }
0x1d: {  	_ =	swait.ge [sflag:s15], $0x4000  }
0x1e: {  	[sflag:s15] =	ssyncset.done $0x0  }
0x1f: {  	[sflag:s15] =	ssyncadd.s32 $0xFFFFC000  }
0x20: {  	_ =	swait.ge [sflag:s16], $0x4000  }
0x21: {  	s24 =	simm.s32 $0x4500;
	[sflag:s16] =	ssyncset.done $0x0  }
0x22: {  	s23 =	simm.s32 $0x500;
	s22 =	simm.s32 $0x8100;
	[sflag:s16] =	ssyncadd.s32 $0xFFFFC000  }
.LBB2_3:
0x23: {  	v1 =	vmov s24  }
0x24: {  	v2 =	vmov s23;
	_ =	sdelay $0x2  }
0x25: {  	s25 =	simm.s32 $0x0  }
0x26: {  	v0 =	vmov s22;
	s26 =	simm.s32 $0x40;
	v3 =	vld.idx.msk [tilespmem:v1+s25+$0xFFFFFC00 ss:$0x1], $0xffff  }
.LBB2_4:
0x27: {  	p0 =	sne.s32 s26, $0x1C0;
	v4 =	vld.idx.msk [tilespmem:v2+s25+$0xFFFFFC00 ss:$0x1], $0xffff  }
0x28: {  	v5 =	vld.idx.msk [tilespmem:v2+s25+$0xFFFFFC80 ss:$0x1], $0xffff  }
0x29: {  	v6 =	vld.idx.msk [tilespmem:v1+s25+$0xFFFFFC80 ss:$0x1], $0xffff  }
0x2a: {  	v7 =	vld.idx.msk [tilespmem:v2+s25+$0xFFFFFD00 ss:$0x1], $0xffff  }
0x2b: {  	v8 =	vld.idx.msk [tilespmem:v1+s25+$0xFFFFFD00 ss:$0x1], $0xffff  }
0x2c: {  	v9 =	vld.idx.msk [tilespmem:v2+s25+$0xFFFFFD80 ss:$0x1], $0xffff  }
0x2d: {  	v3 =	vadd.f32 v3, v4;
	v4 =	vld.idx.msk [tilespmem:v1+s25+$0xFFFFFD80 ss:$0x1], $0xffff  }
0x2e: {  	v10 =	vld.idx.msk [tilespmem:v2+s25+$0xFFFFFE00 ss:$0x1], $0xffff  }
0x2f: {  	v3 =	vmax.f32 v3, $0.0e+00;
	v5 =	vadd.f32 v6, v5;
	v6 =	vld.idx.msk [tilespmem:v1+s25+$0xFFFFFE00 ss:$0x1], $0xffff  }
0x30: {  	v3 =	vadd.f32 $0.0e+00, v3;
	v11 =	vld.idx.msk [tilespmem:v2+s25+$0xFFFFFE80 ss:$0x1], $0xffff  }
0x31: {  	v5 =	vmax.f32 v5, $0.0e+00;
	v7 =	vadd.f32 v8, v7;
	v8 =	vld.idx.msk [tilespmem:v1+s25+$0xFFFFFE80 ss:$0x1], $0xffff  }
0x32: {  	v3 =	vadd.f32 v5, v3;
	v5 =	vld.idx.msk [tilespmem:v2+s25+$0xFFFFFF00 ss:$0x1], $0xffff  }
0x33: {  	v7 =	vmax.f32 v7, $0.0e+00;
	v4 =	vadd.f32 v4, v9;
	v9 =	vld.idx.msk [tilespmem:v1+s25+$0xFFFFFF00 ss:$0x1], $0xffff  }
0x34: {  	v3 =	vadd.f32 v7, v3;
	v7 =	vld.idx.msk [tilespmem:v2+s25+$0xFFFFFF80 ss:$0x1], $0xffff  }
0x35: {  	v4 =	vmax.f32 v4, $0.0e+00;
	v6 =	vadd.f32 v6, v10;
	v10 =	vld.idx.msk [tilespmem:v1+s25+$0xFFFFFF80 ss:$0x1], $0xffff  }
0x36: {  	v3 =	vadd.f32 v4, v3;
	v4 =	vld.idx.msk [tilespmem:v2+s25+$0x0 ss:$0x1], $0xffff  }
0x37: {  	v6 =	vmax.f32 v6, $0.0e+00;
	v8 =	vadd.f32 v8, v11;
	v11 =	vld.idx.msk [tilespmem:v1+s25+$0x0 ss:$0x1], $0xffff  }
0x38: {  	v3 =	vadd.f32 v6, v3;
	v6 =	vld.idx.msk [tilespmem:v2+s25+$0x80 ss:$0x1], $0xffff  }
0x39: {  	v8 =	vmax.f32 v8, $0.0e+00;
	v5 =	vadd.f32 v9, v5;
	v9 =	vld.idx.msk [tilespmem:v1+s25+$0x80 ss:$0x1], $0xffff  }
0x3a: {  	v3 =	vadd.f32 v8, v3;
	v8 =	vld.idx.msk [tilespmem:v2+s25+$0x100 ss:$0x1], $0xffff  }
0x3b: {  	v5 =	vmax.f32 v5, $0.0e+00;
	v7 =	vadd.f32 v10, v7;
	v10 =	vld.idx.msk [tilespmem:v1+s25+$0x100 ss:$0x1], $0xffff  }
0x3c: {  	v3 =	vadd.f32 v5, v3;
	v5 =	vld.idx.msk [tilespmem:v2+s25+$0x180 ss:$0x1], $0xffff  }
0x3d: {  	v7 =	vmax.f32 v7, $0.0e+00;
	v4 =	vadd.f32 v11, v4;
	v11 =	vld.idx.msk [tilespmem:v1+s25+$0x180 ss:$0x1], $0xffff  }
0x3e: {  	v3 =	vadd.f32 v7, v3;
	v7 =	vld.idx.msk [tilespmem:v2+s25+$0x200 ss:$0x1], $0xffff  }
0x3f: {  	v4 =	vmax.f32 v4, $0.0e+00;
	v6 =	vadd.f32 v9, v6;
	v9 =	vld.idx.msk [tilespmem:v1+s25+$0x200 ss:$0x1], $0xffff  }
0x40: {  	v3 =	vadd.f32 v4, v3;
	v4 =	vld.idx.msk [tilespmem:v2+s25+$0x280 ss:$0x1], $0xffff  }
0x41: {  	v6 =	vmax.f32 v6, $0.0e+00;
	v8 =	vadd.f32 v10, v8;
	v10 =	vld.idx.msk [tilespmem:v1+s25+$0x280 ss:$0x1], $0xffff  }
0x42: {  	v3 =	vadd.f32 v6, v3;
	v6 =	vld.idx.msk [tilespmem:v2+s25+$0x300 ss:$0x1], $0xffff  }
0x43: {  	v8 =	vmax.f32 v8, $0.0e+00;
	v5 =	vadd.f32 v11, v5;
	v11 =	vld.idx.msk [tilespmem:v1+s25+$0x300 ss:$0x1], $0xffff  }
0x44: {  	v3 =	vadd.f32 v8, v3;
	v8 =	vld.idx.msk [tilespmem:v2+s25+$0x380 ss:$0x1], $0xffff  }
0x45: {  	v5 =	vmax.f32 v5, $0.0e+00;
	v7 =	vadd.f32 v9, v7;
	v9 =	vld.idx.msk [tilespmem:v1+s25+$0x380 ss:$0x1], $0xffff  }
0x46: {  	v3 =	vadd.f32 v5, v3  }
0x47: {  	v5 =	vmax.f32 v7, $0.0e+00;
	v4 =	vadd.f32 v10, v4  }
0x48: {  	v3 =	vadd.f32 v5, v3  }
0x49: {  	v4 =	vmax.f32 v4, $0.0e+00;
	v5 =	vadd.f32 v11, v6  }
0x4a: {  	v3 =	vadd.f32 v4, v3  }
0x4b: {  	v4 =	vmax.f32 v5, $0.0e+00;
	v5 =	vadd.f32 v9, v8  }
0x4c: {  	v3 =	vadd.f32 v4, v3  }
.Ltmp0:
0x4d: {  	v4 =	vmax.f32 v5, $0.0e+00;
	(pc) =	sbr.rel @p0 .LBB2_4-.Ltmp0, $3  }
0x4e: {  	v3 =	vadd.f32 v4, v3;
	_ =	sdelay $0x1  }
0x4f: {  	[tilespmem:v0+s25+$0x0 ss:$0x1] =	vst.idx.msk $0xffff, v3;
	s25 =	sshra.s32 s26, $0x2  }
0x50: {  	s26 =	sadd.s32 $0x40, s26;
	v3 =	vld.idx.msk [tilespmem:v1+s25+$0xFFFFFC00 ss:$0x1], $0xffff  }
0x51: {  	_ =	sdelay $0x3  }
0x52: {  	v4 =	vld.idx.msk [tilespmem:v2+s25+$0xFFFFFC00 ss:$0x1], $0xffff  }
0x53: {  	v5 =	vld.idx.msk [tilespmem:v2+s25+$0xFFFFFC80 ss:$0x1], $0xffff  }
0x54: {  	v6 =	vld.idx.msk [tilespmem:v1+s25+$0xFFFFFC80 ss:$0x1], $0xffff  }
0x55: {  	v7 =	vld.idx.msk [tilespmem:v2+s25+$0xFFFFFD00 ss:$0x1], $0xffff  }
0x56: {  	v8 =	vld.idx.msk [tilespmem:v1+s25+$0xFFFFFD00 ss:$0x1], $0xffff  }
0x57: {  	v9 =	vld.idx.msk [tilespmem:v2+s25+$0xFFFFFD80 ss:$0x1], $0xffff;
	v3 =	vadd.f32 v3, v4  }
0x58: {  	v37 =	vld.idx.msk [tilespmem:v1+s25+$0xFFFFFD80 ss:$0x1], $0xffff  }
0x59: {  	v10 =	vld.idx.msk [tilespmem:v2+s25+$0xFFFFFE00 ss:$0x1], $0xffff;
	v5 =	vadd.f32 v6, v5;
	v3 =	vmax.f32 v3, $0.0e+00  }
0x5a: {  	v38 =	vld.idx.msk [tilespmem:v1+s25+$0xFFFFFE00 ss:$0x1], $0xffff;
	v3 =	vadd.f32 $0.0e+00, v3  }
0x5b: {  	v11 =	vld.idx.msk [tilespmem:v2+s25+$0xFFFFFE80 ss:$0x1], $0xffff;
	v7 =	vadd.f32 v8, v7;
	v5 =	vmax.f32 v5, $0.0e+00  }
0x5c: {  	v39 =	vld.idx.msk [tilespmem:v1+s25+$0xFFFFFE80 ss:$0x1], $0xffff;
	v3 =	vadd.f32 v5, v3  }
0x5d: {  	v40 =	vld.idx.msk [tilespmem:v2+s25+$0xFFFFFF00 ss:$0x1], $0xffff;
	v4 =	vadd.f32 v37, v9;
	v7 =	vmax.f32 v7, $0.0e+00  }
0x5e: {  	v41 =	vld.idx.msk [tilespmem:v1+s25+$0xFFFFFF00 ss:$0x1], $0xffff;
	v3 =	vadd.f32 v7, v3  }
0x5f: {  	v42 =	vld.idx.msk [tilespmem:v2+s25+$0xFFFFFF80 ss:$0x1], $0xffff;
	v6 =	vadd.f32 v38, v10;
	v4 =	vmax.f32 v4, $0.0e+00  }
0x60: {  	v43 =	vld.idx.msk [tilespmem:v1+s25+$0xFFFFFF80 ss:$0x1], $0xffff;
	v3 =	vadd.f32 v4, v3  }
0x61: {  	v44 =	vld.idx.msk [tilespmem:v2+s25+$0x0 ss:$0x1], $0xffff;
	v8 =	vadd.f32 v39, v11;
	v6 =	vmax.f32 v6, $0.0e+00  }
0x62: {  	v45 =	vld.idx.msk [tilespmem:v1+s25+$0x0 ss:$0x1], $0xffff;
	v3 =	vadd.f32 v6, v3  }
0x63: {  	v46 =	vld.idx.msk [tilespmem:v2+s25+$0x80 ss:$0x1], $0xffff;
	v8 =	vmax.f32 v8, $0.0e+00;
	v5 =	vadd.f32 v41, v40  }
0x64: {  	v47 =	vld.idx.msk [tilespmem:v1+s25+$0x80 ss:$0x1], $0xffff;
	v3 =	vadd.f32 v8, v3  }
0x65: {  	v48 =	vld.idx.msk [tilespmem:v2+s25+$0x100 ss:$0x1], $0xffff;
	v5 =	vmax.f32 v5, $0.0e+00;
	v7 =	vadd.f32 v43, v42  }
0x66: {  	v49 =	vld.idx.msk [tilespmem:v1+s25+$0x100 ss:$0x1], $0xffff;
	v3 =	vadd.f32 v5, v3  }
0x67: {  	v50 =	vld.idx.msk [tilespmem:v2+s25+$0x180 ss:$0x1], $0xffff;
	v7 =	vmax.f32 v7, $0.0e+00;
	v4 =	vadd.f32 v45, v44  }
0x68: {  	v51 =	vld.idx.msk [tilespmem:v1+s25+$0x180 ss:$0x1], $0xffff;
	v3 =	vadd.f32 v7, v3  }
0x69: {  	v52 =	vld.idx.msk [tilespmem:v2+s25+$0x200 ss:$0x1], $0xffff;
	v4 =	vmax.f32 v4, $0.0e+00;
	v6 =	vadd.f32 v47, v46  }
0x6a: {  	v53 =	vld.idx.msk [tilespmem:v1+s25+$0x200 ss:$0x1], $0xffff;
	v3 =	vadd.f32 v4, v3  }
0x6b: {  	v54 =	vld.idx.msk [tilespmem:v2+s25+$0x280 ss:$0x1], $0xffff;
	v6 =	vmax.f32 v6, $0.0e+00;
	v8 =	vadd.f32 v49, v48  }
0x6c: {  	v55 =	vld.idx.msk [tilespmem:v1+s25+$0x280 ss:$0x1], $0xffff;
	v3 =	vadd.f32 v6, v3  }
0x6d: {  	v56 =	vld.idx.msk [tilespmem:v2+s25+$0x300 ss:$0x1], $0xffff;
	v8 =	vmax.f32 v8, $0.0e+00;
	v5 =	vadd.f32 v51, v50  }
0x6e: {  	v57 =	vld.idx.msk [tilespmem:v1+s25+$0x300 ss:$0x1], $0xffff;
	v3 =	vadd.f32 v8, v3  }
0x6f: {  	v58 =	vld.idx.msk [tilespmem:v2+s25+$0x380 ss:$0x1], $0xffff;
	v5 =	vmax.f32 v5, $0.0e+00;
	v7 =	vadd.f32 v53, v52  }
0x70: {  	v59 =	vld.idx.msk [tilespmem:v1+s25+$0x380 ss:$0x1], $0xffff;
	v3 =	vadd.f32 v5, v3  }
0x71: {  	v60 =	vmax.f32 v7, $0.0e+00;
	v4 =	vadd.f32 v55, v54  }
0x72: {  	v3 =	vadd.f32 v60, v3  }
0x73: {  	v61 =	vadd.f32 v57, v56;
	v4 =	vmax.f32 v4, $0.0e+00  }
0x74: {  	s21 =	sadd.s32 $0x1, s21;
	v3 =	vadd.f32 v4, v3  }
0x75: {  	p0 =	sne.s32 s21, $0x8;
	v1 =	vadd.f32 v59, v58;
	v62 =	vmax.f32 v61, $0.0e+00  }
.Ltmp1:
0x76: {  	v63 =	vadd.f32 v62, v3;
	(pc) =	sbr.rel @p0 .LBB2_3-.Ltmp1, $3  }
0x77: {  	v1 =	vmax.f32 v1, $0.0e+00  }
0x78: {  	v1 =	vadd.f32 v1, v63;
	_ =	sdelay $0x1  }
0x79: {  	s22 =	sadd.s32 $0x80, s22;
	s23 =	sadd.s32 $0x800, s23;
	s24 =	sadd.s32 $0x800, s24;
	[tilespmem:v0+s25+$0x0 ss:$0x1] =	vst.idx.msk $0xffff, v1  }
0x7a: {  	s20 =	sshll.u32 s20, $0x7;
	s19 =	sadd.s32 $0x1, s19  }
0x7b: {  	s20 =	sand.u32 $0x1FFFFF80, s20;
	p0 =	sne.s32 s19, s9  }
.Ltmp2:
0x7c: {  	s20 =	sadd.s32 s1, s20;
	(pc) =	sbr.rel @p0 .LBB2_2-.Ltmp2, $4  }
0x7d: {  	[hbm4b:s20+s3] =	stream.linear.scatter [tilespmem:s17], [sflag:$0x3], $0x400, $0x38;
	[tilespmem:$0x8500] =	vst v63  }
0x7e: {  	_ =	swait.ge [sflag:s11], $0x400  }
0x7f: {  	[sflag:s11] =	ssyncset.done $0x0  }
0x80: {  	[sflag:s11] =	ssyncadd.s32 $0xFFFFFC00  }
0x81: {  	s18 =	sadd.s32 $0x1, s18  }
0x82: {  	p0 =	sne.s32 s18, s10  }
.Ltmp3:
0x83: {  	_ = 	snop;
	(pc) =	sbr.rel @p0 .LBB2_1-.Ltmp3, $1  }
0x84: {  	_ =	sdelay $0x3  }
0x85: {  	_ =	sfence.sel $0x180000  }
0x86: {  	[bflag:$0x0] =	sbarrier.arrive $0xFFFF  }
0x87: {  	p0 =	sne.s32 s2, $0x0;
	_ =	strace $0x90000047  }
0x88: {  	s0 =	sadd.s32 @!p0 $0x100000, s0;
	[bflag:$0x2] =	sbarrier.arrive $0xFFFF  }
0x89: {  	[sflag:s0] =	ssyncadd.tile.s32 @!p0 $0x1;
	_ =	shalt  }
.Lfunc_end2:
_tile_overlayer_lowered:
.L_overlay_start_2:
0x8a: {  	(tag) =	ssettag $0x2  }
0x8b: {  	s0 =	rddreg [dreg:$0x0];
	s2 =	stileid.u32  }
0x8c: {  	s1 =	rddreg [dreg:$0x1];
	p0 =	sne.s32 s2, $0x0  }
0x8d: {  	s3 =	rddreg [dreg:$0x2];
	[bflag:$0x3] =	sbarrier.arrive $0xFFFF;
	s2 =	simm.s32 @!p0 $0x1C03  }
0x8e: {  	[timem:s3], [sflag:s2] =	dma.local @!p0 [hbm:s0], s1  }
0x8f: {  	s0 =	simm.s32 @!p0 $0x3  }
0x90: {  	_ =	swait.ge @!p0 [sflag:s0], s1  }
0x91: {  	s1 =	ssub.s32 @!p0 $0x0, s1;
	[sflag:s0] =	ssyncset.done @!p0 $0x0  }
0x92: {  	[sflag:s0] =	ssyncadd.s32 @!p0 s1  }
0x93: {  	[bflag:$0x3] =	sbarrier.arrive $0xFFFF  }
0x94: {  	_ =	shalt  }

</sc_bundles>
